<compile_context>
chip_gen: v7x
topology: tpu7x:2x2x1
jax: 0.10.2.dev20260603
libtpu: 0.0.44.dev20260713+nightly
codegen_flags: <defaults>
</compile_context>

<pallas_src>
import functools

import jax
import jax.numpy as jnp
from jax import lax
from jax.experimental import pallas as pl
from jax.experimental.pallas import tpu as pltpu
from jax.experimental.pallas import tpu_sc as plsc

N = 250000
D = 128
B = 16384
L = 16
NC = 2
NS = 16
NW = NC * NS

R = 7824
RLAST = N - (NW - 1) * R
WSZ = R + L
CH = 96
NAB = 2
FLAT = R + CH

CC = 48
NCK = R // CC
NCKL = RLAST // CC
CTAIL = RLAST - NCKL * CC
NCB = 6

_mesh = plsc.VectorSubcoreMesh(
    core_axis_name="c", subcore_axis_name="s", num_cores=NC, num_subcores=NS
)


@functools.partial(
    pl.kernel,
    out_type=(
        jax.ShapeDtypeStruct((N, D), jnp.float32),
        jax.ShapeDtypeStruct((N,), jnp.int32),
    ),
    mesh=_mesh,
    compiler_params=pltpu.CompilerParams(needs_layout_passes=False),
    scratch_types=[
        pltpu.VMEM((B,), jnp.int32),
        pltpu.VMEM((WSZ,), jnp.int32),
        pltpu.VMEM((FLAT,), jnp.int32),
        pltpu.VMEM((FLAT,), jnp.int32),
        pltpu.VMEM((CH, D), jnp.float32),
        pltpu.VMEM((CH, D), jnp.float32),
        pltpu.VMEM((CC, D), jnp.float32),
        pltpu.VMEM((CC, D), jnp.float32),
        pltpu.VMEM((CC, D), jnp.float32),
        pltpu.VMEM((CC, D), jnp.float32),
        pltpu.VMEM((CC, D), jnp.float32),
        pltpu.VMEM((CC, D), jnp.float32),
        pltpu.VMEM((R,), jnp.int32),
        pltpu.SemaphoreType.DMA,
        pltpu.SemaphoreType.DMA,
        pltpu.SemaphoreType.DMA,
        pltpu.SemaphoreType.DMA,
        pltpu.SemaphoreType.DMA,
    ],
)
def _sc_update(memh, idxh, bemb, bidxh, omemh, oidxh,
               bidx_v, winner_v, jflat_v, dflat_v, abuf0_v, abuf1_v,
               cbuf0_v, cbuf1_v, cbuf2_v, cbuf3_v, cbuf4_v, cbuf5_v, idxbuf_v,
               isem, cisem, cosem, gsem, ssem):
    wid = lax.axis_index("s") * NC + lax.axis_index("c")
    lo = wid * R
    hi = jnp.minimum(lo + R, N)
    iota = lax.broadcasted_iota(jnp.int32, (L,), 0)
    is_last = wid == NW - 1
    nck = jnp.where(is_last, NCKL, NCK)

    def _src(k):
        return memh.at[pl.ds(lo + k * CC, CC)]

    def _dst(k):
        return omemh.at[pl.ds(lo + k * CC, CC)]

    def _on_cbuf(p, fn):
        @pl.when(p == 0)
        def _a():
            fn(cbuf0_v)
        @pl.when(p == 1)
        def _b():
            fn(cbuf1_v)
        @pl.when(p == 2)
        def _c():
            fn(cbuf2_v)
        @pl.when(p == 3)
        def _d():
            fn(cbuf3_v)
        @pl.when(p == 4)
        def _e():
            fn(cbuf4_v)
        @pl.when(p == 5)
        def _f():
            fn(cbuf5_v)

    def _service(k):
        @pl.when(k < nck)
        def _step():
            @pl.when(k >= 3)
            def _wout():
                _on_cbuf(lax.rem(k - 3, NCB), lambda b: pltpu.make_async_copy(
                    b, _dst(k - 3), cosem).wait())
            @pl.when(k + 3 < nck)
            def _iin():
                _on_cbuf(lax.rem(k + 3, NCB), lambda b: pltpu.async_copy(
                    _src(k + 3), b, cisem))
            _on_cbuf(lax.rem(k, NCB), lambda b: pltpu.make_async_copy(
                _src(k), b, cisem).wait())
            _on_cbuf(lax.rem(k, NCB), lambda b: pltpu.async_copy(
                b, _dst(k), cosem))

    _on_cbuf(0, lambda b: pltpu.async_copy(_src(0), b, cisem))
    _on_cbuf(1, lambda b: pltpu.async_copy(_src(1), b, cisem))
    _on_cbuf(2, lambda b: pltpu.async_copy(_src(2), b, cisem))

    @pl.when(jnp.logical_not(is_last))
    def _stage_full():
        pltpu.async_copy(idxh.at[pl.ds(lo, R)], idxbuf_v, isem)

    @pl.when(is_last)
    def _stage_tail():
        pltpu.async_copy(
            idxh.at[pl.ds(lo, RLAST)], idxbuf_v.at[pl.ds(0, RLAST)], isem)

    pltpu.sync_copy(bidxh, bidx_v)

    neg1 = jnp.full((L,), -1, jnp.int32)
    def _init(i, _):
        winner_v[pl.ds(i * L, L)] = neg1
        return 0
    lax.fori_loop(0, WSZ // L, _init, 0, unroll=8)

    def _scan(g, _):
        d = bidx_v[pl.ds(g * L, L)]
        j = g * L + iota
        inr = (d >= lo) & (d < hi)
        last = plsc.scan_count(d, mask=inr)[1]
        plsc.store_scatter(
            winner_v, [jnp.where(inr, d - lo, R)], j, mask=last
        )
        @pl.when(jnp.bitwise_and(g, 7) == 0)
        def _svc():
            _service(lax.shift_right_logical(g, 3))
        return 0
    lax.fori_loop(0, B // L, _scan, 0)

    def _jlist(ci):
        return jflat_v.at[pl.ds(ci * CH, CH)]

    def _dlist(ci):
        return dflat_v.at[pl.ds(ci * CH, CH)]

    def _on_abuf(p, fn):
        @pl.when(p == 0)
        def _a():
            fn(abuf0_v)
        @pl.when(p != 0)
        def _b():
            fn(abuf1_v)

    def _compact(g, carry):
        cnt, bestv, fired, sfired = carry
        w = winner_v[pl.ds(g * L, L)]
        m = w >= 0
        dst = lo + g * L + iota
        plsc.store_compressed(jflat_v.at[pl.ds(cnt, L)], w, mask=m)
        plsc.store_compressed(dflat_v.at[pl.ds(cnt, L)], dst, mask=m)
        popc = plsc.all_reduce_population_count(m)
        npop = popc if popc.ndim == 0 else lax.squeeze(
            lax.slice(popc, (0,), (1,)), (0,))
        ncnt = cnt + npop
        can_fire = ((fired + 1) * CH <= ncnt) & (fired < sfired + NAB)
        @pl.when(can_fire)
        def _fire():
            @pl.when(fired >= NAB)
            def _freebuf():
                _on_abuf(lax.rem(fired, NAB), lambda b: pltpu.make_async_copy(
                    b, omemh.at[_dlist(fired - NAB)], ssem).wait())
            _on_abuf(lax.rem(fired, NAB), lambda b: pltpu.async_copy(
                bemb.at[jflat_v.at[pl.ds(fired * CH, CH)]], b, gsem))
        fired2 = fired + can_fire.astype(jnp.int32)
        can_sc = (sfired + 2 <= fired2) & (g < 455)
        @pl.when(can_sc)
        def _scat():
            _on_abuf(lax.rem(sfired, NAB), lambda b: pltpu.make_async_copy(
                bemb.at[jflat_v.at[pl.ds(sfired * CH, CH)]], b, gsem).wait())
            _on_abuf(lax.rem(sfired, NAB), lambda b: pltpu.async_copy(
                b, omemh.at[_dlist(sfired)], ssem))
        @pl.when(jnp.bitwise_and(g, 7) == 0)
        def _svc():
            _service(B // L // 8 + lax.shift_right_logical(g, 3))
        enc = jnp.where(m, (g * L + iota) * B + w, -1)
        return (ncnt, jnp.maximum(bestv, enc), fired2,
                sfired + can_sc.astype(jnp.int32))
    cnt, bestv, nfired, nsfired = lax.fori_loop(
        0, R // L, _compact, (0, jnp.full((L,), -1, jnp.int32), 0, 0)
    )
    best = jnp.max(bestv)

    _NSVC = B // L // 8 + R // L // 8 + 1
    def _rest(k, _):
        _service(_NSVC + k)
        return 0
    lax.fori_loop(0, jnp.maximum(nck - _NSVC, 0), _rest, 0)
    _service(_NSVC - 1)

    def _cdrain(t, _):
        k = nck - 3 + t
        @pl.when(k >= 0)
        def _w():
            _on_cbuf(lax.rem(k, NCB), lambda b: pltpu.make_async_copy(
                b, _dst(k), cosem).wait())
        return 0
    lax.fori_loop(0, 3, _cdrain, 0)

    @pl.when(is_last)
    def _copy_tail():
        pltpu.sync_copy(
            memh.at[pl.ds(lo + NCKL * CC, CTAIL)], cbuf0_v.at[pl.ds(0, CTAIL)])
        pltpu.sync_copy(
            cbuf0_v.at[pl.ds(0, CTAIL)], omemh.at[pl.ds(lo + NCKL * CC, CTAIL)])

    @pl.when(jnp.logical_not(is_last))
    def _wait_full():
        pltpu.make_async_copy(idxh.at[pl.ds(lo, R)], idxbuf_v, isem).wait()

    @pl.when(is_last)
    def _wait_tail():
        pltpu.make_async_copy(
            idxh.at[pl.ds(lo, RLAST)], idxbuf_v.at[pl.ds(0, RLAST)], isem
        ).wait()

    @pl.when(cnt > 0)
    def _move():
        pad_j = jnp.full((L,), best & (B - 1), jnp.int32)
        pad_d = jnp.full((L,), lo + lax.shift_right_logical(best, 14), jnp.int32)
        def _pad(t, _):
            jflat_v[pl.ds(cnt + t * L, L)] = pad_j
            dflat_v[pl.ds(cnt + t * L, L)] = pad_d
            return 0
        lax.fori_loop(0, CH // L, _pad, 0, unroll=4)

        def _iwrite(g, _):
            v = dflat_v[pl.ds(g * L, L)]
            plsc.store_scatter(idxbuf_v, [v - lo], v)
            return 0
        lax.fori_loop(0, (cnt + L - 1) // L, _iwrite, 0)

        @pl.when(jnp.logical_not(is_last))
        def _enq_full():
            pltpu.async_copy(idxbuf_v, oidxh.at[pl.ds(lo, R)], isem)

        @pl.when(is_last)
        def _enq_tail():
            pltpu.async_copy(
                idxbuf_v.at[pl.ds(0, RLAST)], oidxh.at[pl.ds(lo, RLAST)], isem)

        nch = (cnt + CH - 1) // CH

        @pl.when(nfired == 0)
        def _fire0():
            pltpu.async_copy(bemb.at[_jlist(0)], abuf0_v, gsem)

        def _chunk(ci, _):
            p = lax.rem(ci, NAB)
            _on_abuf(p, lambda b: pltpu.make_async_copy(
                bemb.at[_jlist(ci)], b, gsem).wait())

            @pl.when(ci + 1 < nch)
            def _next():
                q = lax.rem(ci + 1, NAB)
                @pl.when(ci + 1 >= jnp.maximum(nfired, 1))
                def _fire():
                    @pl.when(ci + 1 >= NAB)
                    def _free():
                        _on_abuf(q, lambda b: pltpu.make_async_copy(
                            b, omemh.at[_dlist(ci + 1 - NAB)], ssem).wait())
                    _on_abuf(q, lambda b: pltpu.async_copy(
                        bemb.at[_jlist(ci + 1)], b, gsem))

            _on_abuf(p, lambda b: pltpu.async_copy(
                b, omemh.at[_dlist(ci)], ssem))
            return 0
        lax.fori_loop(nsfired, nch, _chunk, 0)

        def _drain(k, _):
            ci = jnp.maximum(nch - NAB, 0) + k
            @pl.when(ci < nch)
            def _w():
                _on_abuf(lax.rem(ci, NAB), lambda b: pltpu.make_async_copy(
                    b, omemh.at[_dlist(ci)], ssem).wait())
            return 0
        lax.fori_loop(0, jnp.minimum(nch, NAB), _drain, 0)

    @pl.when(cnt == 0)
    def _enq_empty():
        @pl.when(jnp.logical_not(is_last))
        def _e_full():
            pltpu.async_copy(idxbuf_v, oidxh.at[pl.ds(lo, R)], isem)

        @pl.when(is_last)
        def _e_tail():
            pltpu.async_copy(
                idxbuf_v.at[pl.ds(0, RLAST)], oidxh.at[pl.ds(lo, RLAST)], isem)

    @pl.when(jnp.logical_not(is_last))
    def _flush_full():
        pltpu.make_async_copy(idxbuf_v, oidxh.at[pl.ds(lo, R)], isem).wait()

    @pl.when(is_last)
    def _flush_tail():
        pltpu.make_async_copy(
            idxbuf_v.at[pl.ds(0, RLAST)], oidxh.at[pl.ds(lo, RLAST)], isem
        ).wait()


def kernel(local_memory_embeddings, local_memory_index, batch_embeddings, batch_indexes):
    return _sc_update(
        local_memory_embeddings, local_memory_index,
        batch_embeddings, batch_indexes,
    )

# --- scband reference (transcript-rebuilt; emitter-appended) ---
"""Pipeline reference for scband-prototype-memory-10144712753746 (READ-ONLY COPY).

The authoritative reference and input builder live on the scoring server;
editing this copy changes nothing except your own understanding.
"""

import jax, jax.numpy as jnp
import numpy as np

DATASET_SIZE = 250000
FEAT_DIM = 128
BATCH = 16384

def setup_inputs(seed: int = 0) -> dict:
    key = jax.random.key(seed)
    k1, k2 = jax.random.split(key)
    batch_embeddings = jax.random.normal(k1, (BATCH, FEAT_DIM), dtype=jnp.float32)
    batch_indexes = jax.random.randint(k2, (BATCH,), 0, DATASET_SIZE, dtype=jnp.int32)
    # module state buffers (initialized to zeros in __init__)
    local_memory_embeddings = jnp.zeros((DATASET_SIZE, FEAT_DIM), dtype=jnp.float32)
    local_memory_index = jnp.zeros((DATASET_SIZE,), dtype=jnp.int32)
    return {
        'local_memory_embeddings': local_memory_embeddings,
        'local_memory_index': local_memory_index,
        'batch_embeddings': batch_embeddings,
        'batch_indexes': batch_indexes,
    }

def reference(local_memory_embeddings, local_memory_index, batch_embeddings, batch_indexes):
    # Faithful translation of PrototypeMemory.update_memory:
    #   self.local_memory_embeddings[batch_indexes] = batch_embeddings
    #   self.local_memory_index[batch_indexes] = batch_indexes
    new_mem = local_memory_embeddings.at[batch_indexes].set(batch_embeddings)
    new_idx = local_memory_index.at[batch_indexes].set(batch_indexes.astype(local_memory_index.dtype))
    return new_mem, new_idx

if __name__ == "__main__":
    import jax
    _d = setup_inputs()
    print(jax.jit(kernel)(*tuple(_d.values())))

</pallas_src>

<mosaic_0001>
#map = affine_map<(d0, d1) -> (0, 0)>
#map1 = affine_map<(d0, d1) -> (0)>
module attributes {stable_mosaic.version = 14 : i64} {
  func.func @_sc_update(%arg0: i32, %arg1: i32, %arg2: memref<250000x128xf32, #tpu.memory_space<hbm>>, %arg3: memref<250000xi32, #tpu.memory_space<hbm>>, %arg4: memref<16384x128xf32, #tpu.memory_space<hbm>>, %arg5: memref<16384xi32, #tpu.memory_space<hbm>>, %arg6: memref<250000x128xf32, #tpu.memory_space<hbm>>, %arg7: memref<250000xi32, #tpu.memory_space<hbm>>, %arg8: memref<16384xi32, #tpu.memory_space<vmem>>, %arg9: memref<7840xi32, #tpu.memory_space<vmem>>, %arg10: memref<7920xi32, #tpu.memory_space<vmem>>, %arg11: memref<7920xi32, #tpu.memory_space<vmem>>, %arg12: memref<96x128xf32, #tpu.memory_space<vmem>>, %arg13: memref<96x128xf32, #tpu.memory_space<vmem>>, %arg14: memref<48x128xf32, #tpu.memory_space<vmem>>, %arg15: memref<48x128xf32, #tpu.memory_space<vmem>>, %arg16: memref<48x128xf32, #tpu.memory_space<vmem>>, %arg17: memref<48x128xf32, #tpu.memory_space<vmem>>, %arg18: memref<48x128xf32, #tpu.memory_space<vmem>>, %arg19: memref<48x128xf32, #tpu.memory_space<vmem>>, %arg20: memref<7824xi32, #tpu.memory_space<vmem>>, %arg21: memref<!tpu.dma_semaphore, #tpu.memory_space<semaphore_mem>>, %arg22: memref<!tpu.dma_semaphore, #tpu.memory_space<semaphore_mem>>, %arg23: memref<!tpu.dma_semaphore, #tpu.memory_space<semaphore_mem>>, %arg24: memref<!tpu.dma_semaphore, #tpu.memory_space<semaphore_mem>>, %arg25: memref<!tpu.dma_semaphore, #tpu.memory_space<semaphore_mem>>) attributes {dimension_semantics = [#tpu.dimension_semantics<core_parallel>, #tpu.dimension_semantics<subcore_parallel>], iteration_bounds = array<i64: 2, 16>, scalar_prefetch = 0 : i64, scratch_operands = 18 : i64, tpu.core_type = #tpu.core_type<sc_vector_subcore>, window_params = [{transform_indices = #map}, {transform_indices = #map1}, {transform_indices = #map}, {transform_indices = #map1}, {transform_indices = #map}, {transform_indices = #map1}]} {
    %mul3A = arith.constant 2 : i32
    %mul3A_0 = arith.muli %arg1, %mul3A : i32
    %add3A = arith.addi %mul3A_0, %arg0 : i32
    %mul3A_1 = arith.constant 7824 : i32
    %mul3A_2 = arith.muli %add3A, %mul3A_1 : i32
    %add3A_3 = arith.constant 7824 : i32
    %add3A_4 = arith.addi %mul3A_2, %add3A_3 : i32
    %min3A = arith.constant 250000 : i32
    %min3A_5 = arith.minsi %add3A_4, %min3A : i32
    %iota3A = tpu.iota {dimensions = array<i32: 0>} : vector<16xi32>
    %eq3A = arith.constant 31 : i32
    %eq3A_6 = arith.cmpi eq, %add3A, %eq3A : i32
    %jit3A = arith.constant 155 : i32
    %jit3A_7 = arith.constant 163 : i32
    %select_n3A = arith.select %eq3A_6, %jit3A, %jit3A_7 : i32
    %add3A_8 = arith.constant 0 : i32
    %add3A_9 = arith.addi %mul3A_2, %add3A_8 : i32
    %dma_start3A = arith.constant 0 : i32
    %dma_start3A_10 = tpu.memref_slice %arg2[%add3A_9, %dma_start3A] : memref<250000x128xf32, #tpu.memory_space<hbm>> -> memref<48x128xf32, #tpu.memory_space<hbm>>
    %dma_start3A_11 = arith.constant 0 : i32
    %dma_start3A_12 = tpu.memref_slice %arg2[%add3A_9, %dma_start3A_11] : memref<250000x128xf32, #tpu.memory_space<hbm>> -> memref<48x128xf32, #tpu.memory_space<hbm>>
    tpu.enqueue_dma source(%dma_start3A_12 : memref<48x128xf32, #tpu.memory_space<hbm>>) target(%arg14 : memref<48x128xf32, #tpu.memory_space<vmem>>) target_semaphore(%arg22 : memref<!tpu.dma_semaphore, #tpu.memory_space<semaphore_mem>>)
    %add3A_13 = arith.constant 48 : i32
    %add3A_14 = arith.addi %mul3A_2, %add3A_13 : i32
    %dma_start3A_15 = arith.constant 0 : i32
    %dma_start3A_16 = tpu.memref_slice %arg2[%add3A_14, %dma_start3A_15] : memref<250000x128xf32, #tpu.memory_space<hbm>> -> memref<48x128xf32, #tpu.memory_space<hbm>>
    %dma_start3A_17 = arith.constant 0 : i32
    %dma_start3A_18 = tpu.memref_slice %arg2[%add3A_14, %dma_start3A_17] : memref<250000x128xf32, #tpu.memory_space<hbm>> -> memref<48x128xf32, #tpu.memory_space<hbm>>
    tpu.enqueue_dma source(%dma_start3A_18 : memref<48x128xf32, #tpu.memory_space<hbm>>) target(%arg15 : memref<48x128xf32, #tpu.memory_space<vmem>>) target_semaphore(%arg22 : memref<!tpu.dma_semaphore, #tpu.memory_space<semaphore_mem>>)
    %add3A_19 = arith.constant 96 : i32
    %add3A_20 = arith.addi %mul3A_2, %add3A_19 : i32
    %dma_start3A_21 = arith.constant 0 : i32
    %dma_start3A_22 = tpu.memref_slice %arg2[%add3A_20, %dma_start3A_21] : memref<250000x128xf32, #tpu.memory_space<hbm>> -> memref<48x128xf32, #tpu.memory_space<hbm>>
    %dma_start3A_23 = arith.constant 0 : i32
    %dma_start3A_24 = tpu.memref_slice %arg2[%add3A_20, %dma_start3A_23] : memref<250000x128xf32, #tpu.memory_space<hbm>> -> memref<48x128xf32, #tpu.memory_space<hbm>>
    tpu.enqueue_dma source(%dma_start3A_24 : memref<48x128xf32, #tpu.memory_space<hbm>>) target(%arg16 : memref<48x128xf32, #tpu.memory_space<vmem>>) target_semaphore(%arg22 : memref<!tpu.dma_semaphore, #tpu.memory_space<semaphore_mem>>)
    %not3A = arith.constant true
    %not3A_25 = arith.xori %eq3A_6, %not3A : i1
    %convert_element_type3A = arith.extui %not3A_25 : i1 to i32
    %cond3A = arith.constant 0 : i32
    %cond3A_26 = arith.cmpi ne, %convert_element_type3A, %cond3A : i32
    scf.if %cond3A_26 {
      %dma_start3A_128 = tpu.memref_slice %arg3[%mul3A_2] : memref<250000xi32, #tpu.memory_space<hbm>> -> memref<7824xi32, #tpu.memory_space<hbm>>
      %dma_start3A_129 = tpu.memref_slice %arg3[%mul3A_2] : memref<250000xi32, #tpu.memory_space<hbm>> -> memref<7824xi32, #tpu.memory_space<hbm>>
      tpu.enqueue_dma source(%dma_start3A_129 : memref<7824xi32, #tpu.memory_space<hbm>>) target(%arg20 : memref<7824xi32, #tpu.memory_space<vmem>>) target_semaphore(%arg21 : memref<!tpu.dma_semaphore, #tpu.memory_space<semaphore_mem>>)
    } else {
    }
    %convert_element_type3A_27 = arith.extui %eq3A_6 : i1 to i32
    %cond3A_28 = arith.constant 0 : i32
    %cond3A_29 = arith.cmpi ne, %convert_element_type3A_27, %cond3A_28 : i32
    scf.if %cond3A_29 {
      %dma_start3A_128 = arith.constant 0 : i32
      %dma_start3A_129 = tpu.memref_slice %arg20[%dma_start3A_128] : memref<7824xi32, #tpu.memory_space<vmem>> -> memref<7456xi32, #tpu.memory_space<vmem>>
      %dma_start3A_130 = tpu.memref_slice %arg3[%mul3A_2] : memref<250000xi32, #tpu.memory_space<hbm>> -> memref<7456xi32, #tpu.memory_space<hbm>>
      %dma_start3A_131 = arith.constant 0 : i32
      %dma_start3A_132 = tpu.memref_slice %arg20[%dma_start3A_131] : memref<7824xi32, #tpu.memory_space<vmem>> -> memref<7456xi32, #tpu.memory_space<vmem>>
      %dma_start3A_133 = tpu.memref_slice %arg3[%mul3A_2] : memref<250000xi32, #tpu.memory_space<hbm>> -> memref<7456xi32, #tpu.memory_space<hbm>>
      tpu.enqueue_dma source(%dma_start3A_133 : memref<7456xi32, #tpu.memory_space<hbm>>) target(%dma_start3A_132 : memref<7456xi32, #tpu.memory_space<vmem>>) target_semaphore(%arg21 : memref<!tpu.dma_semaphore, #tpu.memory_space<semaphore_mem>>)
    } else {
    }
    "tpu.region"() ({
      %run_scoped3A = tpu.sem_alloc : memref<!tpu.dma_semaphore, #tpu.memory_space<semaphore_mem>>
      tpu.enqueue_dma source(%arg5 : memref<16384xi32, #tpu.memory_space<hbm>>) target(%arg8 : memref<16384xi32, #tpu.memory_space<vmem>>) target_semaphore(%run_scoped3A : memref<!tpu.dma_semaphore, #tpu.memory_space<semaphore_mem>>)
      tpu.wait_dma2 semaphore(%run_scoped3A : memref<!tpu.dma_semaphore, #tpu.memory_space<semaphore_mem>>) src(%arg5 : memref<16384xi32, #tpu.memory_space<hbm>>) dst(%arg8 : memref<16384xi32, #tpu.memory_space<vmem>>)
      tpu.yield
    }) : () -> ()
    %broadcast_in_dim3A = arith.constant -1 : i32
    %broadcast_in_dim3A_30 = vector.broadcast %broadcast_in_dim3A : i32 to vector<16xi32>
    %scan3A = arith.constant 0 : i32
    %scan3A_31 = arith.constant 0 : i32
    %scan3A_32 = arith.constant 488 : i32
    %scan3A_33 = arith.addi %scan3A_31, %scan3A_32 : i32
    %scan3A_34 = arith.constant 8 : i32
    %scan3A_35 = scf.for %scan3A_128 = %scan3A_31 to %scan3A_33 step %scan3A_34 iter_args(%scan3A_129 = %scan3A) -> (i32)  : i32 {
      %mul3A_130 = arith.constant 16 : i32
      %mul3A_131 = arith.muli %scan3A_128, %mul3A_130 : i32
      %swap3A_132 = arith.index_cast %mul3A_131 : i32 to index
      %swap3A_133 = tpu.vector_load %arg9[%swap3A_132] {strides = array<i32>} : memref<7840xi32, #tpu.memory_space<vmem>>, vector<16xi32>,
      tpu.vector_store %arg9[%swap3A_132], %broadcast_in_dim3A_30 {strides = array<i32>} : memref<7840xi32, #tpu.memory_space<vmem>>, vector<16xi32>,
      %scan3A_134 = arith.constant 0 : i32
      %scan3A_135 = arith.constant 1 : i32
      %scan3A_136 = arith.addi %scan3A_128, %scan3A_135 : i32
      %mul3A_137 = arith.constant 16 : i32
      %mul3A_138 = arith.muli %scan3A_136, %mul3A_137 : i32
      %swap3A_139 = arith.index_cast %mul3A_138 : i32 to index
      %swap3A_140 = tpu.vector_load %arg9[%swap3A_139] {strides = array<i32>} : memref<7840xi32, #tpu.memory_space<vmem>>, vector<16xi32>,
      tpu.vector_store %arg9[%swap3A_139], %broadcast_in_dim3A_30 {strides = array<i32>} : memref<7840xi32, #tpu.memory_space<vmem>>, vector<16xi32>,
      %scan3A_141 = arith.constant 0 : i32
      %scan3A_142 = arith.constant 2 : i32
      %scan3A_143 = arith.addi %scan3A_128, %scan3A_142 : i32
      %mul3A_144 = arith.constant 16 : i32
      %mul3A_145 = arith.muli %scan3A_143, %mul3A_144 : i32
      %swap3A_146 = arith.index_cast %mul3A_145 : i32 to index
      %swap3A_147 = tpu.vector_load %arg9[%swap3A_146] {strides = array<i32>} : memref<7840xi32, #tpu.memory_space<vmem>>, vector<16xi32>,
      tpu.vector_store %arg9[%swap3A_146], %broadcast_in_dim3A_30 {strides = array<i32>} : memref<7840xi32, #tpu.memory_space<vmem>>, vector<16xi32>,
      %scan3A_148 = arith.constant 0 : i32
      %scan3A_149 = arith.constant 3 : i32
      %scan3A_150 = arith.addi %scan3A_128, %scan3A_149 : i32
      %mul3A_151 = arith.constant 16 : i32
      %mul3A_152 = arith.muli %scan3A_150, %mul3A_151 : i32
      %swap3A_153 = arith.index_cast %mul3A_152 : i32 to index
      %swap3A_154 = tpu.vector_load %arg9[%swap3A_153] {strides = array<i32>} : memref<7840xi32, #tpu.memory_space<vmem>>, vector<16xi32>,
      tpu.vector_store %arg9[%swap3A_153], %broadcast_in_dim3A_30 {strides = array<i32>} : memref<7840xi32, #tpu.memory_space<vmem>>, vector<16xi32>,
      %scan3A_155 = arith.constant 0 : i32
      %scan3A_156 = arith.constant 4 : i32
      %scan3A_157 = arith.addi %scan3A_128, %scan3A_156 : i32
      %mul3A_158 = arith.constant 16 : i32
      %mul3A_159 = arith.muli %scan3A_157, %mul3A_158 : i32
      %swap3A_160 = arith.index_cast %mul3A_159 : i32 to index
      %swap3A_161 = tpu.vector_load %arg9[%swap3A_160] {strides = array<i32>} : memref<7840xi32, #tpu.memory_space<vmem>>, vector<16xi32>,
      tpu.vector_store %arg9[%swap3A_160], %broadcast_in_dim3A_30 {strides = array<i32>} : memref<7840xi32, #tpu.memory_space<vmem>>, vector<16xi32>,
      %scan3A_162 = arith.constant 0 : i32
      %scan3A_163 = arith.constant 5 : i32
      %scan3A_164 = arith.addi %scan3A_128, %scan3A_163 : i32
      %mul3A_165 = arith.constant 16 : i32
      %mul3A_166 = arith.muli %scan3A_164, %mul3A_165 : i32
      %swap3A_167 = arith.index_cast %mul3A_166 : i32 to index
      %swap3A_168 = tpu.vector_load %arg9[%swap3A_167] {strides = array<i32>} : memref<7840xi32, #tpu.memory_space<vmem>>, vector<16xi32>,
      tpu.vector_store %arg9[%swap3A_167], %broadcast_in_dim3A_30 {strides = array<i32>} : memref<7840xi32, #tpu.memory_space<vmem>>, vector<16xi32>,
      %scan3A_169 = arith.constant 0 : i32
      %scan3A_170 = arith.constant 6 : i32
      %scan3A_171 = arith.addi %scan3A_128, %scan3A_170 : i32
      %mul3A_172 = arith.constant 16 : i32
      %mul3A_173 = arith.muli %scan3A_171, %mul3A_172 : i32
      %swap3A_174 = arith.index_cast %mul3A_173 : i32 to index
      %swap3A_175 = tpu.vector_load %arg9[%swap3A_174] {strides = array<i32>} : memref<7840xi32, #tpu.memory_space<vmem>>, vector<16xi32>,
      tpu.vector_store %arg9[%swap3A_174], %broadcast_in_dim3A_30 {strides = array<i32>} : memref<7840xi32, #tpu.memory_space<vmem>>, vector<16xi32>,
      %scan3A_176 = arith.constant 0 : i32
      %scan3A_177 = arith.constant 7 : i32
      %scan3A_178 = arith.addi %scan3A_128, %scan3A_177 : i32
      %mul3A_179 = arith.constant 16 : i32
      %mul3A_180 = arith.muli %scan3A_178, %mul3A_179 : i32
      %swap3A_181 = arith.index_cast %mul3A_180 : i32 to index
      %swap3A_182 = tpu.vector_load %arg9[%swap3A_181] {strides = array<i32>} : memref<7840xi32, #tpu.memory_space<vmem>>, vector<16xi32>,
      tpu.vector_store %arg9[%swap3A_181], %broadcast_in_dim3A_30 {strides = array<i32>} : memref<7840xi32, #tpu.memory_space<vmem>>, vector<16xi32>,
      %scan3A_183 = arith.constant 0 : i32
      scf.yield %scan3A_183 : i32
    }
    %scan3A_36 = arith.constant 488 : i32
    %scan3A_37 = arith.addi %scan3A_31, %scan3A_36 : i32
    %mul3A_38 = arith.constant 16 : i32
    %mul3A_39 = arith.muli %scan3A_37, %mul3A_38 : i32
    %swap3A = arith.index_cast %mul3A_39 : i32 to index
    %swap3A_40 = tpu.vector_load %arg9[%swap3A] {strides = array<i32>} : memref<7840xi32, #tpu.memory_space<vmem>>, vector<16xi32>,
    tpu.vector_store %arg9[%swap3A], %broadcast_in_dim3A_30 {strides = array<i32>} : memref<7840xi32, #tpu.memory_space<vmem>>, vector<16xi32>,
    %scan3A_41 = arith.constant 0 : i32
    %scan3A_42 = arith.constant 489 : i32
    %scan3A_43 = arith.addi %scan3A_31, %scan3A_42 : i32
    %mul3A_44 = arith.constant 16 : i32
    %mul3A_45 = arith.muli %scan3A_43, %mul3A_44 : i32
    %swap3A_46 = arith.index_cast %mul3A_45 : i32 to index
    %swap3A_47 = tpu.vector_load %arg9[%swap3A_46] {strides = array<i32>} : memref<7840xi32, #tpu.memory_space<vmem>>, vector<16xi32>,
    tpu.vector_store %arg9[%swap3A_46], %broadcast_in_dim3A_30 {strides = array<i32>} : memref<7840xi32, #tpu.memory_space<vmem>>, vector<16xi32>,
    %scan3A_48 = arith.constant 0 : i32
    %scan3A_49 = arith.constant 490 : i32
    %scan3A_50 = arith.constant 0 : i32
    %scan3A_51 = arith.constant 0 : i32
    %scan3A_52 = arith.constant 1024 : i32
    %scan3A_53 = arith.addi %scan3A_51, %scan3A_52 : i32
    %scan3A_54 = arith.constant 1 : i32
    %scan3A_55 = scf.for %scan3A_128 = %scan3A_51 to %scan3A_53 step %scan3A_54 iter_args(%scan3A_129 = %scan3A_50) -> (i32)  : i32 {
      %mul3A_130 = arith.constant 16 : i32
      %mul3A_131 = arith.muli %scan3A_128, %mul3A_130 : i32
      %get3A = arith.index_cast %mul3A_131 : i32 to index
      %get3A_132 = tpu.vector_load %arg8[%get3A] {strides = array<i32>} : memref<16384xi32, #tpu.memory_space<vmem>>, vector<16xi32>,
      %mul3A_133 = arith.constant 16 : i32
      %mul3A_134 = arith.muli %scan3A_128, %mul3A_133 : i32
      %add3A_135 = vector.broadcast %mul3A_134 : i32 to vector<16xi32>
      %add3A_136 = arith.addi %add3A_135, %iota3A : vector<16xi32>
      %ge3A = vector.broadcast %mul3A_2 : i32 to vector<16xi32>
      %ge3A_137 = arith.cmpi sge, %get3A_132, %ge3A : vector<16xi32>
      %lt3A = vector.broadcast %min3A_5 : i32 to vector<16xi32>
      %lt3A_138 = arith.cmpi slt, %get3A_132, %lt3A : vector<16xi32>
      %and3A = arith.andi %ge3A_137, %lt3A_138 : vector<16xi1>
      %unique3A, %unique3A_139 = tpu.scan_count mask(%and3A : vector<16xi1>) value(%get3A_132 : vector<16xi32>) : vector<16xi1>, vector<16xi32>
      %sub3A_140 = vector.broadcast %mul3A_2 : i32 to vector<16xi32>
      %sub3A_141 = arith.subi %get3A_132, %sub3A_140 : vector<16xi32>
      %jit3A_142 = arith.constant 7824 : i32
      %broadcast_in_dim3A_143 = vector.broadcast %jit3A_142 : i32 to vector<16xi32>
      %select_n3A_144 = arith.select %and3A, %sub3A_141, %broadcast_in_dim3A_143 : vector<16xi1>, vector<16xi32>
      tpu.vector_store_idx %arg9[%select_n3A_144], %add3A_136 masked %unique3A : memref<7840xi32, #tpu.memory_space<vmem>>[vector<16xi32>], vector<16xi32>, vector<16xi1>
      %and3A_145 = arith.constant 7 : i32
      %and3A_146 = arith.andi %scan3A_128, %and3A_145 : i32
      %eq3A_147 = arith.constant 0 : i32
      %eq3A_148 = arith.cmpi eq, %and3A_146, %eq3A_147 : i32
      %convert_element_type3A_149 = arith.extui %eq3A_148 : i1 to i32
      %cond3A_150 = arith.constant 0 : i32
      %cond3A_151 = arith.cmpi ne, %convert_element_type3A_149, %cond3A_150 : i32
      scf.if %cond3A_151 {
        %shift_right_logical3A = arith.constant 3 : i32
        %shift_right_logical3A_153 = arith.shrui %scan3A_128, %shift_right_logical3A : i32
        %lt3A_154 = arith.cmpi slt, %shift_right_logical3A_153, %select_n3A : i32
        %convert_element_type3A_155 = arith.extui %lt3A_154 : i1 to i32
        %cond3A_156 = arith.constant 0 : i32
        %cond3A_157 = arith.cmpi ne, %convert_element_type3A_155, %cond3A_156 : i32
        scf.if %cond3A_157 {
          %ge3A_158 = arith.constant 3 : i32
          %ge3A_159 = arith.cmpi sge, %shift_right_logical3A_153, %ge3A_158 : i32
          %convert_element_type3A_160 = arith.extui %ge3A_159 : i1 to i32
          %cond3A_161 = arith.constant 0 : i32
          %cond3A_162 = arith.cmpi ne, %convert_element_type3A_160, %cond3A_161 : i32
          scf.if %cond3A_162 {
            %sub3A_232 = arith.constant 3 : i32
            %sub3A_233 = arith.subi %shift_right_logical3A_153, %sub3A_232 : i32
            %rem3A_234 = arith.constant 6 : i32
            %rem3A_235 = arith.remsi %sub3A_233, %rem3A_234 : i32
            %eq3A_236 = arith.constant 0 : i32
            %eq3A_237 = arith.cmpi eq, %rem3A_235, %eq3A_236 : i32
            %convert_element_type3A_238 = arith.extui %eq3A_237 : i1 to i32
            %cond3A_239 = arith.constant 0 : i32
            %cond3A_240 = arith.cmpi ne, %convert_element_type3A_238, %cond3A_239 : i32
            scf.if %cond3A_240 {
              %sub3A_266 = arith.constant 3 : i32
              %sub3A_267 = arith.subi %shift_right_logical3A_153, %sub3A_266 : i32
              %mul3A_268 = arith.constant 48 : i32
              %mul3A_269 = arith.muli %sub3A_267, %mul3A_268 : i32
              %add3A_270 = arith.addi %mul3A_2, %mul3A_269 : i32
              %dma_wait3A = arith.constant 0 : i32
              %dma_wait3A_271 = tpu.memref_slice %arg6[%add3A_270, %dma_wait3A] : memref<250000x128xf32, #tpu.memory_space<hbm>> -> memref<48x128xf32, #tpu.memory_space<hbm>>
              %dma_wait3A_272 = arith.constant 0 : i32
              %dma_wait3A_273 = tpu.memref_slice %arg6[%add3A_270, %dma_wait3A_272] : memref<250000x128xf32, #tpu.memory_space<hbm>> -> memref<48x128xf32, #tpu.memory_space<hbm>>
              tpu.wait_dma2 semaphore(%arg23 : memref<!tpu.dma_semaphore, #tpu.memory_space<semaphore_mem>>) src(%arg14 : memref<48x128xf32, #tpu.memory_space<vmem>>) dst(%dma_wait3A_273 : memref<48x128xf32, #tpu.memory_space<hbm>>)
            } else {
            }
            %eq3A_241 = arith.constant 1 : i32
            %eq3A_242 = arith.cmpi eq, %rem3A_235, %eq3A_241 : i32
            %convert_element_type3A_243 = arith.extui %eq3A_242 : i1 to i32
            %cond3A_244 = arith.constant 0 : i32
            %cond3A_245 = arith.cmpi ne, %convert_element_type3A_243, %cond3A_244 : i32
            scf.if %cond3A_245 {
              %sub3A_266 = arith.constant 3 : i32
              %sub3A_267 = arith.subi %shift_right_logical3A_153, %sub3A_266 : i32
              %mul3A_268 = arith.constant 48 : i32
              %mul3A_269 = arith.muli %sub3A_267, %mul3A_268 : i32
              %add3A_270 = arith.addi %mul3A_2, %mul3A_269 : i32
              %dma_wait3A = arith.constant 0 : i32
              %dma_wait3A_271 = tpu.memref_slice %arg6[%add3A_270, %dma_wait3A] : memref<250000x128xf32, #tpu.memory_space<hbm>> -> memref<48x128xf32, #tpu.memory_space<hbm>>
              %dma_wait3A_272 = arith.constant 0 : i32
              %dma_wait3A_273 = tpu.memref_slice %arg6[%add3A_270, %dma_wait3A_272] : memref<250000x128xf32, #tpu.memory_space<hbm>> -> memref<48x128xf32, #tpu.memory_space<hbm>>
              tpu.wait_dma2 semaphore(%arg23 : memref<!tpu.dma_semaphore, #tpu.memory_space<semaphore_mem>>) src(%arg15 : memref<48x128xf32, #tpu.memory_space<vmem>>) dst(%dma_wait3A_273 : memref<48x128xf32, #tpu.memory_space<hbm>>)
            } else {
            }
            %eq3A_246 = arith.constant 2 : i32
            %eq3A_247 = arith.cmpi eq, %rem3A_235, %eq3A_246 : i32
            %convert_element_type3A_248 = arith.extui %eq3A_247 : i1 to i32
            %cond3A_249 = arith.constant 0 : i32
            %cond3A_250 = arith.cmpi ne, %convert_element_type3A_248, %cond3A_249 : i32
            scf.if %cond3A_250 {
              %sub3A_266 = arith.constant 3 : i32
              %sub3A_267 = arith.subi %shift_right_logical3A_153, %sub3A_266 : i32
              %mul3A_268 = arith.constant 48 : i32
              %mul3A_269 = arith.muli %sub3A_267, %mul3A_268 : i32
              %add3A_270 = arith.addi %mul3A_2, %mul3A_269 : i32
              %dma_wait3A = arith.constant 0 : i32
              %dma_wait3A_271 = tpu.memref_slice %arg6[%add3A_270, %dma_wait3A] : memref<250000x128xf32, #tpu.memory_space<hbm>> -> memref<48x128xf32, #tpu.memory_space<hbm>>
              %dma_wait3A_272 = arith.constant 0 : i32
              %dma_wait3A_273 = tpu.memref_slice %arg6[%add3A_270, %dma_wait3A_272] : memref<250000x128xf32, #tpu.memory_space<hbm>> -> memref<48x128xf32, #tpu.memory_space<hbm>>
              tpu.wait_dma2 semaphore(%arg23 : memref<!tpu.dma_semaphore, #tpu.memory_space<semaphore_mem>>) src(%arg16 : memref<48x128xf32, #tpu.memory_space<vmem>>) dst(%dma_wait3A_273 : memref<48x128xf32, #tpu.memory_space<hbm>>)
            } else {
            }
            %eq3A_251 = arith.constant 3 : i32
            %eq3A_252 = arith.cmpi eq, %rem3A_235, %eq3A_251 : i32
            %convert_element_type3A_253 = arith.extui %eq3A_252 : i1 to i32
            %cond3A_254 = arith.constant 0 : i32
            %cond3A_255 = arith.cmpi ne, %convert_element_type3A_253, %cond3A_254 : i32
            scf.if %cond3A_255 {
              %sub3A_266 = arith.constant 3 : i32
              %sub3A_267 = arith.subi %shift_right_logical3A_153, %sub3A_266 : i32
              %mul3A_268 = arith.constant 48 : i32
              %mul3A_269 = arith.muli %sub3A_267, %mul3A_268 : i32
              %add3A_270 = arith.addi %mul3A_2, %mul3A_269 : i32
              %dma_wait3A = arith.constant 0 : i32
              %dma_wait3A_271 = tpu.memref_slice %arg6[%add3A_270, %dma_wait3A] : memref<250000x128xf32, #tpu.memory_space<hbm>> -> memref<48x128xf32, #tpu.memory_space<hbm>>
              %dma_wait3A_272 = arith.constant 0 : i32
              %dma_wait3A_273 = tpu.memref_slice %arg6[%add3A_270, %dma_wait3A_272] : memref<250000x128xf32, #tpu.memory_space<hbm>> -> memref<48x128xf32, #tpu.memory_space<hbm>>
              tpu.wait_dma2 semaphore(%arg23 : memref<!tpu.dma_semaphore, #tpu.memory_space<semaphore_mem>>) src(%arg17 : memref<48x128xf32, #tpu.memory_space<vmem>>) dst(%dma_wait3A_273 : memref<48x128xf32, #tpu.memory_space<hbm>>)
            } else {
            }
            %eq3A_256 = arith.constant 4 : i32
            %eq3A_257 = arith.cmpi eq, %rem3A_235, %eq3A_256 : i32
            %convert_element_type3A_258 = arith.extui %eq3A_257 : i1 to i32
            %cond3A_259 = arith.constant 0 : i32
            %cond3A_260 = arith.cmpi ne, %convert_element_type3A_258, %cond3A_259 : i32
            scf.if %cond3A_260 {
              %sub3A_266 = arith.constant 3 : i32
              %sub3A_267 = arith.subi %shift_right_logical3A_153, %sub3A_266 : i32
              %mul3A_268 = arith.constant 48 : i32
              %mul3A_269 = arith.muli %sub3A_267, %mul3A_268 : i32
              %add3A_270 = arith.addi %mul3A_2, %mul3A_269 : i32
              %dma_wait3A = arith.constant 0 : i32
              %dma_wait3A_271 = tpu.memref_slice %arg6[%add3A_270, %dma_wait3A] : memref<250000x128xf32, #tpu.memory_space<hbm>> -> memref<48x128xf32, #tpu.memory_space<hbm>>
              %dma_wait3A_272 = arith.constant 0 : i32
              %dma_wait3A_273 = tpu.memref_slice %arg6[%add3A_270, %dma_wait3A_272] : memref<250000x128xf32, #tpu.memory_space<hbm>> -> memref<48x128xf32, #tpu.memory_space<hbm>>
              tpu.wait_dma2 semaphore(%arg23 : memref<!tpu.dma_semaphore, #tpu.memory_space<semaphore_mem>>) src(%arg18 : memref<48x128xf32, #tpu.memory_space<vmem>>) dst(%dma_wait3A_273 : memref<48x128xf32, #tpu.memory_space<hbm>>)
            } else {
            }
            %eq3A_261 = arith.constant 5 : i32
            %eq3A_262 = arith.cmpi eq, %rem3A_235, %eq3A_261 : i32
            %convert_element_type3A_263 = arith.extui %eq3A_262 : i1 to i32
            %cond3A_264 = arith.constant 0 : i32
            %cond3A_265 = arith.cmpi ne, %convert_element_type3A_263, %cond3A_264 : i32
            scf.if %cond3A_265 {
              %sub3A_266 = arith.constant 3 : i32
              %sub3A_267 = arith.subi %shift_right_logical3A_153, %sub3A_266 : i32
              %mul3A_268 = arith.constant 48 : i32
              %mul3A_269 = arith.muli %sub3A_267, %mul3A_268 : i32
              %add3A_270 = arith.addi %mul3A_2, %mul3A_269 : i32
              %dma_wait3A = arith.constant 0 : i32
              %dma_wait3A_271 = tpu.memref_slice %arg6[%add3A_270, %dma_wait3A] : memref<250000x128xf32, #tpu.memory_space<hbm>> -> memref<48x128xf32, #tpu.memory_space<hbm>>
              %dma_wait3A_272 = arith.constant 0 : i32
              %dma_wait3A_273 = tpu.memref_slice %arg6[%add3A_270, %dma_wait3A_272] : memref<250000x128xf32, #tpu.memory_space<hbm>> -> memref<48x128xf32, #tpu.memory_space<hbm>>
              tpu.wait_dma2 semaphore(%arg23 : memref<!tpu.dma_semaphore, #tpu.memory_space<semaphore_mem>>) src(%arg19 : memref<48x128xf32, #tpu.memory_space<vmem>>) dst(%dma_wait3A_273 : memref<48x128xf32, #tpu.memory_space<hbm>>)
            } else {
            }
          } else {
          }
          %add3A_163 = arith.constant 3 : i32
          %add3A_164 = arith.addi %shift_right_logical3A_153, %add3A_163 : i32
          %lt3A_165 = arith.cmpi slt, %add3A_164, %select_n3A : i32
          %convert_element_type3A_166 = arith.extui %lt3A_165 : i1 to i32
          %cond3A_167 = arith.constant 0 : i32
          %cond3A_168 = arith.cmpi ne, %convert_element_type3A_166, %cond3A_167 : i32
          scf.if %cond3A_168 {
            %add3A_232 = arith.constant 3 : i32
            %add3A_233 = arith.addi %shift_right_logical3A_153, %add3A_232 : i32
            %rem3A_234 = arith.constant 6 : i32
            %rem3A_235 = arith.remsi %add3A_233, %rem3A_234 : i32
            %eq3A_236 = arith.constant 0 : i32
            %eq3A_237 = arith.cmpi eq, %rem3A_235, %eq3A_236 : i32
            %convert_element_type3A_238 = arith.extui %eq3A_237 : i1 to i32
            %cond3A_239 = arith.constant 0 : i32
            %cond3A_240 = arith.cmpi ne, %convert_element_type3A_238, %cond3A_239 : i32
            scf.if %cond3A_240 {
              %add3A_266 = arith.constant 3 : i32
              %add3A_267 = arith.addi %shift_right_logical3A_153, %add3A_266 : i32
              %mul3A_268 = arith.constant 48 : i32
              %mul3A_269 = arith.muli %add3A_267, %mul3A_268 : i32
              %add3A_270 = arith.addi %mul3A_2, %mul3A_269 : i32
              %dma_start3A_271 = arith.constant 0 : i32
              %dma_start3A_272 = tpu.memref_slice %arg2[%add3A_270, %dma_start3A_271] : memref<250000x128xf32, #tpu.memory_space<hbm>> -> memref<48x128xf32, #tpu.memory_space<hbm>>
              %dma_start3A_273 = arith.constant 0 : i32
              %dma_start3A_274 = tpu.memref_slice %arg2[%add3A_270, %dma_start3A_273] : memref<250000x128xf32, #tpu.memory_space<hbm>> -> memref<48x128xf32, #tpu.memory_space<hbm>>
              tpu.enqueue_dma source(%dma_start3A_274 : memref<48x128xf32, #tpu.memory_space<hbm>>) target(%arg14 : memref<48x128xf32, #tpu.memory_space<vmem>>) target_semaphore(%arg22 : memref<!tpu.dma_semaphore, #tpu.memory_space<semaphore_mem>>)
            } else {
            }
            %eq3A_241 = arith.constant 1 : i32
            %eq3A_242 = arith.cmpi eq, %rem3A_235, %eq3A_241 : i32
            %convert_element_type3A_243 = arith.extui %eq3A_242 : i1 to i32
            %cond3A_244 = arith.constant 0 : i32
            %cond3A_245 = arith.cmpi ne, %convert_element_type3A_243, %cond3A_244 : i32
            scf.if %cond3A_245 {
              %add3A_266 = arith.constant 3 : i32
              %add3A_267 = arith.addi %shift_right_logical3A_153, %add3A_266 : i32
              %mul3A_268 = arith.constant 48 : i32
              %mul3A_269 = arith.muli %add3A_267, %mul3A_268 : i32
              %add3A_270 = arith.addi %mul3A_2, %mul3A_269 : i32
              %dma_start3A_271 = arith.constant 0 : i32
              %dma_start3A_272 = tpu.memref_slice %arg2[%add3A_270, %dma_start3A_271] : memref<250000x128xf32, #tpu.memory_space<hbm>> -> memref<48x128xf32, #tpu.memory_space<hbm>>
              %dma_start3A_273 = arith.constant 0 : i32
              %dma_start3A_274 = tpu.memref_slice %arg2[%add3A_270, %dma_start3A_273] : memref<250000x128xf32, #tpu.memory_space<hbm>> -> memref<48x128xf32, #tpu.memory_space<hbm>>
              tpu.enqueue_dma source(%dma_start3A_274 : memref<48x128xf32, #tpu.memory_space<hbm>>) target(%arg15 : memref<48x128xf32, #tpu.memory_space<vmem>>) target_semaphore(%arg22 : memref<!tpu.dma_semaphore, #tpu.memory_space<semaphore_mem>>)
            } else {
            }
            %eq3A_246 = arith.constant 2 : i32
            %eq3A_247 = arith.cmpi eq, %rem3A_235, %eq3A_246 : i32
            %convert_element_type3A_248 = arith.extui %eq3A_247 : i1 to i32
            %cond3A_249 = arith.constant 0 : i32
            %cond3A_250 = arith.cmpi ne, %convert_element_type3A_248, %cond3A_249 : i32
            scf.if %cond3A_250 {
              %add3A_266 = arith.constant 3 : i32
              %add3A_267 = arith.addi %shift_right_logical3A_153, %add3A_266 : i32
              %mul3A_268 = arith.constant 48 : i32
              %mul3A_269 = arith.muli %add3A_267, %mul3A_268 : i32
              %add3A_270 = arith.addi %mul3A_2, %mul3A_269 : i32
              %dma_start3A_271 = arith.constant 0 : i32
              %dma_start3A_272 = tpu.memref_slice %arg2[%add3A_270, %dma_start3A_271] : memref<250000x128xf32, #tpu.memory_space<hbm>> -> memref<48x128xf32, #tpu.memory_space<hbm>>
              %dma_start3A_273 = arith.constant 0 : i32
              %dma_start3A_274 = tpu.memref_slice %arg2[%add3A_270, %dma_start3A_273] : memref<250000x128xf32, #tpu.memory_space<hbm>> -> memref<48x128xf32, #tpu.memory_space<hbm>>
              tpu.enqueue_dma source(%dma_start3A_274 : memref<48x128xf32, #tpu.memory_space<hbm>>) target(%arg16 : memref<48x128xf32, #tpu.memory_space<vmem>>) target_semaphore(%arg22 : memref<!tpu.dma_semaphore, #tpu.memory_space<semaphore_mem>>)
            } else {
            }
            %eq3A_251 = arith.constant 3 : i32
            %eq3A_252 = arith.cmpi eq, %rem3A_235, %eq3A_251 : i32
            %convert_element_type3A_253 = arith.extui %eq3A_252 : i1 to i32
            %cond3A_254 = arith.constant 0 : i32
            %cond3A_255 = arith.cmpi ne, %convert_element_type3A_253, %cond3A_254 : i32
            scf.if %cond3A_255 {
              %add3A_266 = arith.constant 3 : i32
              %add3A_267 = arith.addi %shift_right_logical3A_153, %add3A_266 : i32
              %mul3A_268 = arith.constant 48 : i32
              %mul3A_269 = arith.muli %add3A_267, %mul3A_268 : i32
              %add3A_270 = arith.addi %mul3A_2, %mul3A_269 : i32
              %dma_start3A_271 = arith.constant 0 : i32
              %dma_start3A_272 = tpu.memref_slice %arg2[%add3A_270, %dma_start3A_271] : memref<250000x128xf32, #tpu.memory_space<hbm>> -> memref<48x128xf32, #tpu.memory_space<hbm>>
              %dma_start3A_273 = arith.constant 0 : i32
              %dma_start3A_274 = tpu.memref_slice %arg2[%add3A_270, %dma_start3A_273] : memref<250000x128xf32, #tpu.memory_space<hbm>> -> memref<48x128xf32, #tpu.memory_space<hbm>>
              tpu.enqueue_dma source(%dma_start3A_274 : memref<48x128xf32, #tpu.memory_space<hbm>>) target(%arg17 : memref<48x128xf32, #tpu.memory_space<vmem>>) target_semaphore(%arg22 : memref<!tpu.dma_semaphore, #tpu.memory_space<semaphore_mem>>)
            } else {
            }
            %eq3A_256 = arith.constant 4 : i32
            %eq3A_257 = arith.cmpi eq, %rem3A_235, %eq3A_256 : i32
            %convert_element_type3A_258 = arith.extui %eq3A_257 : i1 to i32
            %cond3A_259 = arith.constant 0 : i32
            %cond3A_260 = arith.cmpi ne, %convert_element_type3A_258, %cond3A_259 : i32
            scf.if %cond3A_260 {
              %add3A_266 = arith.constant 3 : i32
              %add3A_267 = arith.addi %shift_right_logical3A_153, %add3A_266 : i32
              %mul3A_268 = arith.constant 48 : i32
              %mul3A_269 = arith.muli %add3A_267, %mul3A_268 : i32
              %add3A_270 = arith.addi %mul3A_2, %mul3A_269 : i32
              %dma_start3A_271 = arith.constant 0 : i32
              %dma_start3A_272 = tpu.memref_slice %arg2[%add3A_270, %dma_start3A_271] : memref<250000x128xf32, #tpu.memory_space<hbm>> -> memref<48x128xf32, #tpu.memory_space<hbm>>
              %dma_start3A_273 = arith.constant 0 : i32
              %dma_start3A_274 = tpu.memref_slice %arg2[%add3A_270, %dma_start3A_273] : memref<250000x128xf32, #tpu.memory_space<hbm>> -> memref<48x128xf32, #tpu.memory_space<hbm>>
              tpu.enqueue_dma source(%dma_start3A_274 : memref<48x128xf32, #tpu.memory_space<hbm>>) target(%arg18 : memref<48x128xf32, #tpu.memory_space<vmem>>) target_semaphore(%arg22 : memref<!tpu.dma_semaphore, #tpu.memory_space<semaphore_mem>>)
            } else {
            }
            %eq3A_261 = arith.constant 5 : i32
            %eq3A_262 = arith.cmpi eq, %rem3A_235, %eq3A_261 : i32
            %convert_element_type3A_263 = arith.extui %eq3A_262 : i1 to i32
            %cond3A_264 = arith.constant 0 : i32
            %cond3A_265 = arith.cmpi ne, %convert_element_type3A_263, %cond3A_264 : i32
            scf.if %cond3A_265 {
              %add3A_266 = arith.constant 3 : i32
              %add3A_267 = arith.addi %shift_right_logical3A_153, %add3A_266 : i32
              %mul3A_268 = arith.constant 48 : i32
              %mul3A_269 = arith.muli %add3A_267, %mul3A_268 : i32
              %add3A_270 = arith.addi %mul3A_2, %mul3A_269 : i32
              %dma_start3A_271 = arith.constant 0 : i32
              %dma_start3A_272 = tpu.memref_slice %arg2[%add3A_270, %dma_start3A_271] : memref<250000x128xf32, #tpu.memory_space<hbm>> -> memref<48x128xf32, #tpu.memory_space<hbm>>
              %dma_start3A_273 = arith.constant 0 : i32
              %dma_start3A_274 = tpu.memref_slice %arg2[%add3A_270, %dma_start3A_273] : memref<250000x128xf32, #tpu.memory_space<hbm>> -> memref<48x128xf32, #tpu.memory_space<hbm>>
              tpu.enqueue_dma source(%dma_start3A_274 : memref<48x128xf32, #tpu.memory_space<hbm>>) target(%arg19 : memref<48x128xf32, #tpu.memory_space<vmem>>) target_semaphore(%arg22 : memref<!tpu.dma_semaphore, #tpu.memory_space<semaphore_mem>>)
            } else {
            }
          } else {
          }
          %rem3A = arith.constant 6 : i32
          %rem3A_169 = arith.remsi %shift_right_logical3A_153, %rem3A : i32
          %eq3A_170 = arith.constant 0 : i32
          %eq3A_171 = arith.cmpi eq, %rem3A_169, %eq3A_170 : i32
          %convert_element_type3A_172 = arith.extui %eq3A_171 : i1 to i32
          %cond3A_173 = arith.constant 0 : i32
          %cond3A_174 = arith.cmpi ne, %convert_element_type3A_172, %cond3A_173 : i32
          scf.if %cond3A_174 {
            %mul3A_232 = arith.constant 48 : i32
            %mul3A_233 = arith.muli %shift_right_logical3A_153, %mul3A_232 : i32
            %add3A_234 = arith.addi %mul3A_2, %mul3A_233 : i32
            %dma_wait3A = arith.constant 0 : i32
            %dma_wait3A_235 = tpu.memref_slice %arg2[%add3A_234, %dma_wait3A] : memref<250000x128xf32, #tpu.memory_space<hbm>> -> memref<48x128xf32, #tpu.memory_space<hbm>>
            %dma_wait3A_236 = arith.constant 0 : i32
            %dma_wait3A_237 = tpu.memref_slice %arg2[%add3A_234, %dma_wait3A_236] : memref<250000x128xf32, #tpu.memory_space<hbm>> -> memref<48x128xf32, #tpu.memory_space<hbm>>
            tpu.wait_dma2 semaphore(%arg22 : memref<!tpu.dma_semaphore, #tpu.memory_space<semaphore_mem>>) src(%dma_wait3A_237 : memref<48x128xf32, #tpu.memory_space<hbm>>) dst(%arg14 : memref<48x128xf32, #tpu.memory_space<vmem>>)
          } else {
          }
          %eq3A_175 = arith.constant 1 : i32
          %eq3A_176 = arith.cmpi eq, %rem3A_169, %eq3A_175 : i32
          %convert_element_type3A_177 = arith.extui %eq3A_176 : i1 to i32
          %cond3A_178 = arith.constant 0 : i32
          %cond3A_179 = arith.cmpi ne, %convert_element_type3A_177, %cond3A_178 : i32
          scf.if %cond3A_179 {
            %mul3A_232 = arith.constant 48 : i32
            %mul3A_233 = arith.muli %shift_right_logical3A_153, %mul3A_232 : i32
            %add3A_234 = arith.addi %mul3A_2, %mul3A_233 : i32
            %dma_wait3A = arith.constant 0 : i32
            %dma_wait3A_235 = tpu.memref_slice %arg2[%add3A_234, %dma_wait3A] : memref<250000x128xf32, #tpu.memory_space<hbm>> -> memref<48x128xf32, #tpu.memory_space<hbm>>
            %dma_wait3A_236 = arith.constant 0 : i32
            %dma_wait3A_237 = tpu.memref_slice %arg2[%add3A_234, %dma_wait3A_236] : memref<250000x128xf32, #tpu.memory_space<hbm>> -> memref<48x128xf32, #tpu.memory_space<hbm>>
            tpu.wait_dma2 semaphore(%arg22 : memref<!tpu.dma_semaphore, #tpu.memory_space<semaphore_mem>>) src(%dma_wait3A_237 : memref<48x128xf32, #tpu.memory_space<hbm>>) dst(%arg15 : memref<48x128xf32, #tpu.memory_space<vmem>>)
          } else {
          }
          %eq3A_180 = arith.constant 2 : i32
          %eq3A_181 = arith.cmpi eq, %rem3A_169, %eq3A_180 : i32
          %convert_element_type3A_182 = arith.extui %eq3A_181 : i1 to i32
          %cond3A_183 = arith.constant 0 : i32
          %cond3A_184 = arith.cmpi ne, %convert_element_type3A_182, %cond3A_183 : i32
          scf.if %cond3A_184 {
            %mul3A_232 = arith.constant 48 : i32
            %mul3A_233 = arith.muli %shift_right_logical3A_153, %mul3A_232 : i32
            %add3A_234 = arith.addi %mul3A_2, %mul3A_233 : i32
            %dma_wait3A = arith.constant 0 : i32
            %dma_wait3A_235 = tpu.memref_slice %arg2[%add3A_234, %dma_wait3A] : memref<250000x128xf32, #tpu.memory_space<hbm>> -> memref<48x128xf32, #tpu.memory_space<hbm>>
            %dma_wait3A_236 = arith.constant 0 : i32
            %dma_wait3A_237 = tpu.memref_slice %arg2[%add3A_234, %dma_wait3A_236] : memref<250000x128xf32, #tpu.memory_space<hbm>> -> memref<48x128xf32, #tpu.memory_space<hbm>>
            tpu.wait_dma2 semaphore(%arg22 : memref<!tpu.dma_semaphore, #tpu.memory_space<semaphore_mem>>) src(%dma_wait3A_237 : memref<48x128xf32, #tpu.memory_space<hbm>>) dst(%arg16 : memref<48x128xf32, #tpu.memory_space<vmem>>)
          } else {
          }
          %eq3A_185 = arith.constant 3 : i32
          %eq3A_186 = arith.cmpi eq, %rem3A_169, %eq3A_185 : i32
          %convert_element_type3A_187 = arith.extui %eq3A_186 : i1 to i32
          %cond3A_188 = arith.constant 0 : i32
          %cond3A_189 = arith.cmpi ne, %convert_element_type3A_187, %cond3A_188 : i32
          scf.if %cond3A_189 {
            %mul3A_232 = arith.constant 48 : i32
            %mul3A_233 = arith.muli %shift_right_logical3A_153, %mul3A_232 : i32
            %add3A_234 = arith.addi %mul3A_2, %mul3A_233 : i32
            %dma_wait3A = arith.constant 0 : i32
            %dma_wait3A_235 = tpu.memref_slice %arg2[%add3A_234, %dma_wait3A] : memref<250000x128xf32, #tpu.memory_space<hbm>> -> memref<48x128xf32, #tpu.memory_space<hbm>>
            %dma_wait3A_236 = arith.constant 0 : i32
            %dma_wait3A_237 = tpu.memref_slice %arg2[%add3A_234, %dma_wait3A_236] : memref<250000x128xf32, #tpu.memory_space<hbm>> -> memref<48x128xf32, #tpu.memory_space<hbm>>
            tpu.wait_dma2 semaphore(%arg22 : memref<!tpu.dma_semaphore, #tpu.memory_space<semaphore_mem>>) src(%dma_wait3A_237 : memref<48x128xf32, #tpu.memory_space<hbm>>) dst(%arg17 : memref<48x128xf32, #tpu.memory_space<vmem>>)
          } else {
          }
          %eq3A_190 = arith.constant 4 : i32
          %eq3A_191 = arith.cmpi eq, %rem3A_169, %eq3A_190 : i32
          %convert_element_type3A_192 = arith.extui %eq3A_191 : i1 to i32
          %cond3A_193 = arith.constant 0 : i32
          %cond3A_194 = arith.cmpi ne, %convert_element_type3A_192, %cond3A_193 : i32
          scf.if %cond3A_194 {
            %mul3A_232 = arith.constant 48 : i32
            %mul3A_233 = arith.muli %shift_right_logical3A_153, %mul3A_232 : i32
            %add3A_234 = arith.addi %mul3A_2, %mul3A_233 : i32
            %dma_wait3A = arith.constant 0 : i32
            %dma_wait3A_235 = tpu.memref_slice %arg2[%add3A_234, %dma_wait3A] : memref<250000x128xf32, #tpu.memory_space<hbm>> -> memref<48x128xf32, #tpu.memory_space<hbm>>
            %dma_wait3A_236 = arith.constant 0 : i32
            %dma_wait3A_237 = tpu.memref_slice %arg2[%add3A_234, %dma_wait3A_236] : memref<250000x128xf32, #tpu.memory_space<hbm>> -> memref<48x128xf32, #tpu.memory_space<hbm>>
            tpu.wait_dma2 semaphore(%arg22 : memref<!tpu.dma_semaphore, #tpu.memory_space<semaphore_mem>>) src(%dma_wait3A_237 : memref<48x128xf32, #tpu.memory_space<hbm>>) dst(%arg18 : memref<48x128xf32, #tpu.memory_space<vmem>>)
          } else {
          }
          %eq3A_195 = arith.constant 5 : i32
          %eq3A_196 = arith.cmpi eq, %rem3A_169, %eq3A_195 : i32
          %convert_element_type3A_197 = arith.extui %eq3A_196 : i1 to i32
          %cond3A_198 = arith.constant 0 : i32
          %cond3A_199 = arith.cmpi ne, %convert_element_type3A_197, %cond3A_198 : i32
          scf.if %cond3A_199 {
            %mul3A_232 = arith.constant 48 : i32
            %mul3A_233 = arith.muli %shift_right_logical3A_153, %mul3A_232 : i32
            %add3A_234 = arith.addi %mul3A_2, %mul3A_233 : i32
            %dma_wait3A = arith.constant 0 : i32
            %dma_wait3A_235 = tpu.memref_slice %arg2[%add3A_234, %dma_wait3A] : memref<250000x128xf32, #tpu.memory_space<hbm>> -> memref<48x128xf32, #tpu.memory_space<hbm>>
            %dma_wait3A_236 = arith.constant 0 : i32
            %dma_wait3A_237 = tpu.memref_slice %arg2[%add3A_234, %dma_wait3A_236] : memref<250000x128xf32, #tpu.memory_space<hbm>> -> memref<48x128xf32, #tpu.memory_space<hbm>>
            tpu.wait_dma2 semaphore(%arg22 : memref<!tpu.dma_semaphore, #tpu.memory_space<semaphore_mem>>) src(%dma_wait3A_237 : memref<48x128xf32, #tpu.memory_space<hbm>>) dst(%arg19 : memref<48x128xf32, #tpu.memory_space<vmem>>)
          } else {
          }
          %rem3A_200 = arith.constant 6 : i32
          %rem3A_201 = arith.remsi %shift_right_logical3A_153, %rem3A_200 : i32
          %eq3A_202 = arith.constant 0 : i32
          %eq3A_203 = arith.cmpi eq, %rem3A_201, %eq3A_202 : i32
          %convert_element_type3A_204 = arith.extui %eq3A_203 : i1 to i32
          %cond3A_205 = arith.constant 0 : i32
          %cond3A_206 = arith.cmpi ne, %convert_element_type3A_204, %cond3A_205 : i32
          scf.if %cond3A_206 {
            %mul3A_232 = arith.constant 48 : i32
            %mul3A_233 = arith.muli %shift_right_logical3A_153, %mul3A_232 : i32
            %add3A_234 = arith.addi %mul3A_2, %mul3A_233 : i32
            %dma_start3A_235 = arith.constant 0 : i32
            %dma_start3A_236 = tpu.memref_slice %arg6[%add3A_234, %dma_start3A_235] : memref<250000x128xf32, #tpu.memory_space<hbm>> -> memref<48x128xf32, #tpu.memory_space<hbm>>
            %dma_start3A_237 = arith.constant 0 : i32
            %dma_start3A_238 = tpu.memref_slice %arg6[%add3A_234, %dma_start3A_237] : memref<250000x128xf32, #tpu.memory_space<hbm>> -> memref<48x128xf32, #tpu.memory_space<hbm>>
            tpu.enqueue_dma source(%arg14 : memref<48x128xf32, #tpu.memory_space<vmem>>) target(%dma_start3A_238 : memref<48x128xf32, #tpu.memory_space<hbm>>) target_semaphore(%arg23 : memref<!tpu.dma_semaphore, #tpu.memory_space<semaphore_mem>>)
          } else {
          }
          %eq3A_207 = arith.constant 1 : i32
          %eq3A_208 = arith.cmpi eq, %rem3A_201, %eq3A_207 : i32
          %convert_element_type3A_209 = arith.extui %eq3A_208 : i1 to i32
          %cond3A_210 = arith.constant 0 : i32
          %cond3A_211 = arith.cmpi ne, %convert_element_type3A_209, %cond3A_210 : i32
          scf.if %cond3A_211 {
            %mul3A_232 = arith.constant 48 : i32
            %mul3A_233 = arith.muli %shift_right_logical3A_153, %mul3A_232 : i32
            %add3A_234 = arith.addi %mul3A_2, %mul3A_233 : i32
            %dma_start3A_235 = arith.constant 0 : i32
            %dma_start3A_236 = tpu.memref_slice %arg6[%add3A_234, %dma_start3A_235] : memref<250000x128xf32, #tpu.memory_space<hbm>> -> memref<48x128xf32, #tpu.memory_space<hbm>>
            %dma_start3A_237 = arith.constant 0 : i32
            %dma_start3A_238 = tpu.memref_slice %arg6[%add3A_234, %dma_start3A_237] : memref<250000x128xf32, #tpu.memory_space<hbm>> -> memref<48x128xf32, #tpu.memory_space<hbm>>
            tpu.enqueue_dma source(%arg15 : memref<48x128xf32, #tpu.memory_space<vmem>>) target(%dma_start3A_238 : memref<48x128xf32, #tpu.memory_space<hbm>>) target_semaphore(%arg23 : memref<!tpu.dma_semaphore, #tpu.memory_space<semaphore_mem>>)
          } else {
          }
          %eq3A_212 = arith.constant 2 : i32
          %eq3A_213 = arith.cmpi eq, %rem3A_201, %eq3A_212 : i32
          %convert_element_type3A_214 = arith.extui %eq3A_213 : i1 to i32
          %cond3A_215 = arith.constant 0 : i32
          %cond3A_216 = arith.cmpi ne, %convert_element_type3A_214, %cond3A_215 : i32
          scf.if %cond3A_216 {
            %mul3A_232 = arith.constant 48 : i32
            %mul3A_233 = arith.muli %shift_right_logical3A_153, %mul3A_232 : i32
            %add3A_234 = arith.addi %mul3A_2, %mul3A_233 : i32
            %dma_start3A_235 = arith.constant 0 : i32
            %dma_start3A_236 = tpu.memref_slice %arg6[%add3A_234, %dma_start3A_235] : memref<250000x128xf32, #tpu.memory_space<hbm>> -> memref<48x128xf32, #tpu.memory_space<hbm>>
            %dma_start3A_237 = arith.constant 0 : i32
            %dma_start3A_238 = tpu.memref_slice %arg6[%add3A_234, %dma_start3A_237] : memref<250000x128xf32, #tpu.memory_space<hbm>> -> memref<48x128xf32, #tpu.memory_space<hbm>>
            tpu.enqueue_dma source(%arg16 : memref<48x128xf32, #tpu.memory_space<vmem>>) target(%dma_start3A_238 : memref<48x128xf32, #tpu.memory_space<hbm>>) target_semaphore(%arg23 : memref<!tpu.dma_semaphore, #tpu.memory_space<semaphore_mem>>)
          } else {
          }
          %eq3A_217 = arith.constant 3 : i32
          %eq3A_218 = arith.cmpi eq, %rem3A_201, %eq3A_217 : i32
          %convert_element_type3A_219 = arith.extui %eq3A_218 : i1 to i32
          %cond3A_220 = arith.constant 0 : i32
          %cond3A_221 = arith.cmpi ne, %convert_element_type3A_219, %cond3A_220 : i32
          scf.if %cond3A_221 {
            %mul3A_232 = arith.constant 48 : i32
            %mul3A_233 = arith.muli %shift_right_logical3A_153, %mul3A_232 : i32
            %add3A_234 = arith.addi %mul3A_2, %mul3A_233 : i32
            %dma_start3A_235 = arith.constant 0 : i32
            %dma_start3A_236 = tpu.memref_slice %arg6[%add3A_234, %dma_start3A_235] : memref<250000x128xf32, #tpu.memory_space<hbm>> -> memref<48x128xf32, #tpu.memory_space<hbm>>
            %dma_start3A_237 = arith.constant 0 : i32
            %dma_start3A_238 = tpu.memref_slice %arg6[%add3A_234, %dma_start3A_237] : memref<250000x128xf32, #tpu.memory_space<hbm>> -> memref<48x128xf32, #tpu.memory_space<hbm>>
            tpu.enqueue_dma source(%arg17 : memref<48x128xf32, #tpu.memory_space<vmem>>) target(%dma_start3A_238 : memref<48x128xf32, #tpu.memory_space<hbm>>) target_semaphore(%arg23 : memref<!tpu.dma_semaphore, #tpu.memory_space<semaphore_mem>>)
          } else {
          }
          %eq3A_222 = arith.constant 4 : i32
          %eq3A_223 = arith.cmpi eq, %rem3A_201, %eq3A_222 : i32
          %convert_element_type3A_224 = arith.extui %eq3A_223 : i1 to i32
          %cond3A_225 = arith.constant 0 : i32
          %cond3A_226 = arith.cmpi ne, %convert_element_type3A_224, %cond3A_225 : i32
          scf.if %cond3A_226 {
            %mul3A_232 = arith.constant 48 : i32
            %mul3A_233 = arith.muli %shift_right_logical3A_153, %mul3A_232 : i32
            %add3A_234 = arith.addi %mul3A_2, %mul3A_233 : i32
            %dma_start3A_235 = arith.constant 0 : i32
            %dma_start3A_236 = tpu.memref_slice %arg6[%add3A_234, %dma_start3A_235] : memref<250000x128xf32, #tpu.memory_space<hbm>> -> memref<48x128xf32, #tpu.memory_space<hbm>>
            %dma_start3A_237 = arith.constant 0 : i32
            %dma_start3A_238 = tpu.memref_slice %arg6[%add3A_234, %dma_start3A_237] : memref<250000x128xf32, #tpu.memory_space<hbm>> -> memref<48x128xf32, #tpu.memory_space<hbm>>
            tpu.enqueue_dma source(%arg18 : memref<48x128xf32, #tpu.memory_space<vmem>>) target(%dma_start3A_238 : memref<48x128xf32, #tpu.memory_space<hbm>>) target_semaphore(%arg23 : memref<!tpu.dma_semaphore, #tpu.memory_space<semaphore_mem>>)
          } else {
          }
          %eq3A_227 = arith.constant 5 : i32
          %eq3A_228 = arith.cmpi eq, %rem3A_201, %eq3A_227 : i32
          %convert_element_type3A_229 = arith.extui %eq3A_228 : i1 to i32
          %cond3A_230 = arith.constant 0 : i32
          %cond3A_231 = arith.cmpi ne, %convert_element_type3A_229, %cond3A_230 : i32
          scf.if %cond3A_231 {
            %mul3A_232 = arith.constant 48 : i32
            %mul3A_233 = arith.muli %shift_right_logical3A_153, %mul3A_232 : i32
            %add3A_234 = arith.addi %mul3A_2, %mul3A_233 : i32
            %dma_start3A_235 = arith.constant 0 : i32
            %dma_start3A_236 = tpu.memref_slice %arg6[%add3A_234, %dma_start3A_235] : memref<250000x128xf32, #tpu.memory_space<hbm>> -> memref<48x128xf32, #tpu.memory_space<hbm>>
            %dma_start3A_237 = arith.constant 0 : i32
            %dma_start3A_238 = tpu.memref_slice %arg6[%add3A_234, %dma_start3A_237] : memref<250000x128xf32, #tpu.memory_space<hbm>> -> memref<48x128xf32, #tpu.memory_space<hbm>>
            tpu.enqueue_dma source(%arg19 : memref<48x128xf32, #tpu.memory_space<vmem>>) target(%dma_start3A_238 : memref<48x128xf32, #tpu.memory_space<hbm>>) target_semaphore(%arg23 : memref<!tpu.dma_semaphore, #tpu.memory_space<semaphore_mem>>)
          } else {
          }
        } else {
        }
      } else {
      }
      %scan3A_152 = arith.constant 0 : i32
      scf.yield %scan3A_152 : i32
    }
    %scan3A_56 = arith.constant 1024 : i32
    %broadcast_in_dim3A_57 = arith.constant -1 : i32
    %broadcast_in_dim3A_58 = vector.broadcast %broadcast_in_dim3A_57 : i32 to vector<16xi32>
    %scan3A_59 = arith.constant 0 : i32
    %scan3A_60 = arith.constant 0 : i32
    %scan3A_61 = arith.constant 0 : i32
    %scan3A_62 = arith.constant 0 : i32
    %scan3A_63 = arith.constant 489 : i32
    %scan3A_64 = arith.addi %scan3A_62, %scan3A_63 : i32
    %scan3A_65 = arith.constant 1 : i32
    %scan3A_66:4 = scf.for %scan3A_128 = %scan3A_62 to %scan3A_64 step %scan3A_65 iter_args(%scan3A_129 = %scan3A_59, %scan3A_130 = %broadcast_in_dim3A_58, %scan3A_131 = %scan3A_60, %scan3A_132 = %scan3A_61) -> (i32, vector<16xi32>, i32, i32)  : i32 {
      %mul3A_133 = arith.constant 16 : i32
      %mul3A_134 = arith.muli %scan3A_128, %mul3A_133 : i32
      %get3A = arith.index_cast %mul3A_134 : i32 to index
      %get3A_135 = tpu.vector_load %arg9[%get3A] {strides = array<i32>} : memref<7840xi32, #tpu.memory_space<vmem>>, vector<16xi32>,
      %ge3A = arith.constant 0 : i32
      %ge3A_136 = vector.broadcast %ge3A : i32 to vector<16xi32>
      %ge3A_137 = arith.cmpi sge, %get3A_135, %ge3A_136 : vector<16xi32>
      %mul3A_138 = arith.constant 16 : i32
      %mul3A_139 = arith.muli %scan3A_128, %mul3A_138 : i32
      %add3A_140 = arith.addi %mul3A_2, %mul3A_139 : i32
      %add3A_141 = vector.broadcast %add3A_140 : i32 to vector<16xi32>
      %add3A_142 = arith.addi %add3A_141, %iota3A : vector<16xi32>
      %swap3A_143 = arith.index_cast %scan3A_129 : i32 to index
      %swap3A_144 = tpu.vector_load %arg10[%swap3A_143] masked %ge3A_137 {strides = array<i32>} : memref<7920xi32, #tpu.memory_space<vmem>>, vector<16xi32>, vector<16xi1>
      tpu.vector_store %arg10[%swap3A_143], %get3A_135 masked %ge3A_137 {strides = array<i32>} : memref<7920xi32, #tpu.memory_space<vmem>>, vector<16xi32>, vector<16xi1>
      %swap3A_145 = arith.index_cast %scan3A_129 : i32 to index
      %swap3A_146 = tpu.vector_load %arg11[%swap3A_145] masked %ge3A_137 {strides = array<i32>} : memref<7920xi32, #tpu.memory_space<vmem>>, vector<16xi32>, vector<16xi1>
      tpu.vector_store %arg11[%swap3A_145], %add3A_142 masked %ge3A_137 {strides = array<i32>} : memref<7920xi32, #tpu.memory_space<vmem>>, vector<16xi32>, vector<16xi1>
      %all_reduce_population_count3A = tpu.all_reduce %ge3A_137 {dim = 0 : i64, kind = #tpu.reduction_kind<sum>} : vector<16xi1> -> vector<16xi32>
      %slice3A = vector.extract_strided_slice %all_reduce_population_count3A {offsets = [0], sizes = [1], strides = [1]} : vector<16xi32> to vector<1xi32>
      %squeeze3A = vector.extract %slice3A[0] : i32 from vector<1xi32>
      %add3A_147 = arith.addi %scan3A_129, %squeeze3A : i32
      %add3A_148 = arith.constant 1 : i32
      %add3A_149 = arith.addi %scan3A_131, %add3A_148 : i32
      %mul3A_150 = arith.constant 96 : i32
      %mul3A_151 = arith.muli %add3A_149, %mul3A_150 : i32
      %le3A = arith.cmpi sle, %mul3A_151, %add3A_147 : i32
      %add3A_152 = arith.constant 2 : i32
      %add3A_153 = arith.addi %scan3A_132, %add3A_152 : i32
      %lt3A = arith.cmpi slt, %scan3A_131, %add3A_153 : i32
      %and3A = arith.andi %le3A, %lt3A : i1
      %convert_element_type3A_154 = arith.extui %and3A : i1 to i32
      %cond3A_155 = arith.constant 0 : i32
      %cond3A_156 = arith.cmpi ne, %convert_element_type3A_154, %cond3A_155 : i32
      scf.if %cond3A_156 {
        %ge3A_189 = arith.constant 2 : i32
        %ge3A_190 = arith.cmpi sge, %scan3A_131, %ge3A_189 : i32
        %convert_element_type3A_191 = arith.extui %ge3A_190 : i1 to i32
        %cond3A_192 = arith.constant 0 : i32
        %cond3A_193 = arith.cmpi ne, %convert_element_type3A_191, %cond3A_192 : i32
        scf.if %cond3A_193 {
          %rem3A_204 = arith.constant 2 : i32
          %rem3A_205 = arith.remsi %scan3A_131, %rem3A_204 : i32
          %eq3A_206 = arith.constant 0 : i32
          %eq3A_207 = arith.cmpi eq, %rem3A_205, %eq3A_206 : i32
          %convert_element_type3A_208 = arith.extui %eq3A_207 : i1 to i32
          %cond3A_209 = arith.constant 0 : i32
          %cond3A_210 = arith.cmpi ne, %convert_element_type3A_208, %cond3A_209 : i32
          scf.if %cond3A_210 {
            %sub3A_216 = arith.constant 2 : i32
            %sub3A_217 = arith.subi %scan3A_131, %sub3A_216 : i32
            %mul3A_218 = arith.constant 96 : i32
            %mul3A_219 = arith.muli %sub3A_217, %mul3A_218 : i32
            %dma_wait3A = tpu.memref_slice %arg11[%mul3A_219] : memref<7920xi32, #tpu.memory_space<vmem>> -> memref<96xi32, #tpu.memory_space<vmem>>
            %dma_wait3A_220 = arith.constant 0 : i32
            %dma_wait3A_221 = arith.constant 0 : i32
            %dma_wait3A_222 = tpu.memref_slice %arg6[%dma_wait3A_220, %dma_wait3A_221] : memref<250000x128xf32, #tpu.memory_space<hbm>> -> memref<250000x128xf32, #tpu.memory_space<hbm>>
            tpu.wait_indirect_dma semaphore(%arg25 : memref<!tpu.dma_semaphore, #tpu.memory_space<semaphore_mem>>) src(%arg12 : memref<96x128xf32, #tpu.memory_space<vmem>>) dst(%dma_wait3A_222 : memref<250000x128xf32, #tpu.memory_space<hbm>>)
          } else {
          }
          %ne3A_211 = arith.constant 0 : i32
          %ne3A_212 = arith.cmpi ne, %rem3A_205, %ne3A_211 : i32
          %convert_element_type3A_213 = arith.extui %ne3A_212 : i1 to i32
          %cond3A_214 = arith.constant 0 : i32
          %cond3A_215 = arith.cmpi ne, %convert_element_type3A_213, %cond3A_214 : i32
          scf.if %cond3A_215 {
            %sub3A_216 = arith.constant 2 : i32
            %sub3A_217 = arith.subi %scan3A_131, %sub3A_216 : i32
            %mul3A_218 = arith.constant 96 : i32
            %mul3A_219 = arith.muli %sub3A_217, %mul3A_218 : i32
            %dma_wait3A = tpu.memref_slice %arg11[%mul3A_219] : memref<7920xi32, #tpu.memory_space<vmem>> -> memref<96xi32, #tpu.memory_space<vmem>>
            %dma_wait3A_220 = arith.constant 0 : i32
            %dma_wait3A_221 = arith.constant 0 : i32
            %dma_wait3A_222 = tpu.memref_slice %arg6[%dma_wait3A_220, %dma_wait3A_221] : memref<250000x128xf32, #tpu.memory_space<hbm>> -> memref<250000x128xf32, #tpu.memory_space<hbm>>
            tpu.wait_indirect_dma semaphore(%arg25 : memref<!tpu.dma_semaphore, #tpu.memory_space<semaphore_mem>>) src(%arg13 : memref<96x128xf32, #tpu.memory_space<vmem>>) dst(%dma_wait3A_222 : memref<250000x128xf32, #tpu.memory_space<hbm>>)
          } else {
          }
        } else {
        }
        %rem3A = arith.constant 2 : i32
        %rem3A_194 = arith.remsi %scan3A_131, %rem3A : i32
        %eq3A_195 = arith.constant 0 : i32
        %eq3A_196 = arith.cmpi eq, %rem3A_194, %eq3A_195 : i32
        %convert_element_type3A_197 = arith.extui %eq3A_196 : i1 to i32
        %cond3A_198 = arith.constant 0 : i32
        %cond3A_199 = arith.cmpi ne, %convert_element_type3A_197, %cond3A_198 : i32
        scf.if %cond3A_199 {
          %mul3A_204 = arith.constant 96 : i32
          %mul3A_205 = arith.muli %scan3A_131, %mul3A_204 : i32
          %dma_start3A_206 = tpu.memref_slice %arg10[%mul3A_205] : memref<7920xi32, #tpu.memory_space<vmem>> -> memref<96xi32, #tpu.memory_space<vmem>>
          %dma_start3A_207 = arith.constant 0 : i32
          %dma_start3A_208 = arith.constant 0 : i32
          %dma_start3A_209 = tpu.memref_slice %arg4[%dma_start3A_207, %dma_start3A_208] : memref<16384x128xf32, #tpu.memory_space<hbm>> -> memref<16384x128xf32, #tpu.memory_space<hbm>>
          tpu.enqueue_indirect_dma source(%dma_start3A_209 : memref<16384x128xf32, #tpu.memory_space<hbm>>) target(%arg12 : memref<96x128xf32, #tpu.memory_space<vmem>>) offsets(%dma_start3A_206 : memref<96xi32, #tpu.memory_space<vmem>>) semaphore(%arg24 : memref<!tpu.dma_semaphore, #tpu.memory_space<semaphore_mem>>)
        } else {
        }
        %ne3A = arith.constant 0 : i32
        %ne3A_200 = arith.cmpi ne, %rem3A_194, %ne3A : i32
        %convert_element_type3A_201 = arith.extui %ne3A_200 : i1 to i32
        %cond3A_202 = arith.constant 0 : i32
        %cond3A_203 = arith.cmpi ne, %convert_element_type3A_201, %cond3A_202 : i32
        scf.if %cond3A_203 {
          %mul3A_204 = arith.constant 96 : i32
          %mul3A_205 = arith.muli %scan3A_131, %mul3A_204 : i32
          %dma_start3A_206 = tpu.memref_slice %arg10[%mul3A_205] : memref<7920xi32, #tpu.memory_space<vmem>> -> memref<96xi32, #tpu.memory_space<vmem>>
          %dma_start3A_207 = arith.constant 0 : i32
          %dma_start3A_208 = arith.constant 0 : i32
          %dma_start3A_209 = tpu.memref_slice %arg4[%dma_start3A_207, %dma_start3A_208] : memref<16384x128xf32, #tpu.memory_space<hbm>> -> memref<16384x128xf32, #tpu.memory_space<hbm>>
          tpu.enqueue_indirect_dma source(%dma_start3A_209 : memref<16384x128xf32, #tpu.memory_space<hbm>>) target(%arg13 : memref<96x128xf32, #tpu.memory_space<vmem>>) offsets(%dma_start3A_206 : memref<96xi32, #tpu.memory_space<vmem>>) semaphore(%arg24 : memref<!tpu.dma_semaphore, #tpu.memory_space<semaphore_mem>>)
        } else {
        }
      } else {
      }
      %convert_element_type3A_157 = arith.extui %and3A : i1 to i32
      %add3A_158 = arith.addi %scan3A_131, %convert_element_type3A_157 : i32
      %add3A_159 = arith.constant 2 : i32
      %add3A_160 = arith.addi %scan3A_132, %add3A_159 : i32
      %le3A_161 = arith.cmpi sle, %add3A_160, %add3A_158 : i32
      %lt3A_162 = arith.constant 455 : i32
      %lt3A_163 = arith.cmpi slt, %scan3A_128, %lt3A_162 : i32
      %and3A_164 = arith.andi %le3A_161, %lt3A_163 : i1
      %convert_element_type3A_165 = arith.extui %and3A_164 : i1 to i32
      %cond3A_166 = arith.constant 0 : i32
      %cond3A_167 = arith.cmpi ne, %convert_element_type3A_165, %cond3A_166 : i32
      scf.if %cond3A_167 {
        %rem3A = arith.constant 2 : i32
        %rem3A_189 = arith.remsi %scan3A_132, %rem3A : i32
        %eq3A_190 = arith.constant 0 : i32
        %eq3A_191 = arith.cmpi eq, %rem3A_189, %eq3A_190 : i32
        %convert_element_type3A_192 = arith.extui %eq3A_191 : i1 to i32
        %cond3A_193 = arith.constant 0 : i32
        %cond3A_194 = arith.cmpi ne, %convert_element_type3A_192, %cond3A_193 : i32
        scf.if %cond3A_194 {
          %mul3A_211 = arith.constant 96 : i32
          %mul3A_212 = arith.muli %scan3A_132, %mul3A_211 : i32
          %dma_wait3A = tpu.memref_slice %arg10[%mul3A_212] : memref<7920xi32, #tpu.memory_space<vmem>> -> memref<96xi32, #tpu.memory_space<vmem>>
          %dma_wait3A_213 = arith.constant 0 : i32
          %dma_wait3A_214 = arith.constant 0 : i32
          %dma_wait3A_215 = tpu.memref_slice %arg4[%dma_wait3A_213, %dma_wait3A_214] : memref<16384x128xf32, #tpu.memory_space<hbm>> -> memref<16384x128xf32, #tpu.memory_space<hbm>>
          tpu.wait_indirect_dma semaphore(%arg24 : memref<!tpu.dma_semaphore, #tpu.memory_space<semaphore_mem>>) src(%dma_wait3A_215 : memref<16384x128xf32, #tpu.memory_space<hbm>>) dst(%arg12 : memref<96x128xf32, #tpu.memory_space<vmem>>)
        } else {
        }
        %ne3A = arith.constant 0 : i32
        %ne3A_195 = arith.cmpi ne, %rem3A_189, %ne3A : i32
        %convert_element_type3A_196 = arith.extui %ne3A_195 : i1 to i32
        %cond3A_197 = arith.constant 0 : i32
        %cond3A_198 = arith.cmpi ne, %convert_element_type3A_196, %cond3A_197 : i32
        scf.if %cond3A_198 {
          %mul3A_211 = arith.constant 96 : i32
          %mul3A_212 = arith.muli %scan3A_132, %mul3A_211 : i32
          %dma_wait3A = tpu.memref_slice %arg10[%mul3A_212] : memref<7920xi32, #tpu.memory_space<vmem>> -> memref<96xi32, #tpu.memory_space<vmem>>
          %dma_wait3A_213 = arith.constant 0 : i32
          %dma_wait3A_214 = arith.constant 0 : i32
          %dma_wait3A_215 = tpu.memref_slice %arg4[%dma_wait3A_213, %dma_wait3A_214] : memref<16384x128xf32, #tpu.memory_space<hbm>> -> memref<16384x128xf32, #tpu.memory_space<hbm>>
          tpu.wait_indirect_dma semaphore(%arg24 : memref<!tpu.dma_semaphore, #tpu.memory_space<semaphore_mem>>) src(%dma_wait3A_215 : memref<16384x128xf32, #tpu.memory_space<hbm>>) dst(%arg13 : memref<96x128xf32, #tpu.memory_space<vmem>>)
        } else {
        }
        %rem3A_199 = arith.constant 2 : i32
        %rem3A_200 = arith.remsi %scan3A_132, %rem3A_199 : i32
        %eq3A_201 = arith.constant 0 : i32
        %eq3A_202 = arith.cmpi eq, %rem3A_200, %eq3A_201 : i32
        %convert_element_type3A_203 = arith.extui %eq3A_202 : i1 to i32
        %cond3A_204 = arith.constant 0 : i32
        %cond3A_205 = arith.cmpi ne, %convert_element_type3A_203, %cond3A_204 : i32
        scf.if %cond3A_205 {
          %mul3A_211 = arith.constant 96 : i32
          %mul3A_212 = arith.muli %scan3A_132, %mul3A_211 : i32
          %dma_start3A_213 = tpu.memref_slice %arg11[%mul3A_212] : memref<7920xi32, #tpu.memory_space<vmem>> -> memref<96xi32, #tpu.memory_space<vmem>>
          %dma_start3A_214 = arith.constant 0 : i32
          %dma_start3A_215 = arith.constant 0 : i32
          %dma_start3A_216 = tpu.memref_slice %arg6[%dma_start3A_214, %dma_start3A_215] : memref<250000x128xf32, #tpu.memory_space<hbm>> -> memref<250000x128xf32, #tpu.memory_space<hbm>>
          tpu.enqueue_indirect_dma source(%arg12 : memref<96x128xf32, #tpu.memory_space<vmem>>) target(%dma_start3A_216 : memref<250000x128xf32, #tpu.memory_space<hbm>>) offsets(%dma_start3A_213 : memref<96xi32, #tpu.memory_space<vmem>>) semaphore(%arg25 : memref<!tpu.dma_semaphore, #tpu.memory_space<semaphore_mem>>)
        } else {
        }
        %ne3A_206 = arith.constant 0 : i32
        %ne3A_207 = arith.cmpi ne, %rem3A_200, %ne3A_206 : i32
        %convert_element_type3A_208 = arith.extui %ne3A_207 : i1 to i32
        %cond3A_209 = arith.constant 0 : i32
        %cond3A_210 = arith.cmpi ne, %convert_element_type3A_208, %cond3A_209 : i32
        scf.if %cond3A_210 {
          %mul3A_211 = arith.constant 96 : i32
          %mul3A_212 = arith.muli %scan3A_132, %mul3A_211 : i32
          %dma_start3A_213 = tpu.memref_slice %arg11[%mul3A_212] : memref<7920xi32, #tpu.memory_space<vmem>> -> memref<96xi32, #tpu.memory_space<vmem>>
          %dma_start3A_214 = arith.constant 0 : i32
          %dma_start3A_215 = arith.constant 0 : i32
          %dma_start3A_216 = tpu.memref_slice %arg6[%dma_start3A_214, %dma_start3A_215] : memref<250000x128xf32, #tpu.memory_space<hbm>> -> memref<250000x128xf32, #tpu.memory_space<hbm>>
          tpu.enqueue_indirect_dma source(%arg13 : memref<96x128xf32, #tpu.memory_space<vmem>>) target(%dma_start3A_216 : memref<250000x128xf32, #tpu.memory_space<hbm>>) offsets(%dma_start3A_213 : memref<96xi32, #tpu.memory_space<vmem>>) semaphore(%arg25 : memref<!tpu.dma_semaphore, #tpu.memory_space<semaphore_mem>>)
        } else {
        }
      } else {
      }
      %and3A_168 = arith.constant 7 : i32
      %and3A_169 = arith.andi %scan3A_128, %and3A_168 : i32
      %eq3A_170 = arith.constant 0 : i32
      %eq3A_171 = arith.cmpi eq, %and3A_169, %eq3A_170 : i32
      %convert_element_type3A_172 = arith.extui %eq3A_171 : i1 to i32
      %cond3A_173 = arith.constant 0 : i32
      %cond3A_174 = arith.cmpi ne, %convert_element_type3A_172, %cond3A_173 : i32
      scf.if %cond3A_174 {
        %shift_right_logical3A = arith.constant 3 : i32
        %shift_right_logical3A_189 = arith.shrui %scan3A_128, %shift_right_logical3A : i32
        %add3A_190 = arith.constant 128 : i32
        %add3A_191 = arith.addi %add3A_190, %shift_right_logical3A_189 : i32
        %lt3A_192 = arith.cmpi slt, %add3A_191, %select_n3A : i32
        %convert_element_type3A_193 = arith.extui %lt3A_192 : i1 to i32
        %cond3A_194 = arith.constant 0 : i32
        %cond3A_195 = arith.cmpi ne, %convert_element_type3A_193, %cond3A_194 : i32
        scf.if %cond3A_195 {
          %ge3A_196 = arith.constant 3 : i32
          %ge3A_197 = arith.cmpi sge, %add3A_191, %ge3A_196 : i32
          %convert_element_type3A_198 = arith.extui %ge3A_197 : i1 to i32
          %cond3A_199 = arith.constant 0 : i32
          %cond3A_200 = arith.cmpi ne, %convert_element_type3A_198, %cond3A_199 : i32
          scf.if %cond3A_200 {
            %sub3A_270 = arith.constant 3 : i32
            %sub3A_271 = arith.subi %add3A_191, %sub3A_270 : i32
            %rem3A_272 = arith.constant 6 : i32
            %rem3A_273 = arith.remsi %sub3A_271, %rem3A_272 : i32
            %eq3A_274 = arith.constant 0 : i32
            %eq3A_275 = arith.cmpi eq, %rem3A_273, %eq3A_274 : i32
            %convert_element_type3A_276 = arith.extui %eq3A_275 : i1 to i32
            %cond3A_277 = arith.constant 0 : i32
            %cond3A_278 = arith.cmpi ne, %convert_element_type3A_276, %cond3A_277 : i32
            scf.if %cond3A_278 {
              %sub3A_304 = arith.constant 3 : i32
              %sub3A_305 = arith.subi %add3A_191, %sub3A_304 : i32
              %mul3A_306 = arith.constant 48 : i32
              %mul3A_307 = arith.muli %sub3A_305, %mul3A_306 : i32
              %add3A_308 = arith.addi %mul3A_2, %mul3A_307 : i32
              %dma_wait3A = arith.constant 0 : i32
              %dma_wait3A_309 = tpu.memref_slice %arg6[%add3A_308, %dma_wait3A] : memref<250000x128xf32, #tpu.memory_space<hbm>> -> memref<48x128xf32, #tpu.memory_space<hbm>>
              %dma_wait3A_310 = arith.constant 0 : i32
              %dma_wait3A_311 = tpu.memref_slice %arg6[%add3A_308, %dma_wait3A_310] : memref<250000x128xf32, #tpu.memory_space<hbm>> -> memref<48x128xf32, #tpu.memory_space<hbm>>
              tpu.wait_dma2 semaphore(%arg23 : memref<!tpu.dma_semaphore, #tpu.memory_space<semaphore_mem>>) src(%arg14 : memref<48x128xf32, #tpu.memory_space<vmem>>) dst(%dma_wait3A_311 : memref<48x128xf32, #tpu.memory_space<hbm>>)
            } else {
            }
            %eq3A_279 = arith.constant 1 : i32
            %eq3A_280 = arith.cmpi eq, %rem3A_273, %eq3A_279 : i32
            %convert_element_type3A_281 = arith.extui %eq3A_280 : i1 to i32
            %cond3A_282 = arith.constant 0 : i32
            %cond3A_283 = arith.cmpi ne, %convert_element_type3A_281, %cond3A_282 : i32
            scf.if %cond3A_283 {
              %sub3A_304 = arith.constant 3 : i32
              %sub3A_305 = arith.subi %add3A_191, %sub3A_304 : i32
              %mul3A_306 = arith.constant 48 : i32
              %mul3A_307 = arith.muli %sub3A_305, %mul3A_306 : i32
              %add3A_308 = arith.addi %mul3A_2, %mul3A_307 : i32
              %dma_wait3A = arith.constant 0 : i32
              %dma_wait3A_309 = tpu.memref_slice %arg6[%add3A_308, %dma_wait3A] : memref<250000x128xf32, #tpu.memory_space<hbm>> -> memref<48x128xf32, #tpu.memory_space<hbm>>
              %dma_wait3A_310 = arith.constant 0 : i32
              %dma_wait3A_311 = tpu.memref_slice %arg6[%add3A_308, %dma_wait3A_310] : memref<250000x128xf32, #tpu.memory_space<hbm>> -> memref<48x128xf32, #tpu.memory_space<hbm>>
              tpu.wait_dma2 semaphore(%arg23 : memref<!tpu.dma_semaphore, #tpu.memory_space<semaphore_mem>>) src(%arg15 : memref<48x128xf32, #tpu.memory_space<vmem>>) dst(%dma_wait3A_311 : memref<48x128xf32, #tpu.memory_space<hbm>>)
            } else {
            }
            %eq3A_284 = arith.constant 2 : i32
            %eq3A_285 = arith.cmpi eq, %rem3A_273, %eq3A_284 : i32
            %convert_element_type3A_286 = arith.extui %eq3A_285 : i1 to i32
            %cond3A_287 = arith.constant 0 : i32
            %cond3A_288 = arith.cmpi ne, %convert_element_type3A_286, %cond3A_287 : i32
            scf.if %cond3A_288 {
              %sub3A_304 = arith.constant 3 : i32
              %sub3A_305 = arith.subi %add3A_191, %sub3A_304 : i32
              %mul3A_306 = arith.constant 48 : i32
              %mul3A_307 = arith.muli %sub3A_305, %mul3A_306 : i32
              %add3A_308 = arith.addi %mul3A_2, %mul3A_307 : i32
              %dma_wait3A = arith.constant 0 : i32
              %dma_wait3A_309 = tpu.memref_slice %arg6[%add3A_308, %dma_wait3A] : memref<250000x128xf32, #tpu.memory_space<hbm>> -> memref<48x128xf32, #tpu.memory_space<hbm>>
              %dma_wait3A_310 = arith.constant 0 : i32
              %dma_wait3A_311 = tpu.memref_slice %arg6[%add3A_308, %dma_wait3A_310] : memref<250000x128xf32, #tpu.memory_space<hbm>> -> memref<48x128xf32, #tpu.memory_space<hbm>>
              tpu.wait_dma2 semaphore(%arg23 : memref<!tpu.dma_semaphore, #tpu.memory_space<semaphore_mem>>) src(%arg16 : memref<48x128xf32, #tpu.memory_space<vmem>>) dst(%dma_wait3A_311 : memref<48x128xf32, #tpu.memory_space<hbm>>)
            } else {
            }
            %eq3A_289 = arith.constant 3 : i32
            %eq3A_290 = arith.cmpi eq, %rem3A_273, %eq3A_289 : i32
            %convert_element_type3A_291 = arith.extui %eq3A_290 : i1 to i32
            %cond3A_292 = arith.constant 0 : i32
            %cond3A_293 = arith.cmpi ne, %convert_element_type3A_291, %cond3A_292 : i32
            scf.if %cond3A_293 {
              %sub3A_304 = arith.constant 3 : i32
              %sub3A_305 = arith.subi %add3A_191, %sub3A_304 : i32
              %mul3A_306 = arith.constant 48 : i32
              %mul3A_307 = arith.muli %sub3A_305, %mul3A_306 : i32
              %add3A_308 = arith.addi %mul3A_2, %mul3A_307 : i32
              %dma_wait3A = arith.constant 0 : i32
              %dma_wait3A_309 = tpu.memref_slice %arg6[%add3A_308, %dma_wait3A] : memref<250000x128xf32, #tpu.memory_space<hbm>> -> memref<48x128xf32, #tpu.memory_space<hbm>>
              %dma_wait3A_310 = arith.constant 0 : i32
              %dma_wait3A_311 = tpu.memref_slice %arg6[%add3A_308, %dma_wait3A_310] : memref<250000x128xf32, #tpu.memory_space<hbm>> -> memref<48x128xf32, #tpu.memory_space<hbm>>
              tpu.wait_dma2 semaphore(%arg23 : memref<!tpu.dma_semaphore, #tpu.memory_space<semaphore_mem>>) src(%arg17 : memref<48x128xf32, #tpu.memory_space<vmem>>) dst(%dma_wait3A_311 : memref<48x128xf32, #tpu.memory_space<hbm>>)
            } else {
            }
            %eq3A_294 = arith.constant 4 : i32
            %eq3A_295 = arith.cmpi eq, %rem3A_273, %eq3A_294 : i32
            %convert_element_type3A_296 = arith.extui %eq3A_295 : i1 to i32
            %cond3A_297 = arith.constant 0 : i32
            %cond3A_298 = arith.cmpi ne, %convert_element_type3A_296, %cond3A_297 : i32
            scf.if %cond3A_298 {
              %sub3A_304 = arith.constant 3 : i32
              %sub3A_305 = arith.subi %add3A_191, %sub3A_304 : i32
              %mul3A_306 = arith.constant 48 : i32
              %mul3A_307 = arith.muli %sub3A_305, %mul3A_306 : i32
              %add3A_308 = arith.addi %mul3A_2, %mul3A_307 : i32
              %dma_wait3A = arith.constant 0 : i32
              %dma_wait3A_309 = tpu.memref_slice %arg6[%add3A_308, %dma_wait3A] : memref<250000x128xf32, #tpu.memory_space<hbm>> -> memref<48x128xf32, #tpu.memory_space<hbm>>
              %dma_wait3A_310 = arith.constant 0 : i32
              %dma_wait3A_311 = tpu.memref_slice %arg6[%add3A_308, %dma_wait3A_310] : memref<250000x128xf32, #tpu.memory_space<hbm>> -> memref<48x128xf32, #tpu.memory_space<hbm>>
              tpu.wait_dma2 semaphore(%arg23 : memref<!tpu.dma_semaphore, #tpu.memory_space<semaphore_mem>>) src(%arg18 : memref<48x128xf32, #tpu.memory_space<vmem>>) dst(%dma_wait3A_311 : memref<48x128xf32, #tpu.memory_space<hbm>>)
            } else {
            }
            %eq3A_299 = arith.constant 5 : i32
            %eq3A_300 = arith.cmpi eq, %rem3A_273, %eq3A_299 : i32
            %convert_element_type3A_301 = arith.extui %eq3A_300 : i1 to i32
            %cond3A_302 = arith.constant 0 : i32
            %cond3A_303 = arith.cmpi ne, %convert_element_type3A_301, %cond3A_302 : i32
            scf.if %cond3A_303 {
              %sub3A_304 = arith.constant 3 : i32
              %sub3A_305 = arith.subi %add3A_191, %sub3A_304 : i32
              %mul3A_306 = arith.constant 48 : i32
              %mul3A_307 = arith.muli %sub3A_305, %mul3A_306 : i32
              %add3A_308 = arith.addi %mul3A_2, %mul3A_307 : i32
              %dma_wait3A = arith.constant 0 : i32
              %dma_wait3A_309 = tpu.memref_slice %arg6[%add3A_308, %dma_wait3A] : memref<250000x128xf32, #tpu.memory_space<hbm>> -> memref<48x128xf32, #tpu.memory_space<hbm>>
              %dma_wait3A_310 = arith.constant 0 : i32
              %dma_wait3A_311 = tpu.memref_slice %arg6[%add3A_308, %dma_wait3A_310] : memref<250000x128xf32, #tpu.memory_space<hbm>> -> memref<48x128xf32, #tpu.memory_space<hbm>>
              tpu.wait_dma2 semaphore(%arg23 : memref<!tpu.dma_semaphore, #tpu.memory_space<semaphore_mem>>) src(%arg19 : memref<48x128xf32, #tpu.memory_space<vmem>>) dst(%dma_wait3A_311 : memref<48x128xf32, #tpu.memory_space<hbm>>)
            } else {
            }
          } else {
          }
          %add3A_201 = arith.constant 3 : i32
          %add3A_202 = arith.addi %add3A_191, %add3A_201 : i32
          %lt3A_203 = arith.cmpi slt, %add3A_202, %select_n3A : i32
          %convert_element_type3A_204 = arith.extui %lt3A_203 : i1 to i32
          %cond3A_205 = arith.constant 0 : i32
          %cond3A_206 = arith.cmpi ne, %convert_element_type3A_204, %cond3A_205 : i32
          scf.if %cond3A_206 {
            %add3A_270 = arith.constant 3 : i32
            %add3A_271 = arith.addi %add3A_191, %add3A_270 : i32
            %rem3A_272 = arith.constant 6 : i32
            %rem3A_273 = arith.remsi %add3A_271, %rem3A_272 : i32
            %eq3A_274 = arith.constant 0 : i32
            %eq3A_275 = arith.cmpi eq, %rem3A_273, %eq3A_274 : i32
            %convert_element_type3A_276 = arith.extui %eq3A_275 : i1 to i32
            %cond3A_277 = arith.constant 0 : i32
            %cond3A_278 = arith.cmpi ne, %convert_element_type3A_276, %cond3A_277 : i32
            scf.if %cond3A_278 {
              %add3A_304 = arith.constant 3 : i32
              %add3A_305 = arith.addi %add3A_191, %add3A_304 : i32
              %mul3A_306 = arith.constant 48 : i32
              %mul3A_307 = arith.muli %add3A_305, %mul3A_306 : i32
              %add3A_308 = arith.addi %mul3A_2, %mul3A_307 : i32
              %dma_start3A_309 = arith.constant 0 : i32
              %dma_start3A_310 = tpu.memref_slice %arg2[%add3A_308, %dma_start3A_309] : memref<250000x128xf32, #tpu.memory_space<hbm>> -> memref<48x128xf32, #tpu.memory_space<hbm>>
              %dma_start3A_311 = arith.constant 0 : i32
              %dma_start3A_312 = tpu.memref_slice %arg2[%add3A_308, %dma_start3A_311] : memref<250000x128xf32, #tpu.memory_space<hbm>> -> memref<48x128xf32, #tpu.memory_space<hbm>>
              tpu.enqueue_dma source(%dma_start3A_312 : memref<48x128xf32, #tpu.memory_space<hbm>>) target(%arg14 : memref<48x128xf32, #tpu.memory_space<vmem>>) target_semaphore(%arg22 : memref<!tpu.dma_semaphore, #tpu.memory_space<semaphore_mem>>)
            } else {
            }
            %eq3A_279 = arith.constant 1 : i32
            %eq3A_280 = arith.cmpi eq, %rem3A_273, %eq3A_279 : i32
            %convert_element_type3A_281 = arith.extui %eq3A_280 : i1 to i32
            %cond3A_282 = arith.constant 0 : i32
            %cond3A_283 = arith.cmpi ne, %convert_element_type3A_281, %cond3A_282 : i32
            scf.if %cond3A_283 {
              %add3A_304 = arith.constant 3 : i32
              %add3A_305 = arith.addi %add3A_191, %add3A_304 : i32
              %mul3A_306 = arith.constant 48 : i32
              %mul3A_307 = arith.muli %add3A_305, %mul3A_306 : i32
              %add3A_308 = arith.addi %mul3A_2, %mul3A_307 : i32
              %dma_start3A_309 = arith.constant 0 : i32
              %dma_start3A_310 = tpu.memref_slice %arg2[%add3A_308, %dma_start3A_309] : memref<250000x128xf32, #tpu.memory_space<hbm>> -> memref<48x128xf32, #tpu.memory_space<hbm>>
              %dma_start3A_311 = arith.constant 0 : i32
              %dma_start3A_312 = tpu.memref_slice %arg2[%add3A_308, %dma_start3A_311] : memref<250000x128xf32, #tpu.memory_space<hbm>> -> memref<48x128xf32, #tpu.memory_space<hbm>>
              tpu.enqueue_dma source(%dma_start3A_312 : memref<48x128xf32, #tpu.memory_space<hbm>>) target(%arg15 : memref<48x128xf32, #tpu.memory_space<vmem>>) target_semaphore(%arg22 : memref<!tpu.dma_semaphore, #tpu.memory_space<semaphore_mem>>)
            } else {
            }
            %eq3A_284 = arith.constant 2 : i32
            %eq3A_285 = arith.cmpi eq, %rem3A_273, %eq3A_284 : i32
            %convert_element_type3A_286 = arith.extui %eq3A_285 : i1 to i32
            %cond3A_287 = arith.constant 0 : i32
            %cond3A_288 = arith.cmpi ne, %convert_element_type3A_286, %cond3A_287 : i32
            scf.if %cond3A_288 {
              %add3A_304 = arith.constant 3 : i32
              %add3A_305 = arith.addi %add3A_191, %add3A_304 : i32
              %mul3A_306 = arith.constant 48 : i32
              %mul3A_307 = arith.muli %add3A_305, %mul3A_306 : i32
              %add3A_308 = arith.addi %mul3A_2, %mul3A_307 : i32
              %dma_start3A_309 = arith.constant 0 : i32
              %dma_start3A_310 = tpu.memref_slice %arg2[%add3A_308, %dma_start3A_309] : memref<250000x128xf32, #tpu.memory_space<hbm>> -> memref<48x128xf32, #tpu.memory_space<hbm>>
              %dma_start3A_311 = arith.constant 0 : i32
              %dma_start3A_312 = tpu.memref_slice %arg2[%add3A_308, %dma_start3A_311] : memref<250000x128xf32, #tpu.memory_space<hbm>> -> memref<48x128xf32, #tpu.memory_space<hbm>>
              tpu.enqueue_dma source(%dma_start3A_312 : memref<48x128xf32, #tpu.memory_space<hbm>>) target(%arg16 : memref<48x128xf32, #tpu.memory_space<vmem>>) target_semaphore(%arg22 : memref<!tpu.dma_semaphore, #tpu.memory_space<semaphore_mem>>)
            } else {
            }
            %eq3A_289 = arith.constant 3 : i32
            %eq3A_290 = arith.cmpi eq, %rem3A_273, %eq3A_289 : i32
            %convert_element_type3A_291 = arith.extui %eq3A_290 : i1 to i32
            %cond3A_292 = arith.constant 0 : i32
            %cond3A_293 = arith.cmpi ne, %convert_element_type3A_291, %cond3A_292 : i32
            scf.if %cond3A_293 {
              %add3A_304 = arith.constant 3 : i32
              %add3A_305 = arith.addi %add3A_191, %add3A_304 : i32
              %mul3A_306 = arith.constant 48 : i32
              %mul3A_307 = arith.muli %add3A_305, %mul3A_306 : i32
              %add3A_308 = arith.addi %mul3A_2, %mul3A_307 : i32
              %dma_start3A_309 = arith.constant 0 : i32
              %dma_start3A_310 = tpu.memref_slice %arg2[%add3A_308, %dma_start3A_309] : memref<250000x128xf32, #tpu.memory_space<hbm>> -> memref<48x128xf32, #tpu.memory_space<hbm>>
              %dma_start3A_311 = arith.constant 0 : i32
              %dma_start3A_312 = tpu.memref_slice %arg2[%add3A_308, %dma_start3A_311] : memref<250000x128xf32, #tpu.memory_space<hbm>> -> memref<48x128xf32, #tpu.memory_space<hbm>>
              tpu.enqueue_dma source(%dma_start3A_312 : memref<48x128xf32, #tpu.memory_space<hbm>>) target(%arg17 : memref<48x128xf32, #tpu.memory_space<vmem>>) target_semaphore(%arg22 : memref<!tpu.dma_semaphore, #tpu.memory_space<semaphore_mem>>)
            } else {
            }
            %eq3A_294 = arith.constant 4 : i32
            %eq3A_295 = arith.cmpi eq, %rem3A_273, %eq3A_294 : i32
            %convert_element_type3A_296 = arith.extui %eq3A_295 : i1 to i32
            %cond3A_297 = arith.constant 0 : i32
            %cond3A_298 = arith.cmpi ne, %convert_element_type3A_296, %cond3A_297 : i32
            scf.if %cond3A_298 {
              %add3A_304 = arith.constant 3 : i32
              %add3A_305 = arith.addi %add3A_191, %add3A_304 : i32
              %mul3A_306 = arith.constant 48 : i32
              %mul3A_307 = arith.muli %add3A_305, %mul3A_306 : i32
              %add3A_308 = arith.addi %mul3A_2, %mul3A_307 : i32
              %dma_start3A_309 = arith.constant 0 : i32
              %dma_start3A_310 = tpu.memref_slice %arg2[%add3A_308, %dma_start3A_309] : memref<250000x128xf32, #tpu.memory_space<hbm>> -> memref<48x128xf32, #tpu.memory_space<hbm>>
              %dma_start3A_311 = arith.constant 0 : i32
              %dma_start3A_312 = tpu.memref_slice %arg2[%add3A_308, %dma_start3A_311] : memref<250000x128xf32, #tpu.memory_space<hbm>> -> memref<48x128xf32, #tpu.memory_space<hbm>>
              tpu.enqueue_dma source(%dma_start3A_312 : memref<48x128xf32, #tpu.memory_space<hbm>>) target(%arg18 : memref<48x128xf32, #tpu.memory_space<vmem>>) target_semaphore(%arg22 : memref<!tpu.dma_semaphore, #tpu.memory_space<semaphore_mem>>)
            } else {
            }
            %eq3A_299 = arith.constant 5 : i32
            %eq3A_300 = arith.cmpi eq, %rem3A_273, %eq3A_299 : i32
            %convert_element_type3A_301 = arith.extui %eq3A_300 : i1 to i32
            %cond3A_302 = arith.constant 0 : i32
            %cond3A_303 = arith.cmpi ne, %convert_element_type3A_301, %cond3A_302 : i32
            scf.if %cond3A_303 {
              %add3A_304 = arith.constant 3 : i32
              %add3A_305 = arith.addi %add3A_191, %add3A_304 : i32
              %mul3A_306 = arith.constant 48 : i32
              %mul3A_307 = arith.muli %add3A_305, %mul3A_306 : i32
              %add3A_308 = arith.addi %mul3A_2, %mul3A_307 : i32
              %dma_start3A_309 = arith.constant 0 : i32
              %dma_start3A_310 = tpu.memref_slice %arg2[%add3A_308, %dma_start3A_309] : memref<250000x128xf32, #tpu.memory_space<hbm>> -> memref<48x128xf32, #tpu.memory_space<hbm>>
              %dma_start3A_311 = arith.constant 0 : i32
              %dma_start3A_312 = tpu.memref_slice %arg2[%add3A_308, %dma_start3A_311] : memref<250000x128xf32, #tpu.memory_space<hbm>> -> memref<48x128xf32, #tpu.memory_space<hbm>>
              tpu.enqueue_dma source(%dma_start3A_312 : memref<48x128xf32, #tpu.memory_space<hbm>>) target(%arg19 : memref<48x128xf32, #tpu.memory_space<vmem>>) target_semaphore(%arg22 : memref<!tpu.dma_semaphore, #tpu.memory_space<semaphore_mem>>)
            } else {
            }
          } else {
          }
          %rem3A = arith.constant 6 : i32
          %rem3A_207 = arith.remsi %add3A_191, %rem3A : i32
          %eq3A_208 = arith.constant 0 : i32
          %eq3A_209 = arith.cmpi eq, %rem3A_207, %eq3A_208 : i32
          %convert_element_type3A_210 = arith.extui %eq3A_209 : i1 to i32
          %cond3A_211 = arith.constant 0 : i32
          %cond3A_212 = arith.cmpi ne, %convert_element_type3A_210, %cond3A_211 : i32
          scf.if %cond3A_212 {
            %mul3A_270 = arith.constant 48 : i32
            %mul3A_271 = arith.muli %add3A_191, %mul3A_270 : i32
            %add3A_272 = arith.addi %mul3A_2, %mul3A_271 : i32
            %dma_wait3A = arith.constant 0 : i32
            %dma_wait3A_273 = tpu.memref_slice %arg2[%add3A_272, %dma_wait3A] : memref<250000x128xf32, #tpu.memory_space<hbm>> -> memref<48x128xf32, #tpu.memory_space<hbm>>
            %dma_wait3A_274 = arith.constant 0 : i32
            %dma_wait3A_275 = tpu.memref_slice %arg2[%add3A_272, %dma_wait3A_274] : memref<250000x128xf32, #tpu.memory_space<hbm>> -> memref<48x128xf32, #tpu.memory_space<hbm>>
            tpu.wait_dma2 semaphore(%arg22 : memref<!tpu.dma_semaphore, #tpu.memory_space<semaphore_mem>>) src(%dma_wait3A_275 : memref<48x128xf32, #tpu.memory_space<hbm>>) dst(%arg14 : memref<48x128xf32, #tpu.memory_space<vmem>>)
          } else {
          }
          %eq3A_213 = arith.constant 1 : i32
          %eq3A_214 = arith.cmpi eq, %rem3A_207, %eq3A_213 : i32
          %convert_element_type3A_215 = arith.extui %eq3A_214 : i1 to i32
          %cond3A_216 = arith.constant 0 : i32
          %cond3A_217 = arith.cmpi ne, %convert_element_type3A_215, %cond3A_216 : i32
          scf.if %cond3A_217 {
            %mul3A_270 = arith.constant 48 : i32
            %mul3A_271 = arith.muli %add3A_191, %mul3A_270 : i32
            %add3A_272 = arith.addi %mul3A_2, %mul3A_271 : i32
            %dma_wait3A = arith.constant 0 : i32
            %dma_wait3A_273 = tpu.memref_slice %arg2[%add3A_272, %dma_wait3A] : memref<250000x128xf32, #tpu.memory_space<hbm>> -> memref<48x128xf32, #tpu.memory_space<hbm>>
            %dma_wait3A_274 = arith.constant 0 : i32
            %dma_wait3A_275 = tpu.memref_slice %arg2[%add3A_272, %dma_wait3A_274] : memref<250000x128xf32, #tpu.memory_space<hbm>> -> memref<48x128xf32, #tpu.memory_space<hbm>>
            tpu.wait_dma2 semaphore(%arg22 : memref<!tpu.dma_semaphore, #tpu.memory_space<semaphore_mem>>) src(%dma_wait3A_275 : memref<48x128xf32, #tpu.memory_space<hbm>>) dst(%arg15 : memref<48x128xf32, #tpu.memory_space<vmem>>)
          } else {
          }
          %eq3A_218 = arith.constant 2 : i32
          %eq3A_219 = arith.cmpi eq, %rem3A_207, %eq3A_218 : i32
          %convert_element_type3A_220 = arith.extui %eq3A_219 : i1 to i32
          %cond3A_221 = arith.constant 0 : i32
          %cond3A_222 = arith.cmpi ne, %convert_element_type3A_220, %cond3A_221 : i32
          scf.if %cond3A_222 {
            %mul3A_270 = arith.constant 48 : i32
            %mul3A_271 = arith.muli %add3A_191, %mul3A_270 : i32
            %add3A_272 = arith.addi %mul3A_2, %mul3A_271 : i32
            %dma_wait3A = arith.constant 0 : i32
            %dma_wait3A_273 = tpu.memref_slice %arg2[%add3A_272, %dma_wait3A] : memref<250000x128xf32, #tpu.memory_space<hbm>> -> memref<48x128xf32, #tpu.memory_space<hbm>>
            %dma_wait3A_274 = arith.constant 0 : i32
            %dma_wait3A_275 = tpu.memref_slice %arg2[%add3A_272, %dma_wait3A_274] : memref<250000x128xf32, #tpu.memory_space<hbm>> -> memref<48x128xf32, #tpu.memory_space<hbm>>
            tpu.wait_dma2 semaphore(%arg22 : memref<!tpu.dma_semaphore, #tpu.memory_space<semaphore_mem>>) src(%dma_wait3A_275 : memref<48x128xf32, #tpu.memory_space<hbm>>) dst(%arg16 : memref<48x128xf32, #tpu.memory_space<vmem>>)
          } else {
          }
          %eq3A_223 = arith.constant 3 : i32
          %eq3A_224 = arith.cmpi eq, %rem3A_207, %eq3A_223 : i32
          %convert_element_type3A_225 = arith.extui %eq3A_224 : i1 to i32
          %cond3A_226 = arith.constant 0 : i32
          %cond3A_227 = arith.cmpi ne, %convert_element_type3A_225, %cond3A_226 : i32
          scf.if %cond3A_227 {
            %mul3A_270 = arith.constant 48 : i32
            %mul3A_271 = arith.muli %add3A_191, %mul3A_270 : i32
            %add3A_272 = arith.addi %mul3A_2, %mul3A_271 : i32
            %dma_wait3A = arith.constant 0 : i32
            %dma_wait3A_273 = tpu.memref_slice %arg2[%add3A_272, %dma_wait3A] : memref<250000x128xf32, #tpu.memory_space<hbm>> -> memref<48x128xf32, #tpu.memory_space<hbm>>
            %dma_wait3A_274 = arith.constant 0 : i32
            %dma_wait3A_275 = tpu.memref_slice %arg2[%add3A_272, %dma_wait3A_274] : memref<250000x128xf32, #tpu.memory_space<hbm>> -> memref<48x128xf32, #tpu.memory_space<hbm>>
            tpu.wait_dma2 semaphore(%arg22 : memref<!tpu.dma_semaphore, #tpu.memory_space<semaphore_mem>>) src(%dma_wait3A_275 : memref<48x128xf32, #tpu.memory_space<hbm>>) dst(%arg17 : memref<48x128xf32, #tpu.memory_space<vmem>>)
          } else {
          }
          %eq3A_228 = arith.constant 4 : i32
          %eq3A_229 = arith.cmpi eq, %rem3A_207, %eq3A_228 : i32
          %convert_element_type3A_230 = arith.extui %eq3A_229 : i1 to i32
          %cond3A_231 = arith.constant 0 : i32
          %cond3A_232 = arith.cmpi ne, %convert_element_type3A_230, %cond3A_231 : i32
          scf.if %cond3A_232 {
            %mul3A_270 = arith.constant 48 : i32
            %mul3A_271 = arith.muli %add3A_191, %mul3A_270 : i32
            %add3A_272 = arith.addi %mul3A_2, %mul3A_271 : i32
            %dma_wait3A = arith.constant 0 : i32
            %dma_wait3A_273 = tpu.memref_slice %arg2[%add3A_272, %dma_wait3A] : memref<250000x128xf32, #tpu.memory_space<hbm>> -> memref<48x128xf32, #tpu.memory_space<hbm>>
            %dma_wait3A_274 = arith.constant 0 : i32
            %dma_wait3A_275 = tpu.memref_slice %arg2[%add3A_272, %dma_wait3A_274] : memref<250000x128xf32, #tpu.memory_space<hbm>> -> memref<48x128xf32, #tpu.memory_space<hbm>>
            tpu.wait_dma2 semaphore(%arg22 : memref<!tpu.dma_semaphore, #tpu.memory_space<semaphore_mem>>) src(%dma_wait3A_275 : memref<48x128xf32, #tpu.memory_space<hbm>>) dst(%arg18 : memref<48x128xf32, #tpu.memory_space<vmem>>)
          } else {
          }
          %eq3A_233 = arith.constant 5 : i32
          %eq3A_234 = arith.cmpi eq, %rem3A_207, %eq3A_233 : i32
          %convert_element_type3A_235 = arith.extui %eq3A_234 : i1 to i32
          %cond3A_236 = arith.constant 0 : i32
          %cond3A_237 = arith.cmpi ne, %convert_element_type3A_235, %cond3A_236 : i32
          scf.if %cond3A_237 {
            %mul3A_270 = arith.constant 48 : i32
            %mul3A_271 = arith.muli %add3A_191, %mul3A_270 : i32
            %add3A_272 = arith.addi %mul3A_2, %mul3A_271 : i32
            %dma_wait3A = arith.constant 0 : i32
            %dma_wait3A_273 = tpu.memref_slice %arg2[%add3A_272, %dma_wait3A] : memref<250000x128xf32, #tpu.memory_space<hbm>> -> memref<48x128xf32, #tpu.memory_space<hbm>>
            %dma_wait3A_274 = arith.constant 0 : i32
            %dma_wait3A_275 = tpu.memref_slice %arg2[%add3A_272, %dma_wait3A_274] : memref<250000x128xf32, #tpu.memory_space<hbm>> -> memref<48x128xf32, #tpu.memory_space<hbm>>
            tpu.wait_dma2 semaphore(%arg22 : memref<!tpu.dma_semaphore, #tpu.memory_space<semaphore_mem>>) src(%dma_wait3A_275 : memref<48x128xf32, #tpu.memory_space<hbm>>) dst(%arg19 : memref<48x128xf32, #tpu.memory_space<vmem>>)
          } else {
          }
          %rem3A_238 = arith.constant 6 : i32
          %rem3A_239 = arith.remsi %add3A_191, %rem3A_238 : i32
          %eq3A_240 = arith.constant 0 : i32
          %eq3A_241 = arith.cmpi eq, %rem3A_239, %eq3A_240 : i32
          %convert_element_type3A_242 = arith.extui %eq3A_241 : i1 to i32
          %cond3A_243 = arith.constant 0 : i32
          %cond3A_244 = arith.cmpi ne, %convert_element_type3A_242, %cond3A_243 : i32
          scf.if %cond3A_244 {
            %mul3A_270 = arith.constant 48 : i32
            %mul3A_271 = arith.muli %add3A_191, %mul3A_270 : i32
            %add3A_272 = arith.addi %mul3A_2, %mul3A_271 : i32
            %dma_start3A_273 = arith.constant 0 : i32
            %dma_start3A_274 = tpu.memref_slice %arg6[%add3A_272, %dma_start3A_273] : memref<250000x128xf32, #tpu.memory_space<hbm>> -> memref<48x128xf32, #tpu.memory_space<hbm>>
            %dma_start3A_275 = arith.constant 0 : i32
            %dma_start3A_276 = tpu.memref_slice %arg6[%add3A_272, %dma_start3A_275] : memref<250000x128xf32, #tpu.memory_space<hbm>> -> memref<48x128xf32, #tpu.memory_space<hbm>>
            tpu.enqueue_dma source(%arg14 : memref<48x128xf32, #tpu.memory_space<vmem>>) target(%dma_start3A_276 : memref<48x128xf32, #tpu.memory_space<hbm>>) target_semaphore(%arg23 : memref<!tpu.dma_semaphore, #tpu.memory_space<semaphore_mem>>)
          } else {
          }
          %eq3A_245 = arith.constant 1 : i32
          %eq3A_246 = arith.cmpi eq, %rem3A_239, %eq3A_245 : i32
          %convert_element_type3A_247 = arith.extui %eq3A_246 : i1 to i32
          %cond3A_248 = arith.constant 0 : i32
          %cond3A_249 = arith.cmpi ne, %convert_element_type3A_247, %cond3A_248 : i32
          scf.if %cond3A_249 {
            %mul3A_270 = arith.constant 48 : i32
            %mul3A_271 = arith.muli %add3A_191, %mul3A_270 : i32
            %add3A_272 = arith.addi %mul3A_2, %mul3A_271 : i32
            %dma_start3A_273 = arith.constant 0 : i32
            %dma_start3A_274 = tpu.memref_slice %arg6[%add3A_272, %dma_start3A_273] : memref<250000x128xf32, #tpu.memory_space<hbm>> -> memref<48x128xf32, #tpu.memory_space<hbm>>
            %dma_start3A_275 = arith.constant 0 : i32
            %dma_start3A_276 = tpu.memref_slice %arg6[%add3A_272, %dma_start3A_275] : memref<250000x128xf32, #tpu.memory_space<hbm>> -> memref<48x128xf32, #tpu.memory_space<hbm>>
            tpu.enqueue_dma source(%arg15 : memref<48x128xf32, #tpu.memory_space<vmem>>) target(%dma_start3A_276 : memref<48x128xf32, #tpu.memory_space<hbm>>) target_semaphore(%arg23 : memref<!tpu.dma_semaphore, #tpu.memory_space<semaphore_mem>>)
          } else {
          }
          %eq3A_250 = arith.constant 2 : i32
          %eq3A_251 = arith.cmpi eq, %rem3A_239, %eq3A_250 : i32
          %convert_element_type3A_252 = arith.extui %eq3A_251 : i1 to i32
          %cond3A_253 = arith.constant 0 : i32
          %cond3A_254 = arith.cmpi ne, %convert_element_type3A_252, %cond3A_253 : i32
          scf.if %cond3A_254 {
            %mul3A_270 = arith.constant 48 : i32
            %mul3A_271 = arith.muli %add3A_191, %mul3A_270 : i32
            %add3A_272 = arith.addi %mul3A_2, %mul3A_271 : i32
            %dma_start3A_273 = arith.constant 0 : i32
            %dma_start3A_274 = tpu.memref_slice %arg6[%add3A_272, %dma_start3A_273] : memref<250000x128xf32, #tpu.memory_space<hbm>> -> memref<48x128xf32, #tpu.memory_space<hbm>>
            %dma_start3A_275 = arith.constant 0 : i32
            %dma_start3A_276 = tpu.memref_slice %arg6[%add3A_272, %dma_start3A_275] : memref<250000x128xf32, #tpu.memory_space<hbm>> -> memref<48x128xf32, #tpu.memory_space<hbm>>
            tpu.enqueue_dma source(%arg16 : memref<48x128xf32, #tpu.memory_space<vmem>>) target(%dma_start3A_276 : memref<48x128xf32, #tpu.memory_space<hbm>>) target_semaphore(%arg23 : memref<!tpu.dma_semaphore, #tpu.memory_space<semaphore_mem>>)
          } else {
          }
          %eq3A_255 = arith.constant 3 : i32
          %eq3A_256 = arith.cmpi eq, %rem3A_239, %eq3A_255 : i32
          %convert_element_type3A_257 = arith.extui %eq3A_256 : i1 to i32
          %cond3A_258 = arith.constant 0 : i32
          %cond3A_259 = arith.cmpi ne, %convert_element_type3A_257, %cond3A_258 : i32
          scf.if %cond3A_259 {
            %mul3A_270 = arith.constant 48 : i32
            %mul3A_271 = arith.muli %add3A_191, %mul3A_270 : i32
            %add3A_272 = arith.addi %mul3A_2, %mul3A_271 : i32
            %dma_start3A_273 = arith.constant 0 : i32
            %dma_start3A_274 = tpu.memref_slice %arg6[%add3A_272, %dma_start3A_273] : memref<250000x128xf32, #tpu.memory_space<hbm>> -> memref<48x128xf32, #tpu.memory_space<hbm>>
            %dma_start3A_275 = arith.constant 0 : i32
            %dma_start3A_276 = tpu.memref_slice %arg6[%add3A_272, %dma_start3A_275] : memref<250000x128xf32, #tpu.memory_space<hbm>> -> memref<48x128xf32, #tpu.memory_space<hbm>>
            tpu.enqueue_dma source(%arg17 : memref<48x128xf32, #tpu.memory_space<vmem>>) target(%dma_start3A_276 : memref<48x128xf32, #tpu.memory_space<hbm>>) target_semaphore(%arg23 : memref<!tpu.dma_semaphore, #tpu.memory_space<semaphore_mem>>)
          } else {
          }
          %eq3A_260 = arith.constant 4 : i32
          %eq3A_261 = arith.cmpi eq, %rem3A_239, %eq3A_260 : i32
          %convert_element_type3A_262 = arith.extui %eq3A_261 : i1 to i32
          %cond3A_263 = arith.constant 0 : i32
          %cond3A_264 = arith.cmpi ne, %convert_element_type3A_262, %cond3A_263 : i32
          scf.if %cond3A_264 {
            %mul3A_270 = arith.constant 48 : i32
            %mul3A_271 = arith.muli %add3A_191, %mul3A_270 : i32
            %add3A_272 = arith.addi %mul3A_2, %mul3A_271 : i32
            %dma_start3A_273 = arith.constant 0 : i32
            %dma_start3A_274 = tpu.memref_slice %arg6[%add3A_272, %dma_start3A_273] : memref<250000x128xf32, #tpu.memory_space<hbm>> -> memref<48x128xf32, #tpu.memory_space<hbm>>
            %dma_start3A_275 = arith.constant 0 : i32
            %dma_start3A_276 = tpu.memref_slice %arg6[%add3A_272, %dma_start3A_275] : memref<250000x128xf32, #tpu.memory_space<hbm>> -> memref<48x128xf32, #tpu.memory_space<hbm>>
            tpu.enqueue_dma source(%arg18 : memref<48x128xf32, #tpu.memory_space<vmem>>) target(%dma_start3A_276 : memref<48x128xf32, #tpu.memory_space<hbm>>) target_semaphore(%arg23 : memref<!tpu.dma_semaphore, #tpu.memory_space<semaphore_mem>>)
          } else {
          }
          %eq3A_265 = arith.constant 5 : i32
          %eq3A_266 = arith.cmpi eq, %rem3A_239, %eq3A_265 : i32
          %convert_element_type3A_267 = arith.extui %eq3A_266 : i1 to i32
          %cond3A_268 = arith.constant 0 : i32
          %cond3A_269 = arith.cmpi ne, %convert_element_type3A_267, %cond3A_268 : i32
          scf.if %cond3A_269 {
            %mul3A_270 = arith.constant 48 : i32
            %mul3A_271 = arith.muli %add3A_191, %mul3A_270 : i32
            %add3A_272 = arith.addi %mul3A_2, %mul3A_271 : i32
            %dma_start3A_273 = arith.constant 0 : i32
            %dma_start3A_274 = tpu.memref_slice %arg6[%add3A_272, %dma_start3A_273] : memref<250000x128xf32, #tpu.memory_space<hbm>> -> memref<48x128xf32, #tpu.memory_space<hbm>>
            %dma_start3A_275 = arith.constant 0 : i32
            %dma_start3A_276 = tpu.memref_slice %arg6[%add3A_272, %dma_start3A_275] : memref<250000x128xf32, #tpu.memory_space<hbm>> -> memref<48x128xf32, #tpu.memory_space<hbm>>
            tpu.enqueue_dma source(%arg19 : memref<48x128xf32, #tpu.memory_space<vmem>>) target(%dma_start3A_276 : memref<48x128xf32, #tpu.memory_space<hbm>>) target_semaphore(%arg23 : memref<!tpu.dma_semaphore, #tpu.memory_space<semaphore_mem>>)
          } else {
          }
        } else {
        }
      } else {
      }
      %mul3A_175 = arith.constant 16 : i32
      %mul3A_176 = arith.muli %scan3A_128, %mul3A_175 : i32
      %add3A_177 = vector.broadcast %mul3A_176 : i32 to vector<16xi32>
      %add3A_178 = arith.addi %add3A_177, %iota3A : vector<16xi32>
      %mul3A_179 = arith.constant 16384 : i32
      %mul3A_180 = vector.broadcast %mul3A_179 : i32 to vector<16xi32>
      %mul3A_181 = arith.muli %add3A_178, %mul3A_180 : vector<16xi32>
      %add3A_182 = arith.addi %mul3A_181, %get3A_135 : vector<16xi32>
      %jit3A_183 = arith.constant -1 : i32
      %broadcast_in_dim3A_184 = vector.broadcast %jit3A_183 : i32 to vector<16xi32>
      %select_n3A_185 = arith.select %ge3A_137, %add3A_182, %broadcast_in_dim3A_184 : vector<16xi1>, vector<16xi32>
      %max3A_186 = arith.maxsi %scan3A_130, %select_n3A_185 : vector<16xi32>
      %convert_element_type3A_187 = arith.extui %and3A_164 : i1 to i32
      %add3A_188 = arith.addi %scan3A_132, %convert_element_type3A_187 : i32
      scf.yield %add3A_147, %max3A_186, %add3A_158, %add3A_188 : i32, vector<16xi32>, i32, i32
    }
    %scan3A_67 = arith.constant 489 : i32
    %reduce_max3A = arith.constant true
    %reduce_max3A_68 = vector.broadcast %reduce_max3A : i1 to vector<16xi1>
    %reduce_max3A_69 = arith.constant -2147483648 : i32
    %reduce_max3A_70 = vector.broadcast %reduce_max3A_69 : i32 to vector<16xi32>
    %reduce_max3A_71 = arith.xori %scan3A_66#1, %reduce_max3A_70 : vector<16xi32>
    %reduce_max3A_72 = tpu.scan <max>, %reduce_max3A_71 masked %reduce_max3A_68 : vector<16xi32>, vector<16xi1> -> vector<16xi32>
    %reduce_max3A_73 = arith.xori %reduce_max3A_72, %reduce_max3A_70 : vector<16xi32>
    %reduce_max3A_74 = vector.extract %reduce_max3A_73[15] : i32 from vector<16xi32>
    %sub3A = arith.constant 190 : i32
    %sub3A_75 = arith.subi %select_n3A, %sub3A : i32
    %max3A = arith.constant 0 : i32
    %max3A_76 = arith.maxsi %sub3A_75, %max3A : i32
    %while3A = arith.constant 0 : i32
    %while3A_77 = arith.constant 0 : i32
    %while3A_78 = arith.subi %max3A_76, %while3A : i32
    %while3A_79 = arith.addi %while3A, %while3A_78 : i32
    %while3A_80 = arith.constant 1 : i32
    %while3A_81 = arith.divsi %while3A_78, %while3A_80 : i32
    %while3A_82 = arith.muli %while3A_81, %while3A_80 : i32
    %while3A_83 = arith.addi %while3A, %while3A_82 : i32
    %while3A_84 = arith.constant 1 : i32
    %while3A_85 = scf.for %while3A_128 = %while3A to %while3A_83 step %while3A_84 iter_args(%while3A_129 = %while3A_77) -> (i32)  : i32 {
      %add3A_130 = arith.constant 190 : i32
      %add3A_131 = arith.addi %add3A_130, %while3A_128 : i32
      %lt3A = arith.cmpi slt, %add3A_131, %select_n3A : i32
      %convert_element_type3A_132 = arith.extui %lt3A : i1 to i32
      %cond3A_133 = arith.constant 0 : i32
      %cond3A_134 = arith.cmpi ne, %convert_element_type3A_132, %cond3A_133 : i32
      scf.if %cond3A_134 {
        %ge3A = arith.constant 3 : i32
        %ge3A_136 = arith.cmpi sge, %add3A_131, %ge3A : i32
        %convert_element_type3A_137 = arith.extui %ge3A_136 : i1 to i32
        %cond3A_138 = arith.constant 0 : i32
        %cond3A_139 = arith.cmpi ne, %convert_element_type3A_137, %cond3A_138 : i32
        scf.if %cond3A_139 {
          %sub3A_209 = arith.constant 3 : i32
          %sub3A_210 = arith.subi %add3A_131, %sub3A_209 : i32
          %rem3A_211 = arith.constant 6 : i32
          %rem3A_212 = arith.remsi %sub3A_210, %rem3A_211 : i32
          %eq3A_213 = arith.constant 0 : i32
          %eq3A_214 = arith.cmpi eq, %rem3A_212, %eq3A_213 : i32
          %convert_element_type3A_215 = arith.extui %eq3A_214 : i1 to i32
          %cond3A_216 = arith.constant 0 : i32
          %cond3A_217 = arith.cmpi ne, %convert_element_type3A_215, %cond3A_216 : i32
          scf.if %cond3A_217 {
            %sub3A_243 = arith.constant 3 : i32
            %sub3A_244 = arith.subi %add3A_131, %sub3A_243 : i32
            %mul3A_245 = arith.constant 48 : i32
            %mul3A_246 = arith.muli %sub3A_244, %mul3A_245 : i32
            %add3A_247 = arith.addi %mul3A_2, %mul3A_246 : i32
            %dma_wait3A = arith.constant 0 : i32
            %dma_wait3A_248 = tpu.memref_slice %arg6[%add3A_247, %dma_wait3A] : memref<250000x128xf32, #tpu.memory_space<hbm>> -> memref<48x128xf32, #tpu.memory_space<hbm>>
            %dma_wait3A_249 = arith.constant 0 : i32
            %dma_wait3A_250 = tpu.memref_slice %arg6[%add3A_247, %dma_wait3A_249] : memref<250000x128xf32, #tpu.memory_space<hbm>> -> memref<48x128xf32, #tpu.memory_space<hbm>>
            tpu.wait_dma2 semaphore(%arg23 : memref<!tpu.dma_semaphore, #tpu.memory_space<semaphore_mem>>) src(%arg14 : memref<48x128xf32, #tpu.memory_space<vmem>>) dst(%dma_wait3A_250 : memref<48x128xf32, #tpu.memory_space<hbm>>)
          } else {
          }
          %eq3A_218 = arith.constant 1 : i32
          %eq3A_219 = arith.cmpi eq, %rem3A_212, %eq3A_218 : i32
          %convert_element_type3A_220 = arith.extui %eq3A_219 : i1 to i32
          %cond3A_221 = arith.constant 0 : i32
          %cond3A_222 = arith.cmpi ne, %convert_element_type3A_220, %cond3A_221 : i32
          scf.if %cond3A_222 {
            %sub3A_243 = arith.constant 3 : i32
            %sub3A_244 = arith.subi %add3A_131, %sub3A_243 : i32
            %mul3A_245 = arith.constant 48 : i32
            %mul3A_246 = arith.muli %sub3A_244, %mul3A_245 : i32
            %add3A_247 = arith.addi %mul3A_2, %mul3A_246 : i32
            %dma_wait3A = arith.constant 0 : i32
            %dma_wait3A_248 = tpu.memref_slice %arg6[%add3A_247, %dma_wait3A] : memref<250000x128xf32, #tpu.memory_space<hbm>> -> memref<48x128xf32, #tpu.memory_space<hbm>>
            %dma_wait3A_249 = arith.constant 0 : i32
            %dma_wait3A_250 = tpu.memref_slice %arg6[%add3A_247, %dma_wait3A_249] : memref<250000x128xf32, #tpu.memory_space<hbm>> -> memref<48x128xf32, #tpu.memory_space<hbm>>
            tpu.wait_dma2 semaphore(%arg23 : memref<!tpu.dma_semaphore, #tpu.memory_space<semaphore_mem>>) src(%arg15 : memref<48x128xf32, #tpu.memory_space<vmem>>) dst(%dma_wait3A_250 : memref<48x128xf32, #tpu.memory_space<hbm>>)
          } else {
          }
          %eq3A_223 = arith.constant 2 : i32
          %eq3A_224 = arith.cmpi eq, %rem3A_212, %eq3A_223 : i32
          %convert_element_type3A_225 = arith.extui %eq3A_224 : i1 to i32
          %cond3A_226 = arith.constant 0 : i32
          %cond3A_227 = arith.cmpi ne, %convert_element_type3A_225, %cond3A_226 : i32
          scf.if %cond3A_227 {
            %sub3A_243 = arith.constant 3 : i32
            %sub3A_244 = arith.subi %add3A_131, %sub3A_243 : i32
            %mul3A_245 = arith.constant 48 : i32
            %mul3A_246 = arith.muli %sub3A_244, %mul3A_245 : i32
            %add3A_247 = arith.addi %mul3A_2, %mul3A_246 : i32
            %dma_wait3A = arith.constant 0 : i32
            %dma_wait3A_248 = tpu.memref_slice %arg6[%add3A_247, %dma_wait3A] : memref<250000x128xf32, #tpu.memory_space<hbm>> -> memref<48x128xf32, #tpu.memory_space<hbm>>
            %dma_wait3A_249 = arith.constant 0 : i32
            %dma_wait3A_250 = tpu.memref_slice %arg6[%add3A_247, %dma_wait3A_249] : memref<250000x128xf32, #tpu.memory_space<hbm>> -> memref<48x128xf32, #tpu.memory_space<hbm>>
            tpu.wait_dma2 semaphore(%arg23 : memref<!tpu.dma_semaphore, #tpu.memory_space<semaphore_mem>>) src(%arg16 : memref<48x128xf32, #tpu.memory_space<vmem>>) dst(%dma_wait3A_250 : memref<48x128xf32, #tpu.memory_space<hbm>>)
          } else {
          }
          %eq3A_228 = arith.constant 3 : i32
          %eq3A_229 = arith.cmpi eq, %rem3A_212, %eq3A_228 : i32
          %convert_element_type3A_230 = arith.extui %eq3A_229 : i1 to i32
          %cond3A_231 = arith.constant 0 : i32
          %cond3A_232 = arith.cmpi ne, %convert_element_type3A_230, %cond3A_231 : i32
          scf.if %cond3A_232 {
            %sub3A_243 = arith.constant 3 : i32
            %sub3A_244 = arith.subi %add3A_131, %sub3A_243 : i32
            %mul3A_245 = arith.constant 48 : i32
            %mul3A_246 = arith.muli %sub3A_244, %mul3A_245 : i32
            %add3A_247 = arith.addi %mul3A_2, %mul3A_246 : i32
            %dma_wait3A = arith.constant 0 : i32
            %dma_wait3A_248 = tpu.memref_slice %arg6[%add3A_247, %dma_wait3A] : memref<250000x128xf32, #tpu.memory_space<hbm>> -> memref<48x128xf32, #tpu.memory_space<hbm>>
            %dma_wait3A_249 = arith.constant 0 : i32
            %dma_wait3A_250 = tpu.memref_slice %arg6[%add3A_247, %dma_wait3A_249] : memref<250000x128xf32, #tpu.memory_space<hbm>> -> memref<48x128xf32, #tpu.memory_space<hbm>>
            tpu.wait_dma2 semaphore(%arg23 : memref<!tpu.dma_semaphore, #tpu.memory_space<semaphore_mem>>) src(%arg17 : memref<48x128xf32, #tpu.memory_space<vmem>>) dst(%dma_wait3A_250 : memref<48x128xf32, #tpu.memory_space<hbm>>)
          } else {
          }
          %eq3A_233 = arith.constant 4 : i32
          %eq3A_234 = arith.cmpi eq, %rem3A_212, %eq3A_233 : i32
          %convert_element_type3A_235 = arith.extui %eq3A_234 : i1 to i32
          %cond3A_236 = arith.constant 0 : i32
          %cond3A_237 = arith.cmpi ne, %convert_element_type3A_235, %cond3A_236 : i32
          scf.if %cond3A_237 {
            %sub3A_243 = arith.constant 3 : i32
            %sub3A_244 = arith.subi %add3A_131, %sub3A_243 : i32
            %mul3A_245 = arith.constant 48 : i32
            %mul3A_246 = arith.muli %sub3A_244, %mul3A_245 : i32
            %add3A_247 = arith.addi %mul3A_2, %mul3A_246 : i32
            %dma_wait3A = arith.constant 0 : i32
            %dma_wait3A_248 = tpu.memref_slice %arg6[%add3A_247, %dma_wait3A] : memref<250000x128xf32, #tpu.memory_space<hbm>> -> memref<48x128xf32, #tpu.memory_space<hbm>>
            %dma_wait3A_249 = arith.constant 0 : i32
            %dma_wait3A_250 = tpu.memref_slice %arg6[%add3A_247, %dma_wait3A_249] : memref<250000x128xf32, #tpu.memory_space<hbm>> -> memref<48x128xf32, #tpu.memory_space<hbm>>
            tpu.wait_dma2 semaphore(%arg23 : memref<!tpu.dma_semaphore, #tpu.memory_space<semaphore_mem>>) src(%arg18 : memref<48x128xf32, #tpu.memory_space<vmem>>) dst(%dma_wait3A_250 : memref<48x128xf32, #tpu.memory_space<hbm>>)
          } else {
          }
          %eq3A_238 = arith.constant 5 : i32
          %eq3A_239 = arith.cmpi eq, %rem3A_212, %eq3A_238 : i32
          %convert_element_type3A_240 = arith.extui %eq3A_239 : i1 to i32
          %cond3A_241 = arith.constant 0 : i32
          %cond3A_242 = arith.cmpi ne, %convert_element_type3A_240, %cond3A_241 : i32
          scf.if %cond3A_242 {
            %sub3A_243 = arith.constant 3 : i32
            %sub3A_244 = arith.subi %add3A_131, %sub3A_243 : i32
            %mul3A_245 = arith.constant 48 : i32
            %mul3A_246 = arith.muli %sub3A_244, %mul3A_245 : i32
            %add3A_247 = arith.addi %mul3A_2, %mul3A_246 : i32
            %dma_wait3A = arith.constant 0 : i32
            %dma_wait3A_248 = tpu.memref_slice %arg6[%add3A_247, %dma_wait3A] : memref<250000x128xf32, #tpu.memory_space<hbm>> -> memref<48x128xf32, #tpu.memory_space<hbm>>
            %dma_wait3A_249 = arith.constant 0 : i32
            %dma_wait3A_250 = tpu.memref_slice %arg6[%add3A_247, %dma_wait3A_249] : memref<250000x128xf32, #tpu.memory_space<hbm>> -> memref<48x128xf32, #tpu.memory_space<hbm>>
            tpu.wait_dma2 semaphore(%arg23 : memref<!tpu.dma_semaphore, #tpu.memory_space<semaphore_mem>>) src(%arg19 : memref<48x128xf32, #tpu.memory_space<vmem>>) dst(%dma_wait3A_250 : memref<48x128xf32, #tpu.memory_space<hbm>>)
          } else {
          }
        } else {
        }
        %add3A_140 = arith.constant 3 : i32
        %add3A_141 = arith.addi %add3A_131, %add3A_140 : i32
        %lt3A_142 = arith.cmpi slt, %add3A_141, %select_n3A : i32
        %convert_element_type3A_143 = arith.extui %lt3A_142 : i1 to i32
        %cond3A_144 = arith.constant 0 : i32
        %cond3A_145 = arith.cmpi ne, %convert_element_type3A_143, %cond3A_144 : i32
        scf.if %cond3A_145 {
          %add3A_209 = arith.constant 3 : i32
          %add3A_210 = arith.addi %add3A_131, %add3A_209 : i32
          %rem3A_211 = arith.constant 6 : i32
          %rem3A_212 = arith.remsi %add3A_210, %rem3A_211 : i32
          %eq3A_213 = arith.constant 0 : i32
          %eq3A_214 = arith.cmpi eq, %rem3A_212, %eq3A_213 : i32
          %convert_element_type3A_215 = arith.extui %eq3A_214 : i1 to i32
          %cond3A_216 = arith.constant 0 : i32
          %cond3A_217 = arith.cmpi ne, %convert_element_type3A_215, %cond3A_216 : i32
          scf.if %cond3A_217 {
            %add3A_243 = arith.constant 3 : i32
            %add3A_244 = arith.addi %add3A_131, %add3A_243 : i32
            %mul3A_245 = arith.constant 48 : i32
            %mul3A_246 = arith.muli %add3A_244, %mul3A_245 : i32
            %add3A_247 = arith.addi %mul3A_2, %mul3A_246 : i32
            %dma_start3A_248 = arith.constant 0 : i32
            %dma_start3A_249 = tpu.memref_slice %arg2[%add3A_247, %dma_start3A_248] : memref<250000x128xf32, #tpu.memory_space<hbm>> -> memref<48x128xf32, #tpu.memory_space<hbm>>
            %dma_start3A_250 = arith.constant 0 : i32
            %dma_start3A_251 = tpu.memref_slice %arg2[%add3A_247, %dma_start3A_250] : memref<250000x128xf32, #tpu.memory_space<hbm>> -> memref<48x128xf32, #tpu.memory_space<hbm>>
            tpu.enqueue_dma source(%dma_start3A_251 : memref<48x128xf32, #tpu.memory_space<hbm>>) target(%arg14 : memref<48x128xf32, #tpu.memory_space<vmem>>) target_semaphore(%arg22 : memref<!tpu.dma_semaphore, #tpu.memory_space<semaphore_mem>>)
          } else {
          }
          %eq3A_218 = arith.constant 1 : i32
          %eq3A_219 = arith.cmpi eq, %rem3A_212, %eq3A_218 : i32
          %convert_element_type3A_220 = arith.extui %eq3A_219 : i1 to i32
          %cond3A_221 = arith.constant 0 : i32
          %cond3A_222 = arith.cmpi ne, %convert_element_type3A_220, %cond3A_221 : i32
          scf.if %cond3A_222 {
            %add3A_243 = arith.constant 3 : i32
            %add3A_244 = arith.addi %add3A_131, %add3A_243 : i32
            %mul3A_245 = arith.constant 48 : i32
            %mul3A_246 = arith.muli %add3A_244, %mul3A_245 : i32
            %add3A_247 = arith.addi %mul3A_2, %mul3A_246 : i32
            %dma_start3A_248 = arith.constant 0 : i32
            %dma_start3A_249 = tpu.memref_slice %arg2[%add3A_247, %dma_start3A_248] : memref<250000x128xf32, #tpu.memory_space<hbm>> -> memref<48x128xf32, #tpu.memory_space<hbm>>
            %dma_start3A_250 = arith.constant 0 : i32
            %dma_start3A_251 = tpu.memref_slice %arg2[%add3A_247, %dma_start3A_250] : memref<250000x128xf32, #tpu.memory_space<hbm>> -> memref<48x128xf32, #tpu.memory_space<hbm>>
            tpu.enqueue_dma source(%dma_start3A_251 : memref<48x128xf32, #tpu.memory_space<hbm>>) target(%arg15 : memref<48x128xf32, #tpu.memory_space<vmem>>) target_semaphore(%arg22 : memref<!tpu.dma_semaphore, #tpu.memory_space<semaphore_mem>>)
          } else {
          }
          %eq3A_223 = arith.constant 2 : i32
          %eq3A_224 = arith.cmpi eq, %rem3A_212, %eq3A_223 : i32
          %convert_element_type3A_225 = arith.extui %eq3A_224 : i1 to i32
          %cond3A_226 = arith.constant 0 : i32
          %cond3A_227 = arith.cmpi ne, %convert_element_type3A_225, %cond3A_226 : i32
          scf.if %cond3A_227 {
            %add3A_243 = arith.constant 3 : i32
            %add3A_244 = arith.addi %add3A_131, %add3A_243 : i32
            %mul3A_245 = arith.constant 48 : i32
            %mul3A_246 = arith.muli %add3A_244, %mul3A_245 : i32
            %add3A_247 = arith.addi %mul3A_2, %mul3A_246 : i32
            %dma_start3A_248 = arith.constant 0 : i32
            %dma_start3A_249 = tpu.memref_slice %arg2[%add3A_247, %dma_start3A_248] : memref<250000x128xf32, #tpu.memory_space<hbm>> -> memref<48x128xf32, #tpu.memory_space<hbm>>
            %dma_start3A_250 = arith.constant 0 : i32
            %dma_start3A_251 = tpu.memref_slice %arg2[%add3A_247, %dma_start3A_250] : memref<250000x128xf32, #tpu.memory_space<hbm>> -> memref<48x128xf32, #tpu.memory_space<hbm>>
            tpu.enqueue_dma source(%dma_start3A_251 : memref<48x128xf32, #tpu.memory_space<hbm>>) target(%arg16 : memref<48x128xf32, #tpu.memory_space<vmem>>) target_semaphore(%arg22 : memref<!tpu.dma_semaphore, #tpu.memory_space<semaphore_mem>>)
          } else {
          }
          %eq3A_228 = arith.constant 3 : i32
          %eq3A_229 = arith.cmpi eq, %rem3A_212, %eq3A_228 : i32
          %convert_element_type3A_230 = arith.extui %eq3A_229 : i1 to i32
          %cond3A_231 = arith.constant 0 : i32
          %cond3A_232 = arith.cmpi ne, %convert_element_type3A_230, %cond3A_231 : i32
          scf.if %cond3A_232 {
            %add3A_243 = arith.constant 3 : i32
            %add3A_244 = arith.addi %add3A_131, %add3A_243 : i32
            %mul3A_245 = arith.constant 48 : i32
            %mul3A_246 = arith.muli %add3A_244, %mul3A_245 : i32
            %add3A_247 = arith.addi %mul3A_2, %mul3A_246 : i32
            %dma_start3A_248 = arith.constant 0 : i32
            %dma_start3A_249 = tpu.memref_slice %arg2[%add3A_247, %dma_start3A_248] : memref<250000x128xf32, #tpu.memory_space<hbm>> -> memref<48x128xf32, #tpu.memory_space<hbm>>
            %dma_start3A_250 = arith.constant 0 : i32
            %dma_start3A_251 = tpu.memref_slice %arg2[%add3A_247, %dma_start3A_250] : memref<250000x128xf32, #tpu.memory_space<hbm>> -> memref<48x128xf32, #tpu.memory_space<hbm>>
            tpu.enqueue_dma source(%dma_start3A_251 : memref<48x128xf32, #tpu.memory_space<hbm>>) target(%arg17 : memref<48x128xf32, #tpu.memory_space<vmem>>) target_semaphore(%arg22 : memref<!tpu.dma_semaphore, #tpu.memory_space<semaphore_mem>>)
          } else {
          }
          %eq3A_233 = arith.constant 4 : i32
          %eq3A_234 = arith.cmpi eq, %rem3A_212, %eq3A_233 : i32
          %convert_element_type3A_235 = arith.extui %eq3A_234 : i1 to i32
          %cond3A_236 = arith.constant 0 : i32
          %cond3A_237 = arith.cmpi ne, %convert_element_type3A_235, %cond3A_236 : i32
          scf.if %cond3A_237 {
            %add3A_243 = arith.constant 3 : i32
            %add3A_244 = arith.addi %add3A_131, %add3A_243 : i32
            %mul3A_245 = arith.constant 48 : i32
            %mul3A_246 = arith.muli %add3A_244, %mul3A_245 : i32
            %add3A_247 = arith.addi %mul3A_2, %mul3A_246 : i32
            %dma_start3A_248 = arith.constant 0 : i32
            %dma_start3A_249 = tpu.memref_slice %arg2[%add3A_247, %dma_start3A_248] : memref<250000x128xf32, #tpu.memory_space<hbm>> -> memref<48x128xf32, #tpu.memory_space<hbm>>
            %dma_start3A_250 = arith.constant 0 : i32
            %dma_start3A_251 = tpu.memref_slice %arg2[%add3A_247, %dma_start3A_250] : memref<250000x128xf32, #tpu.memory_space<hbm>> -> memref<48x128xf32, #tpu.memory_space<hbm>>
            tpu.enqueue_dma source(%dma_start3A_251 : memref<48x128xf32, #tpu.memory_space<hbm>>) target(%arg18 : memref<48x128xf32, #tpu.memory_space<vmem>>) target_semaphore(%arg22 : memref<!tpu.dma_semaphore, #tpu.memory_space<semaphore_mem>>)
          } else {
          }
          %eq3A_238 = arith.constant 5 : i32
          %eq3A_239 = arith.cmpi eq, %rem3A_212, %eq3A_238 : i32
          %convert_element_type3A_240 = arith.extui %eq3A_239 : i1 to i32
          %cond3A_241 = arith.constant 0 : i32
          %cond3A_242 = arith.cmpi ne, %convert_element_type3A_240, %cond3A_241 : i32
          scf.if %cond3A_242 {
            %add3A_243 = arith.constant 3 : i32
            %add3A_244 = arith.addi %add3A_131, %add3A_243 : i32
            %mul3A_245 = arith.constant 48 : i32
            %mul3A_246 = arith.muli %add3A_244, %mul3A_245 : i32
            %add3A_247 = arith.addi %mul3A_2, %mul3A_246 : i32
            %dma_start3A_248 = arith.constant 0 : i32
            %dma_start3A_249 = tpu.memref_slice %arg2[%add3A_247, %dma_start3A_248] : memref<250000x128xf32, #tpu.memory_space<hbm>> -> memref<48x128xf32, #tpu.memory_space<hbm>>
            %dma_start3A_250 = arith.constant 0 : i32
            %dma_start3A_251 = tpu.memref_slice %arg2[%add3A_247, %dma_start3A_250] : memref<250000x128xf32, #tpu.memory_space<hbm>> -> memref<48x128xf32, #tpu.memory_space<hbm>>
            tpu.enqueue_dma source(%dma_start3A_251 : memref<48x128xf32, #tpu.memory_space<hbm>>) target(%arg19 : memref<48x128xf32, #tpu.memory_space<vmem>>) target_semaphore(%arg22 : memref<!tpu.dma_semaphore, #tpu.memory_space<semaphore_mem>>)
          } else {
          }
        } else {
        }
        %rem3A = arith.constant 6 : i32
        %rem3A_146 = arith.remsi %add3A_131, %rem3A : i32
        %eq3A_147 = arith.constant 0 : i32
        %eq3A_148 = arith.cmpi eq, %rem3A_146, %eq3A_147 : i32
        %convert_element_type3A_149 = arith.extui %eq3A_148 : i1 to i32
        %cond3A_150 = arith.constant 0 : i32
        %cond3A_151 = arith.cmpi ne, %convert_element_type3A_149, %cond3A_150 : i32
        scf.if %cond3A_151 {
          %mul3A_209 = arith.constant 48 : i32
          %mul3A_210 = arith.muli %add3A_131, %mul3A_209 : i32
          %add3A_211 = arith.addi %mul3A_2, %mul3A_210 : i32
          %dma_wait3A = arith.constant 0 : i32
          %dma_wait3A_212 = tpu.memref_slice %arg2[%add3A_211, %dma_wait3A] : memref<250000x128xf32, #tpu.memory_space<hbm>> -> memref<48x128xf32, #tpu.memory_space<hbm>>
          %dma_wait3A_213 = arith.constant 0 : i32
          %dma_wait3A_214 = tpu.memref_slice %arg2[%add3A_211, %dma_wait3A_213] : memref<250000x128xf32, #tpu.memory_space<hbm>> -> memref<48x128xf32, #tpu.memory_space<hbm>>
          tpu.wait_dma2 semaphore(%arg22 : memref<!tpu.dma_semaphore, #tpu.memory_space<semaphore_mem>>) src(%dma_wait3A_214 : memref<48x128xf32, #tpu.memory_space<hbm>>) dst(%arg14 : memref<48x128xf32, #tpu.memory_space<vmem>>)
        } else {
        }
        %eq3A_152 = arith.constant 1 : i32
        %eq3A_153 = arith.cmpi eq, %rem3A_146, %eq3A_152 : i32
        %convert_element_type3A_154 = arith.extui %eq3A_153 : i1 to i32
        %cond3A_155 = arith.constant 0 : i32
        %cond3A_156 = arith.cmpi ne, %convert_element_type3A_154, %cond3A_155 : i32
        scf.if %cond3A_156 {
          %mul3A_209 = arith.constant 48 : i32
          %mul3A_210 = arith.muli %add3A_131, %mul3A_209 : i32
          %add3A_211 = arith.addi %mul3A_2, %mul3A_210 : i32
          %dma_wait3A = arith.constant 0 : i32
          %dma_wait3A_212 = tpu.memref_slice %arg2[%add3A_211, %dma_wait3A] : memref<250000x128xf32, #tpu.memory_space<hbm>> -> memref<48x128xf32, #tpu.memory_space<hbm>>
          %dma_wait3A_213 = arith.constant 0 : i32
          %dma_wait3A_214 = tpu.memref_slice %arg2[%add3A_211, %dma_wait3A_213] : memref<250000x128xf32, #tpu.memory_space<hbm>> -> memref<48x128xf32, #tpu.memory_space<hbm>>
          tpu.wait_dma2 semaphore(%arg22 : memref<!tpu.dma_semaphore, #tpu.memory_space<semaphore_mem>>) src(%dma_wait3A_214 : memref<48x128xf32, #tpu.memory_space<hbm>>) dst(%arg15 : memref<48x128xf32, #tpu.memory_space<vmem>>)
        } else {
        }
        %eq3A_157 = arith.constant 2 : i32
        %eq3A_158 = arith.cmpi eq, %rem3A_146, %eq3A_157 : i32
        %convert_element_type3A_159 = arith.extui %eq3A_158 : i1 to i32
        %cond3A_160 = arith.constant 0 : i32
        %cond3A_161 = arith.cmpi ne, %convert_element_type3A_159, %cond3A_160 : i32
        scf.if %cond3A_161 {
          %mul3A_209 = arith.constant 48 : i32
          %mul3A_210 = arith.muli %add3A_131, %mul3A_209 : i32
          %add3A_211 = arith.addi %mul3A_2, %mul3A_210 : i32
          %dma_wait3A = arith.constant 0 : i32
          %dma_wait3A_212 = tpu.memref_slice %arg2[%add3A_211, %dma_wait3A] : memref<250000x128xf32, #tpu.memory_space<hbm>> -> memref<48x128xf32, #tpu.memory_space<hbm>>
          %dma_wait3A_213 = arith.constant 0 : i32
          %dma_wait3A_214 = tpu.memref_slice %arg2[%add3A_211, %dma_wait3A_213] : memref<250000x128xf32, #tpu.memory_space<hbm>> -> memref<48x128xf32, #tpu.memory_space<hbm>>
          tpu.wait_dma2 semaphore(%arg22 : memref<!tpu.dma_semaphore, #tpu.memory_space<semaphore_mem>>) src(%dma_wait3A_214 : memref<48x128xf32, #tpu.memory_space<hbm>>) dst(%arg16 : memref<48x128xf32, #tpu.memory_space<vmem>>)
        } else {
        }
        %eq3A_162 = arith.constant 3 : i32
        %eq3A_163 = arith.cmpi eq, %rem3A_146, %eq3A_162 : i32
        %convert_element_type3A_164 = arith.extui %eq3A_163 : i1 to i32
        %cond3A_165 = arith.constant 0 : i32
        %cond3A_166 = arith.cmpi ne, %convert_element_type3A_164, %cond3A_165 : i32
        scf.if %cond3A_166 {
          %mul3A_209 = arith.constant 48 : i32
          %mul3A_210 = arith.muli %add3A_131, %mul3A_209 : i32
          %add3A_211 = arith.addi %mul3A_2, %mul3A_210 : i32
          %dma_wait3A = arith.constant 0 : i32
          %dma_wait3A_212 = tpu.memref_slice %arg2[%add3A_211, %dma_wait3A] : memref<250000x128xf32, #tpu.memory_space<hbm>> -> memref<48x128xf32, #tpu.memory_space<hbm>>
          %dma_wait3A_213 = arith.constant 0 : i32
          %dma_wait3A_214 = tpu.memref_slice %arg2[%add3A_211, %dma_wait3A_213] : memref<250000x128xf32, #tpu.memory_space<hbm>> -> memref<48x128xf32, #tpu.memory_space<hbm>>
          tpu.wait_dma2 semaphore(%arg22 : memref<!tpu.dma_semaphore, #tpu.memory_space<semaphore_mem>>) src(%dma_wait3A_214 : memref<48x128xf32, #tpu.memory_space<hbm>>) dst(%arg17 : memref<48x128xf32, #tpu.memory_space<vmem>>)
        } else {
        }
        %eq3A_167 = arith.constant 4 : i32
        %eq3A_168 = arith.cmpi eq, %rem3A_146, %eq3A_167 : i32
        %convert_element_type3A_169 = arith.extui %eq3A_168 : i1 to i32
        %cond3A_170 = arith.constant 0 : i32
        %cond3A_171 = arith.cmpi ne, %convert_element_type3A_169, %cond3A_170 : i32
        scf.if %cond3A_171 {
          %mul3A_209 = arith.constant 48 : i32
          %mul3A_210 = arith.muli %add3A_131, %mul3A_209 : i32
          %add3A_211 = arith.addi %mul3A_2, %mul3A_210 : i32
          %dma_wait3A = arith.constant 0 : i32
          %dma_wait3A_212 = tpu.memref_slice %arg2[%add3A_211, %dma_wait3A] : memref<250000x128xf32, #tpu.memory_space<hbm>> -> memref<48x128xf32, #tpu.memory_space<hbm>>
          %dma_wait3A_213 = arith.constant 0 : i32
          %dma_wait3A_214 = tpu.memref_slice %arg2[%add3A_211, %dma_wait3A_213] : memref<250000x128xf32, #tpu.memory_space<hbm>> -> memref<48x128xf32, #tpu.memory_space<hbm>>
          tpu.wait_dma2 semaphore(%arg22 : memref<!tpu.dma_semaphore, #tpu.memory_space<semaphore_mem>>) src(%dma_wait3A_214 : memref<48x128xf32, #tpu.memory_space<hbm>>) dst(%arg18 : memref<48x128xf32, #tpu.memory_space<vmem>>)
        } else {
        }
        %eq3A_172 = arith.constant 5 : i32
        %eq3A_173 = arith.cmpi eq, %rem3A_146, %eq3A_172 : i32
        %convert_element_type3A_174 = arith.extui %eq3A_173 : i1 to i32
        %cond3A_175 = arith.constant 0 : i32
        %cond3A_176 = arith.cmpi ne, %convert_element_type3A_174, %cond3A_175 : i32
        scf.if %cond3A_176 {
          %mul3A_209 = arith.constant 48 : i32
          %mul3A_210 = arith.muli %add3A_131, %mul3A_209 : i32
          %add3A_211 = arith.addi %mul3A_2, %mul3A_210 : i32
          %dma_wait3A = arith.constant 0 : i32
          %dma_wait3A_212 = tpu.memref_slice %arg2[%add3A_211, %dma_wait3A] : memref<250000x128xf32, #tpu.memory_space<hbm>> -> memref<48x128xf32, #tpu.memory_space<hbm>>
          %dma_wait3A_213 = arith.constant 0 : i32
          %dma_wait3A_214 = tpu.memref_slice %arg2[%add3A_211, %dma_wait3A_213] : memref<250000x128xf32, #tpu.memory_space<hbm>> -> memref<48x128xf32, #tpu.memory_space<hbm>>
          tpu.wait_dma2 semaphore(%arg22 : memref<!tpu.dma_semaphore, #tpu.memory_space<semaphore_mem>>) src(%dma_wait3A_214 : memref<48x128xf32, #tpu.memory_space<hbm>>) dst(%arg19 : memref<48x128xf32, #tpu.memory_space<vmem>>)
        } else {
        }
        %rem3A_177 = arith.constant 6 : i32
        %rem3A_178 = arith.remsi %add3A_131, %rem3A_177 : i32
        %eq3A_179 = arith.constant 0 : i32
        %eq3A_180 = arith.cmpi eq, %rem3A_178, %eq3A_179 : i32
        %convert_element_type3A_181 = arith.extui %eq3A_180 : i1 to i32
        %cond3A_182 = arith.constant 0 : i32
        %cond3A_183 = arith.cmpi ne, %convert_element_type3A_181, %cond3A_182 : i32
        scf.if %cond3A_183 {
          %mul3A_209 = arith.constant 48 : i32
          %mul3A_210 = arith.muli %add3A_131, %mul3A_209 : i32
          %add3A_211 = arith.addi %mul3A_2, %mul3A_210 : i32
          %dma_start3A_212 = arith.constant 0 : i32
          %dma_start3A_213 = tpu.memref_slice %arg6[%add3A_211, %dma_start3A_212] : memref<250000x128xf32, #tpu.memory_space<hbm>> -> memref<48x128xf32, #tpu.memory_space<hbm>>
          %dma_start3A_214 = arith.constant 0 : i32
          %dma_start3A_215 = tpu.memref_slice %arg6[%add3A_211, %dma_start3A_214] : memref<250000x128xf32, #tpu.memory_space<hbm>> -> memref<48x128xf32, #tpu.memory_space<hbm>>
          tpu.enqueue_dma source(%arg14 : memref<48x128xf32, #tpu.memory_space<vmem>>) target(%dma_start3A_215 : memref<48x128xf32, #tpu.memory_space<hbm>>) target_semaphore(%arg23 : memref<!tpu.dma_semaphore, #tpu.memory_space<semaphore_mem>>)
        } else {
        }
        %eq3A_184 = arith.constant 1 : i32
        %eq3A_185 = arith.cmpi eq, %rem3A_178, %eq3A_184 : i32
        %convert_element_type3A_186 = arith.extui %eq3A_185 : i1 to i32
        %cond3A_187 = arith.constant 0 : i32
        %cond3A_188 = arith.cmpi ne, %convert_element_type3A_186, %cond3A_187 : i32
        scf.if %cond3A_188 {
          %mul3A_209 = arith.constant 48 : i32
          %mul3A_210 = arith.muli %add3A_131, %mul3A_209 : i32
          %add3A_211 = arith.addi %mul3A_2, %mul3A_210 : i32
          %dma_start3A_212 = arith.constant 0 : i32
          %dma_start3A_213 = tpu.memref_slice %arg6[%add3A_211, %dma_start3A_212] : memref<250000x128xf32, #tpu.memory_space<hbm>> -> memref<48x128xf32, #tpu.memory_space<hbm>>
          %dma_start3A_214 = arith.constant 0 : i32
          %dma_start3A_215 = tpu.memref_slice %arg6[%add3A_211, %dma_start3A_214] : memref<250000x128xf32, #tpu.memory_space<hbm>> -> memref<48x128xf32, #tpu.memory_space<hbm>>
          tpu.enqueue_dma source(%arg15 : memref<48x128xf32, #tpu.memory_space<vmem>>) target(%dma_start3A_215 : memref<48x128xf32, #tpu.memory_space<hbm>>) target_semaphore(%arg23 : memref<!tpu.dma_semaphore, #tpu.memory_space<semaphore_mem>>)
        } else {
        }
        %eq3A_189 = arith.constant 2 : i32
        %eq3A_190 = arith.cmpi eq, %rem3A_178, %eq3A_189 : i32
        %convert_element_type3A_191 = arith.extui %eq3A_190 : i1 to i32
        %cond3A_192 = arith.constant 0 : i32
        %cond3A_193 = arith.cmpi ne, %convert_element_type3A_191, %cond3A_192 : i32
        scf.if %cond3A_193 {
          %mul3A_209 = arith.constant 48 : i32
          %mul3A_210 = arith.muli %add3A_131, %mul3A_209 : i32
          %add3A_211 = arith.addi %mul3A_2, %mul3A_210 : i32
          %dma_start3A_212 = arith.constant 0 : i32
          %dma_start3A_213 = tpu.memref_slice %arg6[%add3A_211, %dma_start3A_212] : memref<250000x128xf32, #tpu.memory_space<hbm>> -> memref<48x128xf32, #tpu.memory_space<hbm>>
          %dma_start3A_214 = arith.constant 0 : i32
          %dma_start3A_215 = tpu.memref_slice %arg6[%add3A_211, %dma_start3A_214] : memref<250000x128xf32, #tpu.memory_space<hbm>> -> memref<48x128xf32, #tpu.memory_space<hbm>>
          tpu.enqueue_dma source(%arg16 : memref<48x128xf32, #tpu.memory_space<vmem>>) target(%dma_start3A_215 : memref<48x128xf32, #tpu.memory_space<hbm>>) target_semaphore(%arg23 : memref<!tpu.dma_semaphore, #tpu.memory_space<semaphore_mem>>)
        } else {
        }
        %eq3A_194 = arith.constant 3 : i32
        %eq3A_195 = arith.cmpi eq, %rem3A_178, %eq3A_194 : i32
        %convert_element_type3A_196 = arith.extui %eq3A_195 : i1 to i32
        %cond3A_197 = arith.constant 0 : i32
        %cond3A_198 = arith.cmpi ne, %convert_element_type3A_196, %cond3A_197 : i32
        scf.if %cond3A_198 {
          %mul3A_209 = arith.constant 48 : i32
          %mul3A_210 = arith.muli %add3A_131, %mul3A_209 : i32
          %add3A_211 = arith.addi %mul3A_2, %mul3A_210 : i32
          %dma_start3A_212 = arith.constant 0 : i32
          %dma_start3A_213 = tpu.memref_slice %arg6[%add3A_211, %dma_start3A_212] : memref<250000x128xf32, #tpu.memory_space<hbm>> -> memref<48x128xf32, #tpu.memory_space<hbm>>
          %dma_start3A_214 = arith.constant 0 : i32
          %dma_start3A_215 = tpu.memref_slice %arg6[%add3A_211, %dma_start3A_214] : memref<250000x128xf32, #tpu.memory_space<hbm>> -> memref<48x128xf32, #tpu.memory_space<hbm>>
          tpu.enqueue_dma source(%arg17 : memref<48x128xf32, #tpu.memory_space<vmem>>) target(%dma_start3A_215 : memref<48x128xf32, #tpu.memory_space<hbm>>) target_semaphore(%arg23 : memref<!tpu.dma_semaphore, #tpu.memory_space<semaphore_mem>>)
        } else {
        }
        %eq3A_199 = arith.constant 4 : i32
        %eq3A_200 = arith.cmpi eq, %rem3A_178, %eq3A_199 : i32
        %convert_element_type3A_201 = arith.extui %eq3A_200 : i1 to i32
        %cond3A_202 = arith.constant 0 : i32
        %cond3A_203 = arith.cmpi ne, %convert_element_type3A_201, %cond3A_202 : i32
        scf.if %cond3A_203 {
          %mul3A_209 = arith.constant 48 : i32
          %mul3A_210 = arith.muli %add3A_131, %mul3A_209 : i32
          %add3A_211 = arith.addi %mul3A_2, %mul3A_210 : i32
          %dma_start3A_212 = arith.constant 0 : i32
          %dma_start3A_213 = tpu.memref_slice %arg6[%add3A_211, %dma_start3A_212] : memref<250000x128xf32, #tpu.memory_space<hbm>> -> memref<48x128xf32, #tpu.memory_space<hbm>>
          %dma_start3A_214 = arith.constant 0 : i32
          %dma_start3A_215 = tpu.memref_slice %arg6[%add3A_211, %dma_start3A_214] : memref<250000x128xf32, #tpu.memory_space<hbm>> -> memref<48x128xf32, #tpu.memory_space<hbm>>
          tpu.enqueue_dma source(%arg18 : memref<48x128xf32, #tpu.memory_space<vmem>>) target(%dma_start3A_215 : memref<48x128xf32, #tpu.memory_space<hbm>>) target_semaphore(%arg23 : memref<!tpu.dma_semaphore, #tpu.memory_space<semaphore_mem>>)
        } else {
        }
        %eq3A_204 = arith.constant 5 : i32
        %eq3A_205 = arith.cmpi eq, %rem3A_178, %eq3A_204 : i32
        %convert_element_type3A_206 = arith.extui %eq3A_205 : i1 to i32
        %cond3A_207 = arith.constant 0 : i32
        %cond3A_208 = arith.cmpi ne, %convert_element_type3A_206, %cond3A_207 : i32
        scf.if %cond3A_208 {
          %mul3A_209 = arith.constant 48 : i32
          %mul3A_210 = arith.muli %add3A_131, %mul3A_209 : i32
          %add3A_211 = arith.addi %mul3A_2, %mul3A_210 : i32
          %dma_start3A_212 = arith.constant 0 : i32
          %dma_start3A_213 = tpu.memref_slice %arg6[%add3A_211, %dma_start3A_212] : memref<250000x128xf32, #tpu.memory_space<hbm>> -> memref<48x128xf32, #tpu.memory_space<hbm>>
          %dma_start3A_214 = arith.constant 0 : i32
          %dma_start3A_215 = tpu.memref_slice %arg6[%add3A_211, %dma_start3A_214] : memref<250000x128xf32, #tpu.memory_space<hbm>> -> memref<48x128xf32, #tpu.memory_space<hbm>>
          tpu.enqueue_dma source(%arg19 : memref<48x128xf32, #tpu.memory_space<vmem>>) target(%dma_start3A_215 : memref<48x128xf32, #tpu.memory_space<hbm>>) target_semaphore(%arg23 : memref<!tpu.dma_semaphore, #tpu.memory_space<semaphore_mem>>)
        } else {
        }
      } else {
      }
      %while3A_135 = arith.constant 0 : i32
      scf.yield %while3A_135 : i32
    }
    %while3A_86 = arith.constant 1 : i32
    %while3A_87 = scf.for %while3A_128 = %while3A_83 to %while3A_79 step %while3A_86 iter_args(%while3A_129 = %while3A_85) -> (i32)  : i32 {
      %add3A_130 = arith.constant 190 : i32
      %add3A_131 = arith.addi %add3A_130, %while3A_128 : i32
      %lt3A = arith.cmpi slt, %add3A_131, %select_n3A : i32
      %convert_element_type3A_132 = arith.extui %lt3A : i1 to i32
      %cond3A_133 = arith.constant 0 : i32
      %cond3A_134 = arith.cmpi ne, %convert_element_type3A_132, %cond3A_133 : i32
      scf.if %cond3A_134 {
        %ge3A = arith.constant 3 : i32
        %ge3A_136 = arith.cmpi sge, %add3A_131, %ge3A : i32
        %convert_element_type3A_137 = arith.extui %ge3A_136 : i1 to i32
        %cond3A_138 = arith.constant 0 : i32
        %cond3A_139 = arith.cmpi ne, %convert_element_type3A_137, %cond3A_138 : i32
        scf.if %cond3A_139 {
          %sub3A_209 = arith.constant 3 : i32
          %sub3A_210 = arith.subi %add3A_131, %sub3A_209 : i32
          %rem3A_211 = arith.constant 6 : i32
          %rem3A_212 = arith.remsi %sub3A_210, %rem3A_211 : i32
          %eq3A_213 = arith.constant 0 : i32
          %eq3A_214 = arith.cmpi eq, %rem3A_212, %eq3A_213 : i32
          %convert_element_type3A_215 = arith.extui %eq3A_214 : i1 to i32
          %cond3A_216 = arith.constant 0 : i32
          %cond3A_217 = arith.cmpi ne, %convert_element_type3A_215, %cond3A_216 : i32
          scf.if %cond3A_217 {
            %sub3A_243 = arith.constant 3 : i32
            %sub3A_244 = arith.subi %add3A_131, %sub3A_243 : i32
            %mul3A_245 = arith.constant 48 : i32
            %mul3A_246 = arith.muli %sub3A_244, %mul3A_245 : i32
            %add3A_247 = arith.addi %mul3A_2, %mul3A_246 : i32
            %dma_wait3A = arith.constant 0 : i32
            %dma_wait3A_248 = tpu.memref_slice %arg6[%add3A_247, %dma_wait3A] : memref<250000x128xf32, #tpu.memory_space<hbm>> -> memref<48x128xf32, #tpu.memory_space<hbm>>
            %dma_wait3A_249 = arith.constant 0 : i32
            %dma_wait3A_250 = tpu.memref_slice %arg6[%add3A_247, %dma_wait3A_249] : memref<250000x128xf32, #tpu.memory_space<hbm>> -> memref<48x128xf32, #tpu.memory_space<hbm>>
            tpu.wait_dma2 semaphore(%arg23 : memref<!tpu.dma_semaphore, #tpu.memory_space<semaphore_mem>>) src(%arg14 : memref<48x128xf32, #tpu.memory_space<vmem>>) dst(%dma_wait3A_250 : memref<48x128xf32, #tpu.memory_space<hbm>>)
          } else {
          }
          %eq3A_218 = arith.constant 1 : i32
          %eq3A_219 = arith.cmpi eq, %rem3A_212, %eq3A_218 : i32
          %convert_element_type3A_220 = arith.extui %eq3A_219 : i1 to i32
          %cond3A_221 = arith.constant 0 : i32
          %cond3A_222 = arith.cmpi ne, %convert_element_type3A_220, %cond3A_221 : i32
          scf.if %cond3A_222 {
            %sub3A_243 = arith.constant 3 : i32
            %sub3A_244 = arith.subi %add3A_131, %sub3A_243 : i32
            %mul3A_245 = arith.constant 48 : i32
            %mul3A_246 = arith.muli %sub3A_244, %mul3A_245 : i32
            %add3A_247 = arith.addi %mul3A_2, %mul3A_246 : i32
            %dma_wait3A = arith.constant 0 : i32
            %dma_wait3A_248 = tpu.memref_slice %arg6[%add3A_247, %dma_wait3A] : memref<250000x128xf32, #tpu.memory_space<hbm>> -> memref<48x128xf32, #tpu.memory_space<hbm>>
            %dma_wait3A_249 = arith.constant 0 : i32
            %dma_wait3A_250 = tpu.memref_slice %arg6[%add3A_247, %dma_wait3A_249] : memref<250000x128xf32, #tpu.memory_space<hbm>> -> memref<48x128xf32, #tpu.memory_space<hbm>>
            tpu.wait_dma2 semaphore(%arg23 : memref<!tpu.dma_semaphore, #tpu.memory_space<semaphore_mem>>) src(%arg15 : memref<48x128xf32, #tpu.memory_space<vmem>>) dst(%dma_wait3A_250 : memref<48x128xf32, #tpu.memory_space<hbm>>)
          } else {
          }
          %eq3A_223 = arith.constant 2 : i32
          %eq3A_224 = arith.cmpi eq, %rem3A_212, %eq3A_223 : i32
          %convert_element_type3A_225 = arith.extui %eq3A_224 : i1 to i32
          %cond3A_226 = arith.constant 0 : i32
          %cond3A_227 = arith.cmpi ne, %convert_element_type3A_225, %cond3A_226 : i32
          scf.if %cond3A_227 {
            %sub3A_243 = arith.constant 3 : i32
            %sub3A_244 = arith.subi %add3A_131, %sub3A_243 : i32
            %mul3A_245 = arith.constant 48 : i32
            %mul3A_246 = arith.muli %sub3A_244, %mul3A_245 : i32
            %add3A_247 = arith.addi %mul3A_2, %mul3A_246 : i32
            %dma_wait3A = arith.constant 0 : i32
            %dma_wait3A_248 = tpu.memref_slice %arg6[%add3A_247, %dma_wait3A] : memref<250000x128xf32, #tpu.memory_space<hbm>> -> memref<48x128xf32, #tpu.memory_space<hbm>>
            %dma_wait3A_249 = arith.constant 0 : i32
            %dma_wait3A_250 = tpu.memref_slice %arg6[%add3A_247, %dma_wait3A_249] : memref<250000x128xf32, #tpu.memory_space<hbm>> -> memref<48x128xf32, #tpu.memory_space<hbm>>
            tpu.wait_dma2 semaphore(%arg23 : memref<!tpu.dma_semaphore, #tpu.memory_space<semaphore_mem>>) src(%arg16 : memref<48x128xf32, #tpu.memory_space<vmem>>) dst(%dma_wait3A_250 : memref<48x128xf32, #tpu.memory_space<hbm>>)
          } else {
          }
          %eq3A_228 = arith.constant 3 : i32
          %eq3A_229 = arith.cmpi eq, %rem3A_212, %eq3A_228 : i32
          %convert_element_type3A_230 = arith.extui %eq3A_229 : i1 to i32
          %cond3A_231 = arith.constant 0 : i32
          %cond3A_232 = arith.cmpi ne, %convert_element_type3A_230, %cond3A_231 : i32
          scf.if %cond3A_232 {
            %sub3A_243 = arith.constant 3 : i32
            %sub3A_244 = arith.subi %add3A_131, %sub3A_243 : i32
            %mul3A_245 = arith.constant 48 : i32
            %mul3A_246 = arith.muli %sub3A_244, %mul3A_245 : i32
            %add3A_247 = arith.addi %mul3A_2, %mul3A_246 : i32
            %dma_wait3A = arith.constant 0 : i32
            %dma_wait3A_248 = tpu.memref_slice %arg6[%add3A_247, %dma_wait3A] : memref<250000x128xf32, #tpu.memory_space<hbm>> -> memref<48x128xf32, #tpu.memory_space<hbm>>
            %dma_wait3A_249 = arith.constant 0 : i32
            %dma_wait3A_250 = tpu.memref_slice %arg6[%add3A_247, %dma_wait3A_249] : memref<250000x128xf32, #tpu.memory_space<hbm>> -> memref<48x128xf32, #tpu.memory_space<hbm>>
            tpu.wait_dma2 semaphore(%arg23 : memref<!tpu.dma_semaphore, #tpu.memory_space<semaphore_mem>>) src(%arg17 : memref<48x128xf32, #tpu.memory_space<vmem>>) dst(%dma_wait3A_250 : memref<48x128xf32, #tpu.memory_space<hbm>>)
          } else {
          }
          %eq3A_233 = arith.constant 4 : i32
          %eq3A_234 = arith.cmpi eq, %rem3A_212, %eq3A_233 : i32
          %convert_element_type3A_235 = arith.extui %eq3A_234 : i1 to i32
          %cond3A_236 = arith.constant 0 : i32
          %cond3A_237 = arith.cmpi ne, %convert_element_type3A_235, %cond3A_236 : i32
          scf.if %cond3A_237 {
            %sub3A_243 = arith.constant 3 : i32
            %sub3A_244 = arith.subi %add3A_131, %sub3A_243 : i32
            %mul3A_245 = arith.constant 48 : i32
            %mul3A_246 = arith.muli %sub3A_244, %mul3A_245 : i32
            %add3A_247 = arith.addi %mul3A_2, %mul3A_246 : i32
            %dma_wait3A = arith.constant 0 : i32
            %dma_wait3A_248 = tpu.memref_slice %arg6[%add3A_247, %dma_wait3A] : memref<250000x128xf32, #tpu.memory_space<hbm>> -> memref<48x128xf32, #tpu.memory_space<hbm>>
            %dma_wait3A_249 = arith.constant 0 : i32
            %dma_wait3A_250 = tpu.memref_slice %arg6[%add3A_247, %dma_wait3A_249] : memref<250000x128xf32, #tpu.memory_space<hbm>> -> memref<48x128xf32, #tpu.memory_space<hbm>>
            tpu.wait_dma2 semaphore(%arg23 : memref<!tpu.dma_semaphore, #tpu.memory_space<semaphore_mem>>) src(%arg18 : memref<48x128xf32, #tpu.memory_space<vmem>>) dst(%dma_wait3A_250 : memref<48x128xf32, #tpu.memory_space<hbm>>)
          } else {
          }
          %eq3A_238 = arith.constant 5 : i32
          %eq3A_239 = arith.cmpi eq, %rem3A_212, %eq3A_238 : i32
          %convert_element_type3A_240 = arith.extui %eq3A_239 : i1 to i32
          %cond3A_241 = arith.constant 0 : i32
          %cond3A_242 = arith.cmpi ne, %convert_element_type3A_240, %cond3A_241 : i32
          scf.if %cond3A_242 {
            %sub3A_243 = arith.constant 3 : i32
            %sub3A_244 = arith.subi %add3A_131, %sub3A_243 : i32
            %mul3A_245 = arith.constant 48 : i32
            %mul3A_246 = arith.muli %sub3A_244, %mul3A_245 : i32
            %add3A_247 = arith.addi %mul3A_2, %mul3A_246 : i32
            %dma_wait3A = arith.constant 0 : i32
            %dma_wait3A_248 = tpu.memref_slice %arg6[%add3A_247, %dma_wait3A] : memref<250000x128xf32, #tpu.memory_space<hbm>> -> memref<48x128xf32, #tpu.memory_space<hbm>>
            %dma_wait3A_249 = arith.constant 0 : i32
            %dma_wait3A_250 = tpu.memref_slice %arg6[%add3A_247, %dma_wait3A_249] : memref<250000x128xf32, #tpu.memory_space<hbm>> -> memref<48x128xf32, #tpu.memory_space<hbm>>
            tpu.wait_dma2 semaphore(%arg23 : memref<!tpu.dma_semaphore, #tpu.memory_space<semaphore_mem>>) src(%arg19 : memref<48x128xf32, #tpu.memory_space<vmem>>) dst(%dma_wait3A_250 : memref<48x128xf32, #tpu.memory_space<hbm>>)
          } else {
          }
        } else {
        }
        %add3A_140 = arith.constant 3 : i32
        %add3A_141 = arith.addi %add3A_131, %add3A_140 : i32
        %lt3A_142 = arith.cmpi slt, %add3A_141, %select_n3A : i32
        %convert_element_type3A_143 = arith.extui %lt3A_142 : i1 to i32
        %cond3A_144 = arith.constant 0 : i32
        %cond3A_145 = arith.cmpi ne, %convert_element_type3A_143, %cond3A_144 : i32
        scf.if %cond3A_145 {
          %add3A_209 = arith.constant 3 : i32
          %add3A_210 = arith.addi %add3A_131, %add3A_209 : i32
          %rem3A_211 = arith.constant 6 : i32
          %rem3A_212 = arith.remsi %add3A_210, %rem3A_211 : i32
          %eq3A_213 = arith.constant 0 : i32
          %eq3A_214 = arith.cmpi eq, %rem3A_212, %eq3A_213 : i32
          %convert_element_type3A_215 = arith.extui %eq3A_214 : i1 to i32
          %cond3A_216 = arith.constant 0 : i32
          %cond3A_217 = arith.cmpi ne, %convert_element_type3A_215, %cond3A_216 : i32
          scf.if %cond3A_217 {
            %add3A_243 = arith.constant 3 : i32
            %add3A_244 = arith.addi %add3A_131, %add3A_243 : i32
            %mul3A_245 = arith.constant 48 : i32
            %mul3A_246 = arith.muli %add3A_244, %mul3A_245 : i32
            %add3A_247 = arith.addi %mul3A_2, %mul3A_246 : i32
            %dma_start3A_248 = arith.constant 0 : i32
            %dma_start3A_249 = tpu.memref_slice %arg2[%add3A_247, %dma_start3A_248] : memref<250000x128xf32, #tpu.memory_space<hbm>> -> memref<48x128xf32, #tpu.memory_space<hbm>>
            %dma_start3A_250 = arith.constant 0 : i32
            %dma_start3A_251 = tpu.memref_slice %arg2[%add3A_247, %dma_start3A_250] : memref<250000x128xf32, #tpu.memory_space<hbm>> -> memref<48x128xf32, #tpu.memory_space<hbm>>
            tpu.enqueue_dma source(%dma_start3A_251 : memref<48x128xf32, #tpu.memory_space<hbm>>) target(%arg14 : memref<48x128xf32, #tpu.memory_space<vmem>>) target_semaphore(%arg22 : memref<!tpu.dma_semaphore, #tpu.memory_space<semaphore_mem>>)
          } else {
          }
          %eq3A_218 = arith.constant 1 : i32
          %eq3A_219 = arith.cmpi eq, %rem3A_212, %eq3A_218 : i32
          %convert_element_type3A_220 = arith.extui %eq3A_219 : i1 to i32
          %cond3A_221 = arith.constant 0 : i32
          %cond3A_222 = arith.cmpi ne, %convert_element_type3A_220, %cond3A_221 : i32
          scf.if %cond3A_222 {
            %add3A_243 = arith.constant 3 : i32
            %add3A_244 = arith.addi %add3A_131, %add3A_243 : i32
            %mul3A_245 = arith.constant 48 : i32
            %mul3A_246 = arith.muli %add3A_244, %mul3A_245 : i32
            %add3A_247 = arith.addi %mul3A_2, %mul3A_246 : i32
            %dma_start3A_248 = arith.constant 0 : i32
            %dma_start3A_249 = tpu.memref_slice %arg2[%add3A_247, %dma_start3A_248] : memref<250000x128xf32, #tpu.memory_space<hbm>> -> memref<48x128xf32, #tpu.memory_space<hbm>>
            %dma_start3A_250 = arith.constant 0 : i32
            %dma_start3A_251 = tpu.memref_slice %arg2[%add3A_247, %dma_start3A_250] : memref<250000x128xf32, #tpu.memory_space<hbm>> -> memref<48x128xf32, #tpu.memory_space<hbm>>
            tpu.enqueue_dma source(%dma_start3A_251 : memref<48x128xf32, #tpu.memory_space<hbm>>) target(%arg15 : memref<48x128xf32, #tpu.memory_space<vmem>>) target_semaphore(%arg22 : memref<!tpu.dma_semaphore, #tpu.memory_space<semaphore_mem>>)
          } else {
          }
          %eq3A_223 = arith.constant 2 : i32
          %eq3A_224 = arith.cmpi eq, %rem3A_212, %eq3A_223 : i32
          %convert_element_type3A_225 = arith.extui %eq3A_224 : i1 to i32
          %cond3A_226 = arith.constant 0 : i32
          %cond3A_227 = arith.cmpi ne, %convert_element_type3A_225, %cond3A_226 : i32
          scf.if %cond3A_227 {
            %add3A_243 = arith.constant 3 : i32
            %add3A_244 = arith.addi %add3A_131, %add3A_243 : i32
            %mul3A_245 = arith.constant 48 : i32
            %mul3A_246 = arith.muli %add3A_244, %mul3A_245 : i32
            %add3A_247 = arith.addi %mul3A_2, %mul3A_246 : i32
            %dma_start3A_248 = arith.constant 0 : i32
            %dma_start3A_249 = tpu.memref_slice %arg2[%add3A_247, %dma_start3A_248] : memref<250000x128xf32, #tpu.memory_space<hbm>> -> memref<48x128xf32, #tpu.memory_space<hbm>>
            %dma_start3A_250 = arith.constant 0 : i32
            %dma_start3A_251 = tpu.memref_slice %arg2[%add3A_247, %dma_start3A_250] : memref<250000x128xf32, #tpu.memory_space<hbm>> -> memref<48x128xf32, #tpu.memory_space<hbm>>
            tpu.enqueue_dma source(%dma_start3A_251 : memref<48x128xf32, #tpu.memory_space<hbm>>) target(%arg16 : memref<48x128xf32, #tpu.memory_space<vmem>>) target_semaphore(%arg22 : memref<!tpu.dma_semaphore, #tpu.memory_space<semaphore_mem>>)
          } else {
          }
          %eq3A_228 = arith.constant 3 : i32
          %eq3A_229 = arith.cmpi eq, %rem3A_212, %eq3A_228 : i32
          %convert_element_type3A_230 = arith.extui %eq3A_229 : i1 to i32
          %cond3A_231 = arith.constant 0 : i32
          %cond3A_232 = arith.cmpi ne, %convert_element_type3A_230, %cond3A_231 : i32
          scf.if %cond3A_232 {
            %add3A_243 = arith.constant 3 : i32
            %add3A_244 = arith.addi %add3A_131, %add3A_243 : i32
            %mul3A_245 = arith.constant 48 : i32
            %mul3A_246 = arith.muli %add3A_244, %mul3A_245 : i32
            %add3A_247 = arith.addi %mul3A_2, %mul3A_246 : i32
            %dma_start3A_248 = arith.constant 0 : i32
            %dma_start3A_249 = tpu.memref_slice %arg2[%add3A_247, %dma_start3A_248] : memref<250000x128xf32, #tpu.memory_space<hbm>> -> memref<48x128xf32, #tpu.memory_space<hbm>>
            %dma_start3A_250 = arith.constant 0 : i32
            %dma_start3A_251 = tpu.memref_slice %arg2[%add3A_247, %dma_start3A_250] : memref<250000x128xf32, #tpu.memory_space<hbm>> -> memref<48x128xf32, #tpu.memory_space<hbm>>
            tpu.enqueue_dma source(%dma_start3A_251 : memref<48x128xf32, #tpu.memory_space<hbm>>) target(%arg17 : memref<48x128xf32, #tpu.memory_space<vmem>>) target_semaphore(%arg22 : memref<!tpu.dma_semaphore, #tpu.memory_space<semaphore_mem>>)
          } else {
          }
          %eq3A_233 = arith.constant 4 : i32
          %eq3A_234 = arith.cmpi eq, %rem3A_212, %eq3A_233 : i32
          %convert_element_type3A_235 = arith.extui %eq3A_234 : i1 to i32
          %cond3A_236 = arith.constant 0 : i32
          %cond3A_237 = arith.cmpi ne, %convert_element_type3A_235, %cond3A_236 : i32
          scf.if %cond3A_237 {
            %add3A_243 = arith.constant 3 : i32
            %add3A_244 = arith.addi %add3A_131, %add3A_243 : i32
            %mul3A_245 = arith.constant 48 : i32
            %mul3A_246 = arith.muli %add3A_244, %mul3A_245 : i32
            %add3A_247 = arith.addi %mul3A_2, %mul3A_246 : i32
            %dma_start3A_248 = arith.constant 0 : i32
            %dma_start3A_249 = tpu.memref_slice %arg2[%add3A_247, %dma_start3A_248] : memref<250000x128xf32, #tpu.memory_space<hbm>> -> memref<48x128xf32, #tpu.memory_space<hbm>>
            %dma_start3A_250 = arith.constant 0 : i32
            %dma_start3A_251 = tpu.memref_slice %arg2[%add3A_247, %dma_start3A_250] : memref<250000x128xf32, #tpu.memory_space<hbm>> -> memref<48x128xf32, #tpu.memory_space<hbm>>
            tpu.enqueue_dma source(%dma_start3A_251 : memref<48x128xf32, #tpu.memory_space<hbm>>) target(%arg18 : memref<48x128xf32, #tpu.memory_space<vmem>>) target_semaphore(%arg22 : memref<!tpu.dma_semaphore, #tpu.memory_space<semaphore_mem>>)
          } else {
          }
          %eq3A_238 = arith.constant 5 : i32
          %eq3A_239 = arith.cmpi eq, %rem3A_212, %eq3A_238 : i32
          %convert_element_type3A_240 = arith.extui %eq3A_239 : i1 to i32
          %cond3A_241 = arith.constant 0 : i32
          %cond3A_242 = arith.cmpi ne, %convert_element_type3A_240, %cond3A_241 : i32
          scf.if %cond3A_242 {
            %add3A_243 = arith.constant 3 : i32
            %add3A_244 = arith.addi %add3A_131, %add3A_243 : i32
            %mul3A_245 = arith.constant 48 : i32
            %mul3A_246 = arith.muli %add3A_244, %mul3A_245 : i32
            %add3A_247 = arith.addi %mul3A_2, %mul3A_246 : i32
            %dma_start3A_248 = arith.constant 0 : i32
            %dma_start3A_249 = tpu.memref_slice %arg2[%add3A_247, %dma_start3A_248] : memref<250000x128xf32, #tpu.memory_space<hbm>> -> memref<48x128xf32, #tpu.memory_space<hbm>>
            %dma_start3A_250 = arith.constant 0 : i32
            %dma_start3A_251 = tpu.memref_slice %arg2[%add3A_247, %dma_start3A_250] : memref<250000x128xf32, #tpu.memory_space<hbm>> -> memref<48x128xf32, #tpu.memory_space<hbm>>
            tpu.enqueue_dma source(%dma_start3A_251 : memref<48x128xf32, #tpu.memory_space<hbm>>) target(%arg19 : memref<48x128xf32, #tpu.memory_space<vmem>>) target_semaphore(%arg22 : memref<!tpu.dma_semaphore, #tpu.memory_space<semaphore_mem>>)
          } else {
          }
        } else {
        }
        %rem3A = arith.constant 6 : i32
        %rem3A_146 = arith.remsi %add3A_131, %rem3A : i32
        %eq3A_147 = arith.constant 0 : i32
        %eq3A_148 = arith.cmpi eq, %rem3A_146, %eq3A_147 : i32
        %convert_element_type3A_149 = arith.extui %eq3A_148 : i1 to i32
        %cond3A_150 = arith.constant 0 : i32
        %cond3A_151 = arith.cmpi ne, %convert_element_type3A_149, %cond3A_150 : i32
        scf.if %cond3A_151 {
          %mul3A_209 = arith.constant 48 : i32
          %mul3A_210 = arith.muli %add3A_131, %mul3A_209 : i32
          %add3A_211 = arith.addi %mul3A_2, %mul3A_210 : i32
          %dma_wait3A = arith.constant 0 : i32
          %dma_wait3A_212 = tpu.memref_slice %arg2[%add3A_211, %dma_wait3A] : memref<250000x128xf32, #tpu.memory_space<hbm>> -> memref<48x128xf32, #tpu.memory_space<hbm>>
          %dma_wait3A_213 = arith.constant 0 : i32
          %dma_wait3A_214 = tpu.memref_slice %arg2[%add3A_211, %dma_wait3A_213] : memref<250000x128xf32, #tpu.memory_space<hbm>> -> memref<48x128xf32, #tpu.memory_space<hbm>>
          tpu.wait_dma2 semaphore(%arg22 : memref<!tpu.dma_semaphore, #tpu.memory_space<semaphore_mem>>) src(%dma_wait3A_214 : memref<48x128xf32, #tpu.memory_space<hbm>>) dst(%arg14 : memref<48x128xf32, #tpu.memory_space<vmem>>)
        } else {
        }
        %eq3A_152 = arith.constant 1 : i32
        %eq3A_153 = arith.cmpi eq, %rem3A_146, %eq3A_152 : i32
        %convert_element_type3A_154 = arith.extui %eq3A_153 : i1 to i32
        %cond3A_155 = arith.constant 0 : i32
        %cond3A_156 = arith.cmpi ne, %convert_element_type3A_154, %cond3A_155 : i32
        scf.if %cond3A_156 {
          %mul3A_209 = arith.constant 48 : i32
          %mul3A_210 = arith.muli %add3A_131, %mul3A_209 : i32
          %add3A_211 = arith.addi %mul3A_2, %mul3A_210 : i32
          %dma_wait3A = arith.constant 0 : i32
          %dma_wait3A_212 = tpu.memref_slice %arg2[%add3A_211, %dma_wait3A] : memref<250000x128xf32, #tpu.memory_space<hbm>> -> memref<48x128xf32, #tpu.memory_space<hbm>>
          %dma_wait3A_213 = arith.constant 0 : i32
          %dma_wait3A_214 = tpu.memref_slice %arg2[%add3A_211, %dma_wait3A_213] : memref<250000x128xf32, #tpu.memory_space<hbm>> -> memref<48x128xf32, #tpu.memory_space<hbm>>
          tpu.wait_dma2 semaphore(%arg22 : memref<!tpu.dma_semaphore, #tpu.memory_space<semaphore_mem>>) src(%dma_wait3A_214 : memref<48x128xf32, #tpu.memory_space<hbm>>) dst(%arg15 : memref<48x128xf32, #tpu.memory_space<vmem>>)
        } else {
        }
        %eq3A_157 = arith.constant 2 : i32
        %eq3A_158 = arith.cmpi eq, %rem3A_146, %eq3A_157 : i32
        %convert_element_type3A_159 = arith.extui %eq3A_158 : i1 to i32
        %cond3A_160 = arith.constant 0 : i32
        %cond3A_161 = arith.cmpi ne, %convert_element_type3A_159, %cond3A_160 : i32
        scf.if %cond3A_161 {
          %mul3A_209 = arith.constant 48 : i32
          %mul3A_210 = arith.muli %add3A_131, %mul3A_209 : i32
          %add3A_211 = arith.addi %mul3A_2, %mul3A_210 : i32
          %dma_wait3A = arith.constant 0 : i32
          %dma_wait3A_212 = tpu.memref_slice %arg2[%add3A_211, %dma_wait3A] : memref<250000x128xf32, #tpu.memory_space<hbm>> -> memref<48x128xf32, #tpu.memory_space<hbm>>
          %dma_wait3A_213 = arith.constant 0 : i32
          %dma_wait3A_214 = tpu.memref_slice %arg2[%add3A_211, %dma_wait3A_213] : memref<250000x128xf32, #tpu.memory_space<hbm>> -> memref<48x128xf32, #tpu.memory_space<hbm>>
          tpu.wait_dma2 semaphore(%arg22 : memref<!tpu.dma_semaphore, #tpu.memory_space<semaphore_mem>>) src(%dma_wait3A_214 : memref<48x128xf32, #tpu.memory_space<hbm>>) dst(%arg16 : memref<48x128xf32, #tpu.memory_space<vmem>>)
        } else {
        }
        %eq3A_162 = arith.constant 3 : i32
        %eq3A_163 = arith.cmpi eq, %rem3A_146, %eq3A_162 : i32
        %convert_element_type3A_164 = arith.extui %eq3A_163 : i1 to i32
        %cond3A_165 = arith.constant 0 : i32
        %cond3A_166 = arith.cmpi ne, %convert_element_type3A_164, %cond3A_165 : i32
        scf.if %cond3A_166 {
          %mul3A_209 = arith.constant 48 : i32
          %mul3A_210 = arith.muli %add3A_131, %mul3A_209 : i32
          %add3A_211 = arith.addi %mul3A_2, %mul3A_210 : i32
          %dma_wait3A = arith.constant 0 : i32
          %dma_wait3A_212 = tpu.memref_slice %arg2[%add3A_211, %dma_wait3A] : memref<250000x128xf32, #tpu.memory_space<hbm>> -> memref<48x128xf32, #tpu.memory_space<hbm>>
          %dma_wait3A_213 = arith.constant 0 : i32
          %dma_wait3A_214 = tpu.memref_slice %arg2[%add3A_211, %dma_wait3A_213] : memref<250000x128xf32, #tpu.memory_space<hbm>> -> memref<48x128xf32, #tpu.memory_space<hbm>>
          tpu.wait_dma2 semaphore(%arg22 : memref<!tpu.dma_semaphore, #tpu.memory_space<semaphore_mem>>) src(%dma_wait3A_214 : memref<48x128xf32, #tpu.memory_space<hbm>>) dst(%arg17 : memref<48x128xf32, #tpu.memory_space<vmem>>)
        } else {
        }
        %eq3A_167 = arith.constant 4 : i32
        %eq3A_168 = arith.cmpi eq, %rem3A_146, %eq3A_167 : i32
        %convert_element_type3A_169 = arith.extui %eq3A_168 : i1 to i32
        %cond3A_170 = arith.constant 0 : i32
        %cond3A_171 = arith.cmpi ne, %convert_element_type3A_169, %cond3A_170 : i32
        scf.if %cond3A_171 {
          %mul3A_209 = arith.constant 48 : i32
          %mul3A_210 = arith.muli %add3A_131, %mul3A_209 : i32
          %add3A_211 = arith.addi %mul3A_2, %mul3A_210 : i32
          %dma_wait3A = arith.constant 0 : i32
          %dma_wait3A_212 = tpu.memref_slice %arg2[%add3A_211, %dma_wait3A] : memref<250000x128xf32, #tpu.memory_space<hbm>> -> memref<48x128xf32, #tpu.memory_space<hbm>>
          %dma_wait3A_213 = arith.constant 0 : i32
          %dma_wait3A_214 = tpu.memref_slice %arg2[%add3A_211, %dma_wait3A_213] : memref<250000x128xf32, #tpu.memory_space<hbm>> -> memref<48x128xf32, #tpu.memory_space<hbm>>
          tpu.wait_dma2 semaphore(%arg22 : memref<!tpu.dma_semaphore, #tpu.memory_space<semaphore_mem>>) src(%dma_wait3A_214 : memref<48x128xf32, #tpu.memory_space<hbm>>) dst(%arg18 : memref<48x128xf32, #tpu.memory_space<vmem>>)
        } else {
        }
        %eq3A_172 = arith.constant 5 : i32
        %eq3A_173 = arith.cmpi eq, %rem3A_146, %eq3A_172 : i32
        %convert_element_type3A_174 = arith.extui %eq3A_173 : i1 to i32
        %cond3A_175 = arith.constant 0 : i32
        %cond3A_176 = arith.cmpi ne, %convert_element_type3A_174, %cond3A_175 : i32
        scf.if %cond3A_176 {
          %mul3A_209 = arith.constant 48 : i32
          %mul3A_210 = arith.muli %add3A_131, %mul3A_209 : i32
          %add3A_211 = arith.addi %mul3A_2, %mul3A_210 : i32
          %dma_wait3A = arith.constant 0 : i32
          %dma_wait3A_212 = tpu.memref_slice %arg2[%add3A_211, %dma_wait3A] : memref<250000x128xf32, #tpu.memory_space<hbm>> -> memref<48x128xf32, #tpu.memory_space<hbm>>
          %dma_wait3A_213 = arith.constant 0 : i32
          %dma_wait3A_214 = tpu.memref_slice %arg2[%add3A_211, %dma_wait3A_213] : memref<250000x128xf32, #tpu.memory_space<hbm>> -> memref<48x128xf32, #tpu.memory_space<hbm>>
          tpu.wait_dma2 semaphore(%arg22 : memref<!tpu.dma_semaphore, #tpu.memory_space<semaphore_mem>>) src(%dma_wait3A_214 : memref<48x128xf32, #tpu.memory_space<hbm>>) dst(%arg19 : memref<48x128xf32, #tpu.memory_space<vmem>>)
        } else {
        }
        %rem3A_177 = arith.constant 6 : i32
        %rem3A_178 = arith.remsi %add3A_131, %rem3A_177 : i32
        %eq3A_179 = arith.constant 0 : i32
        %eq3A_180 = arith.cmpi eq, %rem3A_178, %eq3A_179 : i32
        %convert_element_type3A_181 = arith.extui %eq3A_180 : i1 to i32
        %cond3A_182 = arith.constant 0 : i32
        %cond3A_183 = arith.cmpi ne, %convert_element_type3A_181, %cond3A_182 : i32
        scf.if %cond3A_183 {
          %mul3A_209 = arith.constant 48 : i32
          %mul3A_210 = arith.muli %add3A_131, %mul3A_209 : i32
          %add3A_211 = arith.addi %mul3A_2, %mul3A_210 : i32
          %dma_start3A_212 = arith.constant 0 : i32
          %dma_start3A_213 = tpu.memref_slice %arg6[%add3A_211, %dma_start3A_212] : memref<250000x128xf32, #tpu.memory_space<hbm>> -> memref<48x128xf32, #tpu.memory_space<hbm>>
          %dma_start3A_214 = arith.constant 0 : i32
          %dma_start3A_215 = tpu.memref_slice %arg6[%add3A_211, %dma_start3A_214] : memref<250000x128xf32, #tpu.memory_space<hbm>> -> memref<48x128xf32, #tpu.memory_space<hbm>>
          tpu.enqueue_dma source(%arg14 : memref<48x128xf32, #tpu.memory_space<vmem>>) target(%dma_start3A_215 : memref<48x128xf32, #tpu.memory_space<hbm>>) target_semaphore(%arg23 : memref<!tpu.dma_semaphore, #tpu.memory_space<semaphore_mem>>)
        } else {
        }
        %eq3A_184 = arith.constant 1 : i32
        %eq3A_185 = arith.cmpi eq, %rem3A_178, %eq3A_184 : i32
        %convert_element_type3A_186 = arith.extui %eq3A_185 : i1 to i32
        %cond3A_187 = arith.constant 0 : i32
        %cond3A_188 = arith.cmpi ne, %convert_element_type3A_186, %cond3A_187 : i32
        scf.if %cond3A_188 {
          %mul3A_209 = arith.constant 48 : i32
          %mul3A_210 = arith.muli %add3A_131, %mul3A_209 : i32
          %add3A_211 = arith.addi %mul3A_2, %mul3A_210 : i32
          %dma_start3A_212 = arith.constant 0 : i32
          %dma_start3A_213 = tpu.memref_slice %arg6[%add3A_211, %dma_start3A_212] : memref<250000x128xf32, #tpu.memory_space<hbm>> -> memref<48x128xf32, #tpu.memory_space<hbm>>
          %dma_start3A_214 = arith.constant 0 : i32
          %dma_start3A_215 = tpu.memref_slice %arg6[%add3A_211, %dma_start3A_214] : memref<250000x128xf32, #tpu.memory_space<hbm>> -> memref<48x128xf32, #tpu.memory_space<hbm>>
          tpu.enqueue_dma source(%arg15 : memref<48x128xf32, #tpu.memory_space<vmem>>) target(%dma_start3A_215 : memref<48x128xf32, #tpu.memory_space<hbm>>) target_semaphore(%arg23 : memref<!tpu.dma_semaphore, #tpu.memory_space<semaphore_mem>>)
        } else {
        }
        %eq3A_189 = arith.constant 2 : i32
        %eq3A_190 = arith.cmpi eq, %rem3A_178, %eq3A_189 : i32
        %convert_element_type3A_191 = arith.extui %eq3A_190 : i1 to i32
        %cond3A_192 = arith.constant 0 : i32
        %cond3A_193 = arith.cmpi ne, %convert_element_type3A_191, %cond3A_192 : i32
        scf.if %cond3A_193 {
          %mul3A_209 = arith.constant 48 : i32
          %mul3A_210 = arith.muli %add3A_131, %mul3A_209 : i32
          %add3A_211 = arith.addi %mul3A_2, %mul3A_210 : i32
          %dma_start3A_212 = arith.constant 0 : i32
          %dma_start3A_213 = tpu.memref_slice %arg6[%add3A_211, %dma_start3A_212] : memref<250000x128xf32, #tpu.memory_space<hbm>> -> memref<48x128xf32, #tpu.memory_space<hbm>>
          %dma_start3A_214 = arith.constant 0 : i32
          %dma_start3A_215 = tpu.memref_slice %arg6[%add3A_211, %dma_start3A_214] : memref<250000x128xf32, #tpu.memory_space<hbm>> -> memref<48x128xf32, #tpu.memory_space<hbm>>
          tpu.enqueue_dma source(%arg16 : memref<48x128xf32, #tpu.memory_space<vmem>>) target(%dma_start3A_215 : memref<48x128xf32, #tpu.memory_space<hbm>>) target_semaphore(%arg23 : memref<!tpu.dma_semaphore, #tpu.memory_space<semaphore_mem>>)
        } else {
        }
        %eq3A_194 = arith.constant 3 : i32
        %eq3A_195 = arith.cmpi eq, %rem3A_178, %eq3A_194 : i32
        %convert_element_type3A_196 = arith.extui %eq3A_195 : i1 to i32
        %cond3A_197 = arith.constant 0 : i32
        %cond3A_198 = arith.cmpi ne, %convert_element_type3A_196, %cond3A_197 : i32
        scf.if %cond3A_198 {
          %mul3A_209 = arith.constant 48 : i32
          %mul3A_210 = arith.muli %add3A_131, %mul3A_209 : i32
          %add3A_211 = arith.addi %mul3A_2, %mul3A_210 : i32
          %dma_start3A_212 = arith.constant 0 : i32
          %dma_start3A_213 = tpu.memref_slice %arg6[%add3A_211, %dma_start3A_212] : memref<250000x128xf32, #tpu.memory_space<hbm>> -> memref<48x128xf32, #tpu.memory_space<hbm>>
          %dma_start3A_214 = arith.constant 0 : i32
          %dma_start3A_215 = tpu.memref_slice %arg6[%add3A_211, %dma_start3A_214] : memref<250000x128xf32, #tpu.memory_space<hbm>> -> memref<48x128xf32, #tpu.memory_space<hbm>>
          tpu.enqueue_dma source(%arg17 : memref<48x128xf32, #tpu.memory_space<vmem>>) target(%dma_start3A_215 : memref<48x128xf32, #tpu.memory_space<hbm>>) target_semaphore(%arg23 : memref<!tpu.dma_semaphore, #tpu.memory_space<semaphore_mem>>)
        } else {
        }
        %eq3A_199 = arith.constant 4 : i32
        %eq3A_200 = arith.cmpi eq, %rem3A_178, %eq3A_199 : i32
        %convert_element_type3A_201 = arith.extui %eq3A_200 : i1 to i32
        %cond3A_202 = arith.constant 0 : i32
        %cond3A_203 = arith.cmpi ne, %convert_element_type3A_201, %cond3A_202 : i32
        scf.if %cond3A_203 {
          %mul3A_209 = arith.constant 48 : i32
          %mul3A_210 = arith.muli %add3A_131, %mul3A_209 : i32
          %add3A_211 = arith.addi %mul3A_2, %mul3A_210 : i32
          %dma_start3A_212 = arith.constant 0 : i32
          %dma_start3A_213 = tpu.memref_slice %arg6[%add3A_211, %dma_start3A_212] : memref<250000x128xf32, #tpu.memory_space<hbm>> -> memref<48x128xf32, #tpu.memory_space<hbm>>
          %dma_start3A_214 = arith.constant 0 : i32
          %dma_start3A_215 = tpu.memref_slice %arg6[%add3A_211, %dma_start3A_214] : memref<250000x128xf32, #tpu.memory_space<hbm>> -> memref<48x128xf32, #tpu.memory_space<hbm>>
          tpu.enqueue_dma source(%arg18 : memref<48x128xf32, #tpu.memory_space<vmem>>) target(%dma_start3A_215 : memref<48x128xf32, #tpu.memory_space<hbm>>) target_semaphore(%arg23 : memref<!tpu.dma_semaphore, #tpu.memory_space<semaphore_mem>>)
        } else {
        }
        %eq3A_204 = arith.constant 5 : i32
        %eq3A_205 = arith.cmpi eq, %rem3A_178, %eq3A_204 : i32
        %convert_element_type3A_206 = arith.extui %eq3A_205 : i1 to i32
        %cond3A_207 = arith.constant 0 : i32
        %cond3A_208 = arith.cmpi ne, %convert_element_type3A_206, %cond3A_207 : i32
        scf.if %cond3A_208 {
          %mul3A_209 = arith.constant 48 : i32
          %mul3A_210 = arith.muli %add3A_131, %mul3A_209 : i32
          %add3A_211 = arith.addi %mul3A_2, %mul3A_210 : i32
          %dma_start3A_212 = arith.constant 0 : i32
          %dma_start3A_213 = tpu.memref_slice %arg6[%add3A_211, %dma_start3A_212] : memref<250000x128xf32, #tpu.memory_space<hbm>> -> memref<48x128xf32, #tpu.memory_space<hbm>>
          %dma_start3A_214 = arith.constant 0 : i32
          %dma_start3A_215 = tpu.memref_slice %arg6[%add3A_211, %dma_start3A_214] : memref<250000x128xf32, #tpu.memory_space<hbm>> -> memref<48x128xf32, #tpu.memory_space<hbm>>
          tpu.enqueue_dma source(%arg19 : memref<48x128xf32, #tpu.memory_space<vmem>>) target(%dma_start3A_215 : memref<48x128xf32, #tpu.memory_space<hbm>>) target_semaphore(%arg23 : memref<!tpu.dma_semaphore, #tpu.memory_space<semaphore_mem>>)
        } else {
        }
      } else {
      }
      %while3A_135 = arith.constant 0 : i32
      scf.yield %while3A_135 : i32
    }
    %gt3A = arith.constant 189 : i32
    %gt3A_88 = arith.cmpi sgt, %select_n3A, %gt3A : i32
    %convert_element_type3A_89 = arith.extui %gt3A_88 : i1 to i32
    %cond3A_90 = arith.constant 0 : i32
    %cond3A_91 = arith.cmpi ne, %convert_element_type3A_89, %cond3A_90 : i32
    scf.if %cond3A_91 {
      %rem3A = arith.constant 186 : i32
      %rem3A_128 = arith.constant 6 : i32
      %rem3A_129 = arith.remsi %rem3A, %rem3A_128 : i32
      %eq3A_130 = arith.constant 0 : i32
      %eq3A_131 = arith.cmpi eq, %rem3A_129, %eq3A_130 : i32
      %convert_element_type3A_132 = arith.extui %eq3A_131 : i1 to i32
      %cond3A_133 = arith.constant 0 : i32
      %cond3A_134 = arith.cmpi ne, %convert_element_type3A_132, %cond3A_133 : i32
      scf.if %cond3A_134 {
        %add3A_231 = arith.constant 8928 : i32
        %add3A_232 = arith.addi %mul3A_2, %add3A_231 : i32
        %dma_wait3A = arith.constant 0 : i32
        %dma_wait3A_233 = tpu.memref_slice %arg6[%add3A_232, %dma_wait3A] : memref<250000x128xf32, #tpu.memory_space<hbm>> -> memref<48x128xf32, #tpu.memory_space<hbm>>
        %dma_wait3A_234 = arith.constant 0 : i32
        %dma_wait3A_235 = tpu.memref_slice %arg6[%add3A_232, %dma_wait3A_234] : memref<250000x128xf32, #tpu.memory_space<hbm>> -> memref<48x128xf32, #tpu.memory_space<hbm>>
        tpu.wait_dma2 semaphore(%arg23 : memref<!tpu.dma_semaphore, #tpu.memory_space<semaphore_mem>>) src(%arg14 : memref<48x128xf32, #tpu.memory_space<vmem>>) dst(%dma_wait3A_235 : memref<48x128xf32, #tpu.memory_space<hbm>>)
      } else {
      }
      %eq3A_135 = arith.constant 1 : i32
      %eq3A_136 = arith.cmpi eq, %rem3A_129, %eq3A_135 : i32
      %convert_element_type3A_137 = arith.extui %eq3A_136 : i1 to i32
      %cond3A_138 = arith.constant 0 : i32
      %cond3A_139 = arith.cmpi ne, %convert_element_type3A_137, %cond3A_138 : i32
      scf.if %cond3A_139 {
        %add3A_231 = arith.constant 8928 : i32
        %add3A_232 = arith.addi %mul3A_2, %add3A_231 : i32
        %dma_wait3A = arith.constant 0 : i32
        %dma_wait3A_233 = tpu.memref_slice %arg6[%add3A_232, %dma_wait3A] : memref<250000x128xf32, #tpu.memory_space<hbm>> -> memref<48x128xf32, #tpu.memory_space<hbm>>
        %dma_wait3A_234 = arith.constant 0 : i32
        %dma_wait3A_235 = tpu.memref_slice %arg6[%add3A_232, %dma_wait3A_234] : memref<250000x128xf32, #tpu.memory_space<hbm>> -> memref<48x128xf32, #tpu.memory_space<hbm>>
        tpu.wait_dma2 semaphore(%arg23 : memref<!tpu.dma_semaphore, #tpu.memory_space<semaphore_mem>>) src(%arg15 : memref<48x128xf32, #tpu.memory_space<vmem>>) dst(%dma_wait3A_235 : memref<48x128xf32, #tpu.memory_space<hbm>>)
      } else {
      }
      %eq3A_140 = arith.constant 2 : i32
      %eq3A_141 = arith.cmpi eq, %rem3A_129, %eq3A_140 : i32
      %convert_element_type3A_142 = arith.extui %eq3A_141 : i1 to i32
      %cond3A_143 = arith.constant 0 : i32
      %cond3A_144 = arith.cmpi ne, %convert_element_type3A_142, %cond3A_143 : i32
      scf.if %cond3A_144 {
        %add3A_231 = arith.constant 8928 : i32
        %add3A_232 = arith.addi %mul3A_2, %add3A_231 : i32
        %dma_wait3A = arith.constant 0 : i32
        %dma_wait3A_233 = tpu.memref_slice %arg6[%add3A_232, %dma_wait3A] : memref<250000x128xf32, #tpu.memory_space<hbm>> -> memref<48x128xf32, #tpu.memory_space<hbm>>
        %dma_wait3A_234 = arith.constant 0 : i32
        %dma_wait3A_235 = tpu.memref_slice %arg6[%add3A_232, %dma_wait3A_234] : memref<250000x128xf32, #tpu.memory_space<hbm>> -> memref<48x128xf32, #tpu.memory_space<hbm>>
        tpu.wait_dma2 semaphore(%arg23 : memref<!tpu.dma_semaphore, #tpu.memory_space<semaphore_mem>>) src(%arg16 : memref<48x128xf32, #tpu.memory_space<vmem>>) dst(%dma_wait3A_235 : memref<48x128xf32, #tpu.memory_space<hbm>>)
      } else {
      }
      %eq3A_145 = arith.constant 3 : i32
      %eq3A_146 = arith.cmpi eq, %rem3A_129, %eq3A_145 : i32
      %convert_element_type3A_147 = arith.extui %eq3A_146 : i1 to i32
      %cond3A_148 = arith.constant 0 : i32
      %cond3A_149 = arith.cmpi ne, %convert_element_type3A_147, %cond3A_148 : i32
      scf.if %cond3A_149 {
        %add3A_231 = arith.constant 8928 : i32
        %add3A_232 = arith.addi %mul3A_2, %add3A_231 : i32
        %dma_wait3A = arith.constant 0 : i32
        %dma_wait3A_233 = tpu.memref_slice %arg6[%add3A_232, %dma_wait3A] : memref<250000x128xf32, #tpu.memory_space<hbm>> -> memref<48x128xf32, #tpu.memory_space<hbm>>
        %dma_wait3A_234 = arith.constant 0 : i32
        %dma_wait3A_235 = tpu.memref_slice %arg6[%add3A_232, %dma_wait3A_234] : memref<250000x128xf32, #tpu.memory_space<hbm>> -> memref<48x128xf32, #tpu.memory_space<hbm>>
        tpu.wait_dma2 semaphore(%arg23 : memref<!tpu.dma_semaphore, #tpu.memory_space<semaphore_mem>>) src(%arg17 : memref<48x128xf32, #tpu.memory_space<vmem>>) dst(%dma_wait3A_235 : memref<48x128xf32, #tpu.memory_space<hbm>>)
      } else {
      }
      %eq3A_150 = arith.constant 4 : i32
      %eq3A_151 = arith.cmpi eq, %rem3A_129, %eq3A_150 : i32
      %convert_element_type3A_152 = arith.extui %eq3A_151 : i1 to i32
      %cond3A_153 = arith.constant 0 : i32
      %cond3A_154 = arith.cmpi ne, %convert_element_type3A_152, %cond3A_153 : i32
      scf.if %cond3A_154 {
        %add3A_231 = arith.constant 8928 : i32
        %add3A_232 = arith.addi %mul3A_2, %add3A_231 : i32
        %dma_wait3A = arith.constant 0 : i32
        %dma_wait3A_233 = tpu.memref_slice %arg6[%add3A_232, %dma_wait3A] : memref<250000x128xf32, #tpu.memory_space<hbm>> -> memref<48x128xf32, #tpu.memory_space<hbm>>
        %dma_wait3A_234 = arith.constant 0 : i32
        %dma_wait3A_235 = tpu.memref_slice %arg6[%add3A_232, %dma_wait3A_234] : memref<250000x128xf32, #tpu.memory_space<hbm>> -> memref<48x128xf32, #tpu.memory_space<hbm>>
        tpu.wait_dma2 semaphore(%arg23 : memref<!tpu.dma_semaphore, #tpu.memory_space<semaphore_mem>>) src(%arg18 : memref<48x128xf32, #tpu.memory_space<vmem>>) dst(%dma_wait3A_235 : memref<48x128xf32, #tpu.memory_space<hbm>>)
      } else {
      }
      %eq3A_155 = arith.constant 5 : i32
      %eq3A_156 = arith.cmpi eq, %rem3A_129, %eq3A_155 : i32
      %convert_element_type3A_157 = arith.extui %eq3A_156 : i1 to i32
      %cond3A_158 = arith.constant 0 : i32
      %cond3A_159 = arith.cmpi ne, %convert_element_type3A_157, %cond3A_158 : i32
      scf.if %cond3A_159 {
        %add3A_231 = arith.constant 8928 : i32
        %add3A_232 = arith.addi %mul3A_2, %add3A_231 : i32
        %dma_wait3A = arith.constant 0 : i32
        %dma_wait3A_233 = tpu.memref_slice %arg6[%add3A_232, %dma_wait3A] : memref<250000x128xf32, #tpu.memory_space<hbm>> -> memref<48x128xf32, #tpu.memory_space<hbm>>
        %dma_wait3A_234 = arith.constant 0 : i32
        %dma_wait3A_235 = tpu.memref_slice %arg6[%add3A_232, %dma_wait3A_234] : memref<250000x128xf32, #tpu.memory_space<hbm>> -> memref<48x128xf32, #tpu.memory_space<hbm>>
        tpu.wait_dma2 semaphore(%arg23 : memref<!tpu.dma_semaphore, #tpu.memory_space<semaphore_mem>>) src(%arg19 : memref<48x128xf32, #tpu.memory_space<vmem>>) dst(%dma_wait3A_235 : memref<48x128xf32, #tpu.memory_space<hbm>>)
      } else {
      }
      %gt3A_160 = arith.constant 192 : i32
      %gt3A_161 = arith.cmpi sgt, %select_n3A, %gt3A_160 : i32
      %convert_element_type3A_162 = arith.extui %gt3A_161 : i1 to i32
      %cond3A_163 = arith.constant 0 : i32
      %cond3A_164 = arith.cmpi ne, %convert_element_type3A_162, %cond3A_163 : i32
      scf.if %cond3A_164 {
        %rem3A_231 = arith.constant 192 : i32
        %rem3A_232 = arith.constant 6 : i32
        %rem3A_233 = arith.remsi %rem3A_231, %rem3A_232 : i32
        %eq3A_234 = arith.constant 0 : i32
        %eq3A_235 = arith.cmpi eq, %rem3A_233, %eq3A_234 : i32
        %convert_element_type3A_236 = arith.extui %eq3A_235 : i1 to i32
        %cond3A_237 = arith.constant 0 : i32
        %cond3A_238 = arith.cmpi ne, %convert_element_type3A_236, %cond3A_237 : i32
        scf.if %cond3A_238 {
          %add3A_264 = arith.constant 9216 : i32
          %add3A_265 = arith.addi %mul3A_2, %add3A_264 : i32
          %dma_start3A_266 = arith.constant 0 : i32
          %dma_start3A_267 = tpu.memref_slice %arg2[%add3A_265, %dma_start3A_266] : memref<250000x128xf32, #tpu.memory_space<hbm>> -> memref<48x128xf32, #tpu.memory_space<hbm>>
          %dma_start3A_268 = arith.constant 0 : i32
          %dma_start3A_269 = tpu.memref_slice %arg2[%add3A_265, %dma_start3A_268] : memref<250000x128xf32, #tpu.memory_space<hbm>> -> memref<48x128xf32, #tpu.memory_space<hbm>>
          tpu.enqueue_dma source(%dma_start3A_269 : memref<48x128xf32, #tpu.memory_space<hbm>>) target(%arg14 : memref<48x128xf32, #tpu.memory_space<vmem>>) target_semaphore(%arg22 : memref<!tpu.dma_semaphore, #tpu.memory_space<semaphore_mem>>)
        } else {
        }
        %eq3A_239 = arith.constant 1 : i32
        %eq3A_240 = arith.cmpi eq, %rem3A_233, %eq3A_239 : i32
        %convert_element_type3A_241 = arith.extui %eq3A_240 : i1 to i32
        %cond3A_242 = arith.constant 0 : i32
        %cond3A_243 = arith.cmpi ne, %convert_element_type3A_241, %cond3A_242 : i32
        scf.if %cond3A_243 {
          %add3A_264 = arith.constant 9216 : i32
          %add3A_265 = arith.addi %mul3A_2, %add3A_264 : i32
          %dma_start3A_266 = arith.constant 0 : i32
          %dma_start3A_267 = tpu.memref_slice %arg2[%add3A_265, %dma_start3A_266] : memref<250000x128xf32, #tpu.memory_space<hbm>> -> memref<48x128xf32, #tpu.memory_space<hbm>>
          %dma_start3A_268 = arith.constant 0 : i32
          %dma_start3A_269 = tpu.memref_slice %arg2[%add3A_265, %dma_start3A_268] : memref<250000x128xf32, #tpu.memory_space<hbm>> -> memref<48x128xf32, #tpu.memory_space<hbm>>
          tpu.enqueue_dma source(%dma_start3A_269 : memref<48x128xf32, #tpu.memory_space<hbm>>) target(%arg15 : memref<48x128xf32, #tpu.memory_space<vmem>>) target_semaphore(%arg22 : memref<!tpu.dma_semaphore, #tpu.memory_space<semaphore_mem>>)
        } else {
        }
        %eq3A_244 = arith.constant 2 : i32
        %eq3A_245 = arith.cmpi eq, %rem3A_233, %eq3A_244 : i32
        %convert_element_type3A_246 = arith.extui %eq3A_245 : i1 to i32
        %cond3A_247 = arith.constant 0 : i32
        %cond3A_248 = arith.cmpi ne, %convert_element_type3A_246, %cond3A_247 : i32
        scf.if %cond3A_248 {
          %add3A_264 = arith.constant 9216 : i32
          %add3A_265 = arith.addi %mul3A_2, %add3A_264 : i32
          %dma_start3A_266 = arith.constant 0 : i32
          %dma_start3A_267 = tpu.memref_slice %arg2[%add3A_265, %dma_start3A_266] : memref<250000x128xf32, #tpu.memory_space<hbm>> -> memref<48x128xf32, #tpu.memory_space<hbm>>
          %dma_start3A_268 = arith.constant 0 : i32
          %dma_start3A_269 = tpu.memref_slice %arg2[%add3A_265, %dma_start3A_268] : memref<250000x128xf32, #tpu.memory_space<hbm>> -> memref<48x128xf32, #tpu.memory_space<hbm>>
          tpu.enqueue_dma source(%dma_start3A_269 : memref<48x128xf32, #tpu.memory_space<hbm>>) target(%arg16 : memref<48x128xf32, #tpu.memory_space<vmem>>) target_semaphore(%arg22 : memref<!tpu.dma_semaphore, #tpu.memory_space<semaphore_mem>>)
        } else {
        }
        %eq3A_249 = arith.constant 3 : i32
        %eq3A_250 = arith.cmpi eq, %rem3A_233, %eq3A_249 : i32
        %convert_element_type3A_251 = arith.extui %eq3A_250 : i1 to i32
        %cond3A_252 = arith.constant 0 : i32
        %cond3A_253 = arith.cmpi ne, %convert_element_type3A_251, %cond3A_252 : i32
        scf.if %cond3A_253 {
          %add3A_264 = arith.constant 9216 : i32
          %add3A_265 = arith.addi %mul3A_2, %add3A_264 : i32
          %dma_start3A_266 = arith.constant 0 : i32
          %dma_start3A_267 = tpu.memref_slice %arg2[%add3A_265, %dma_start3A_266] : memref<250000x128xf32, #tpu.memory_space<hbm>> -> memref<48x128xf32, #tpu.memory_space<hbm>>
          %dma_start3A_268 = arith.constant 0 : i32
          %dma_start3A_269 = tpu.memref_slice %arg2[%add3A_265, %dma_start3A_268] : memref<250000x128xf32, #tpu.memory_space<hbm>> -> memref<48x128xf32, #tpu.memory_space<hbm>>
          tpu.enqueue_dma source(%dma_start3A_269 : memref<48x128xf32, #tpu.memory_space<hbm>>) target(%arg17 : memref<48x128xf32, #tpu.memory_space<vmem>>) target_semaphore(%arg22 : memref<!tpu.dma_semaphore, #tpu.memory_space<semaphore_mem>>)
        } else {
        }
        %eq3A_254 = arith.constant 4 : i32
        %eq3A_255 = arith.cmpi eq, %rem3A_233, %eq3A_254 : i32
        %convert_element_type3A_256 = arith.extui %eq3A_255 : i1 to i32
        %cond3A_257 = arith.constant 0 : i32
        %cond3A_258 = arith.cmpi ne, %convert_element_type3A_256, %cond3A_257 : i32
        scf.if %cond3A_258 {
          %add3A_264 = arith.constant 9216 : i32
          %add3A_265 = arith.addi %mul3A_2, %add3A_264 : i32
          %dma_start3A_266 = arith.constant 0 : i32
          %dma_start3A_267 = tpu.memref_slice %arg2[%add3A_265, %dma_start3A_266] : memref<250000x128xf32, #tpu.memory_space<hbm>> -> memref<48x128xf32, #tpu.memory_space<hbm>>
          %dma_start3A_268 = arith.constant 0 : i32
          %dma_start3A_269 = tpu.memref_slice %arg2[%add3A_265, %dma_start3A_268] : memref<250000x128xf32, #tpu.memory_space<hbm>> -> memref<48x128xf32, #tpu.memory_space<hbm>>
          tpu.enqueue_dma source(%dma_start3A_269 : memref<48x128xf32, #tpu.memory_space<hbm>>) target(%arg18 : memref<48x128xf32, #tpu.memory_space<vmem>>) target_semaphore(%arg22 : memref<!tpu.dma_semaphore, #tpu.memory_space<semaphore_mem>>)
        } else {
        }
        %eq3A_259 = arith.constant 5 : i32
        %eq3A_260 = arith.cmpi eq, %rem3A_233, %eq3A_259 : i32
        %convert_element_type3A_261 = arith.extui %eq3A_260 : i1 to i32
        %cond3A_262 = arith.constant 0 : i32
        %cond3A_263 = arith.cmpi ne, %convert_element_type3A_261, %cond3A_262 : i32
        scf.if %cond3A_263 {
          %add3A_264 = arith.constant 9216 : i32
          %add3A_265 = arith.addi %mul3A_2, %add3A_264 : i32
          %dma_start3A_266 = arith.constant 0 : i32
          %dma_start3A_267 = tpu.memref_slice %arg2[%add3A_265, %dma_start3A_266] : memref<250000x128xf32, #tpu.memory_space<hbm>> -> memref<48x128xf32, #tpu.memory_space<hbm>>
          %dma_start3A_268 = arith.constant 0 : i32
          %dma_start3A_269 = tpu.memref_slice %arg2[%add3A_265, %dma_start3A_268] : memref<250000x128xf32, #tpu.memory_space<hbm>> -> memref<48x128xf32, #tpu.memory_space<hbm>>
          tpu.enqueue_dma source(%dma_start3A_269 : memref<48x128xf32, #tpu.memory_space<hbm>>) target(%arg19 : memref<48x128xf32, #tpu.memory_space<vmem>>) target_semaphore(%arg22 : memref<!tpu.dma_semaphore, #tpu.memory_space<semaphore_mem>>)
        } else {
        }
      } else {
      }
      %rem3A_165 = arith.constant 189 : i32
      %rem3A_166 = arith.constant 6 : i32
      %rem3A_167 = arith.remsi %rem3A_165, %rem3A_166 : i32
      %eq3A_168 = arith.constant 0 : i32
      %eq3A_169 = arith.cmpi eq, %rem3A_167, %eq3A_168 : i32
      %convert_element_type3A_170 = arith.extui %eq3A_169 : i1 to i32
      %cond3A_171 = arith.constant 0 : i32
      %cond3A_172 = arith.cmpi ne, %convert_element_type3A_170, %cond3A_171 : i32
      scf.if %cond3A_172 {
        %add3A_231 = arith.constant 9072 : i32
        %add3A_232 = arith.addi %mul3A_2, %add3A_231 : i32
        %dma_wait3A = arith.constant 0 : i32
        %dma_wait3A_233 = tpu.memref_slice %arg2[%add3A_232, %dma_wait3A] : memref<250000x128xf32, #tpu.memory_space<hbm>> -> memref<48x128xf32, #tpu.memory_space<hbm>>
        %dma_wait3A_234 = arith.constant 0 : i32
        %dma_wait3A_235 = tpu.memref_slice %arg2[%add3A_232, %dma_wait3A_234] : memref<250000x128xf32, #tpu.memory_space<hbm>> -> memref<48x128xf32, #tpu.memory_space<hbm>>
        tpu.wait_dma2 semaphore(%arg22 : memref<!tpu.dma_semaphore, #tpu.memory_space<semaphore_mem>>) src(%dma_wait3A_235 : memref<48x128xf32, #tpu.memory_space<hbm>>) dst(%arg14 : memref<48x128xf32, #tpu.memory_space<vmem>>)
      } else {
      }
      %eq3A_173 = arith.constant 1 : i32
      %eq3A_174 = arith.cmpi eq, %rem3A_167, %eq3A_173 : i32
      %convert_element_type3A_175 = arith.extui %eq3A_174 : i1 to i32
      %cond3A_176 = arith.constant 0 : i32
      %cond3A_177 = arith.cmpi ne, %convert_element_type3A_175, %cond3A_176 : i32
      scf.if %cond3A_177 {
        %add3A_231 = arith.constant 9072 : i32
        %add3A_232 = arith.addi %mul3A_2, %add3A_231 : i32
        %dma_wait3A = arith.constant 0 : i32
        %dma_wait3A_233 = tpu.memref_slice %arg2[%add3A_232, %dma_wait3A] : memref<250000x128xf32, #tpu.memory_space<hbm>> -> memref<48x128xf32, #tpu.memory_space<hbm>>
        %dma_wait3A_234 = arith.constant 0 : i32
        %dma_wait3A_235 = tpu.memref_slice %arg2[%add3A_232, %dma_wait3A_234] : memref<250000x128xf32, #tpu.memory_space<hbm>> -> memref<48x128xf32, #tpu.memory_space<hbm>>
        tpu.wait_dma2 semaphore(%arg22 : memref<!tpu.dma_semaphore, #tpu.memory_space<semaphore_mem>>) src(%dma_wait3A_235 : memref<48x128xf32, #tpu.memory_space<hbm>>) dst(%arg15 : memref<48x128xf32, #tpu.memory_space<vmem>>)
      } else {
      }
      %eq3A_178 = arith.constant 2 : i32
      %eq3A_179 = arith.cmpi eq, %rem3A_167, %eq3A_178 : i32
      %convert_element_type3A_180 = arith.extui %eq3A_179 : i1 to i32
      %cond3A_181 = arith.constant 0 : i32
      %cond3A_182 = arith.cmpi ne, %convert_element_type3A_180, %cond3A_181 : i32
      scf.if %cond3A_182 {
        %add3A_231 = arith.constant 9072 : i32
        %add3A_232 = arith.addi %mul3A_2, %add3A_231 : i32
        %dma_wait3A = arith.constant 0 : i32
        %dma_wait3A_233 = tpu.memref_slice %arg2[%add3A_232, %dma_wait3A] : memref<250000x128xf32, #tpu.memory_space<hbm>> -> memref<48x128xf32, #tpu.memory_space<hbm>>
        %dma_wait3A_234 = arith.constant 0 : i32
        %dma_wait3A_235 = tpu.memref_slice %arg2[%add3A_232, %dma_wait3A_234] : memref<250000x128xf32, #tpu.memory_space<hbm>> -> memref<48x128xf32, #tpu.memory_space<hbm>>
        tpu.wait_dma2 semaphore(%arg22 : memref<!tpu.dma_semaphore, #tpu.memory_space<semaphore_mem>>) src(%dma_wait3A_235 : memref<48x128xf32, #tpu.memory_space<hbm>>) dst(%arg16 : memref<48x128xf32, #tpu.memory_space<vmem>>)
      } else {
      }
      %eq3A_183 = arith.constant 3 : i32
      %eq3A_184 = arith.cmpi eq, %rem3A_167, %eq3A_183 : i32
      %convert_element_type3A_185 = arith.extui %eq3A_184 : i1 to i32
      %cond3A_186 = arith.constant 0 : i32
      %cond3A_187 = arith.cmpi ne, %convert_element_type3A_185, %cond3A_186 : i32
      scf.if %cond3A_187 {
        %add3A_231 = arith.constant 9072 : i32
        %add3A_232 = arith.addi %mul3A_2, %add3A_231 : i32
        %dma_wait3A = arith.constant 0 : i32
        %dma_wait3A_233 = tpu.memref_slice %arg2[%add3A_232, %dma_wait3A] : memref<250000x128xf32, #tpu.memory_space<hbm>> -> memref<48x128xf32, #tpu.memory_space<hbm>>
        %dma_wait3A_234 = arith.constant 0 : i32
        %dma_wait3A_235 = tpu.memref_slice %arg2[%add3A_232, %dma_wait3A_234] : memref<250000x128xf32, #tpu.memory_space<hbm>> -> memref<48x128xf32, #tpu.memory_space<hbm>>
        tpu.wait_dma2 semaphore(%arg22 : memref<!tpu.dma_semaphore, #tpu.memory_space<semaphore_mem>>) src(%dma_wait3A_235 : memref<48x128xf32, #tpu.memory_space<hbm>>) dst(%arg17 : memref<48x128xf32, #tpu.memory_space<vmem>>)
      } else {
      }
      %eq3A_188 = arith.constant 4 : i32
      %eq3A_189 = arith.cmpi eq, %rem3A_167, %eq3A_188 : i32
      %convert_element_type3A_190 = arith.extui %eq3A_189 : i1 to i32
      %cond3A_191 = arith.constant 0 : i32
      %cond3A_192 = arith.cmpi ne, %convert_element_type3A_190, %cond3A_191 : i32
      scf.if %cond3A_192 {
        %add3A_231 = arith.constant 9072 : i32
        %add3A_232 = arith.addi %mul3A_2, %add3A_231 : i32
        %dma_wait3A = arith.constant 0 : i32
        %dma_wait3A_233 = tpu.memref_slice %arg2[%add3A_232, %dma_wait3A] : memref<250000x128xf32, #tpu.memory_space<hbm>> -> memref<48x128xf32, #tpu.memory_space<hbm>>
        %dma_wait3A_234 = arith.constant 0 : i32
        %dma_wait3A_235 = tpu.memref_slice %arg2[%add3A_232, %dma_wait3A_234] : memref<250000x128xf32, #tpu.memory_space<hbm>> -> memref<48x128xf32, #tpu.memory_space<hbm>>
        tpu.wait_dma2 semaphore(%arg22 : memref<!tpu.dma_semaphore, #tpu.memory_space<semaphore_mem>>) src(%dma_wait3A_235 : memref<48x128xf32, #tpu.memory_space<hbm>>) dst(%arg18 : memref<48x128xf32, #tpu.memory_space<vmem>>)
      } else {
      }
      %eq3A_193 = arith.constant 5 : i32
      %eq3A_194 = arith.cmpi eq, %rem3A_167, %eq3A_193 : i32
      %convert_element_type3A_195 = arith.extui %eq3A_194 : i1 to i32
      %cond3A_196 = arith.constant 0 : i32
      %cond3A_197 = arith.cmpi ne, %convert_element_type3A_195, %cond3A_196 : i32
      scf.if %cond3A_197 {
        %add3A_231 = arith.constant 9072 : i32
        %add3A_232 = arith.addi %mul3A_2, %add3A_231 : i32
        %dma_wait3A = arith.constant 0 : i32
        %dma_wait3A_233 = tpu.memref_slice %arg2[%add3A_232, %dma_wait3A] : memref<250000x128xf32, #tpu.memory_space<hbm>> -> memref<48x128xf32, #tpu.memory_space<hbm>>
        %dma_wait3A_234 = arith.constant 0 : i32
        %dma_wait3A_235 = tpu.memref_slice %arg2[%add3A_232, %dma_wait3A_234] : memref<250000x128xf32, #tpu.memory_space<hbm>> -> memref<48x128xf32, #tpu.memory_space<hbm>>
        tpu.wait_dma2 semaphore(%arg22 : memref<!tpu.dma_semaphore, #tpu.memory_space<semaphore_mem>>) src(%dma_wait3A_235 : memref<48x128xf32, #tpu.memory_space<hbm>>) dst(%arg19 : memref<48x128xf32, #tpu.memory_space<vmem>>)
      } else {
      }
      %rem3A_198 = arith.constant 189 : i32
      %rem3A_199 = arith.constant 6 : i32
      %rem3A_200 = arith.remsi %rem3A_198, %rem3A_199 : i32
      %eq3A_201 = arith.constant 0 : i32
      %eq3A_202 = arith.cmpi eq, %rem3A_200, %eq3A_201 : i32
      %convert_element_type3A_203 = arith.extui %eq3A_202 : i1 to i32
      %cond3A_204 = arith.constant 0 : i32
      %cond3A_205 = arith.cmpi ne, %convert_element_type3A_203, %cond3A_204 : i32
      scf.if %cond3A_205 {
        %add3A_231 = arith.constant 9072 : i32
        %add3A_232 = arith.addi %mul3A_2, %add3A_231 : i32
        %dma_start3A_233 = arith.constant 0 : i32
        %dma_start3A_234 = tpu.memref_slice %arg6[%add3A_232, %dma_start3A_233] : memref<250000x128xf32, #tpu.memory_space<hbm>> -> memref<48x128xf32, #tpu.memory_space<hbm>>
        %dma_start3A_235 = arith.constant 0 : i32
        %dma_start3A_236 = tpu.memref_slice %arg6[%add3A_232, %dma_start3A_235] : memref<250000x128xf32, #tpu.memory_space<hbm>> -> memref<48x128xf32, #tpu.memory_space<hbm>>
        tpu.enqueue_dma source(%arg14 : memref<48x128xf32, #tpu.memory_space<vmem>>) target(%dma_start3A_236 : memref<48x128xf32, #tpu.memory_space<hbm>>) target_semaphore(%arg23 : memref<!tpu.dma_semaphore, #tpu.memory_space<semaphore_mem>>)
      } else {
      }
      %eq3A_206 = arith.constant 1 : i32
      %eq3A_207 = arith.cmpi eq, %rem3A_200, %eq3A_206 : i32
      %convert_element_type3A_208 = arith.extui %eq3A_207 : i1 to i32
      %cond3A_209 = arith.constant 0 : i32
      %cond3A_210 = arith.cmpi ne, %convert_element_type3A_208, %cond3A_209 : i32
      scf.if %cond3A_210 {
        %add3A_231 = arith.constant 9072 : i32
        %add3A_232 = arith.addi %mul3A_2, %add3A_231 : i32
        %dma_start3A_233 = arith.constant 0 : i32
        %dma_start3A_234 = tpu.memref_slice %arg6[%add3A_232, %dma_start3A_233] : memref<250000x128xf32, #tpu.memory_space<hbm>> -> memref<48x128xf32, #tpu.memory_space<hbm>>
        %dma_start3A_235 = arith.constant 0 : i32
        %dma_start3A_236 = tpu.memref_slice %arg6[%add3A_232, %dma_start3A_235] : memref<250000x128xf32, #tpu.memory_space<hbm>> -> memref<48x128xf32, #tpu.memory_space<hbm>>
        tpu.enqueue_dma source(%arg15 : memref<48x128xf32, #tpu.memory_space<vmem>>) target(%dma_start3A_236 : memref<48x128xf32, #tpu.memory_space<hbm>>) target_semaphore(%arg23 : memref<!tpu.dma_semaphore, #tpu.memory_space<semaphore_mem>>)
      } else {
      }
      %eq3A_211 = arith.constant 2 : i32
      %eq3A_212 = arith.cmpi eq, %rem3A_200, %eq3A_211 : i32
      %convert_element_type3A_213 = arith.extui %eq3A_212 : i1 to i32
      %cond3A_214 = arith.constant 0 : i32
      %cond3A_215 = arith.cmpi ne, %convert_element_type3A_213, %cond3A_214 : i32
      scf.if %cond3A_215 {
        %add3A_231 = arith.constant 9072 : i32
        %add3A_232 = arith.addi %mul3A_2, %add3A_231 : i32
        %dma_start3A_233 = arith.constant 0 : i32
        %dma_start3A_234 = tpu.memref_slice %arg6[%add3A_232, %dma_start3A_233] : memref<250000x128xf32, #tpu.memory_space<hbm>> -> memref<48x128xf32, #tpu.memory_space<hbm>>
        %dma_start3A_235 = arith.constant 0 : i32
        %dma_start3A_236 = tpu.memref_slice %arg6[%add3A_232, %dma_start3A_235] : memref<250000x128xf32, #tpu.memory_space<hbm>> -> memref<48x128xf32, #tpu.memory_space<hbm>>
        tpu.enqueue_dma source(%arg16 : memref<48x128xf32, #tpu.memory_space<vmem>>) target(%dma_start3A_236 : memref<48x128xf32, #tpu.memory_space<hbm>>) target_semaphore(%arg23 : memref<!tpu.dma_semaphore, #tpu.memory_space<semaphore_mem>>)
      } else {
      }
      %eq3A_216 = arith.constant 3 : i32
      %eq3A_217 = arith.cmpi eq, %rem3A_200, %eq3A_216 : i32
      %convert_element_type3A_218 = arith.extui %eq3A_217 : i1 to i32
      %cond3A_219 = arith.constant 0 : i32
      %cond3A_220 = arith.cmpi ne, %convert_element_type3A_218, %cond3A_219 : i32
      scf.if %cond3A_220 {
        %add3A_231 = arith.constant 9072 : i32
        %add3A_232 = arith.addi %mul3A_2, %add3A_231 : i32
        %dma_start3A_233 = arith.constant 0 : i32
        %dma_start3A_234 = tpu.memref_slice %arg6[%add3A_232, %dma_start3A_233] : memref<250000x128xf32, #tpu.memory_space<hbm>> -> memref<48x128xf32, #tpu.memory_space<hbm>>
        %dma_start3A_235 = arith.constant 0 : i32
        %dma_start3A_236 = tpu.memref_slice %arg6[%add3A_232, %dma_start3A_235] : memref<250000x128xf32, #tpu.memory_space<hbm>> -> memref<48x128xf32, #tpu.memory_space<hbm>>
        tpu.enqueue_dma source(%arg17 : memref<48x128xf32, #tpu.memory_space<vmem>>) target(%dma_start3A_236 : memref<48x128xf32, #tpu.memory_space<hbm>>) target_semaphore(%arg23 : memref<!tpu.dma_semaphore, #tpu.memory_space<semaphore_mem>>)
      } else {
      }
      %eq3A_221 = arith.constant 4 : i32
      %eq3A_222 = arith.cmpi eq, %rem3A_200, %eq3A_221 : i32
      %convert_element_type3A_223 = arith.extui %eq3A_222 : i1 to i32
      %cond3A_224 = arith.constant 0 : i32
      %cond3A_225 = arith.cmpi ne, %convert_element_type3A_223, %cond3A_224 : i32
      scf.if %cond3A_225 {
        %add3A_231 = arith.constant 9072 : i32
        %add3A_232 = arith.addi %mul3A_2, %add3A_231 : i32
        %dma_start3A_233 = arith.constant 0 : i32
        %dma_start3A_234 = tpu.memref_slice %arg6[%add3A_232, %dma_start3A_233] : memref<250000x128xf32, #tpu.memory_space<hbm>> -> memref<48x128xf32, #tpu.memory_space<hbm>>
        %dma_start3A_235 = arith.constant 0 : i32
        %dma_start3A_236 = tpu.memref_slice %arg6[%add3A_232, %dma_start3A_235] : memref<250000x128xf32, #tpu.memory_space<hbm>> -> memref<48x128xf32, #tpu.memory_space<hbm>>
        tpu.enqueue_dma source(%arg18 : memref<48x128xf32, #tpu.memory_space<vmem>>) target(%dma_start3A_236 : memref<48x128xf32, #tpu.memory_space<hbm>>) target_semaphore(%arg23 : memref<!tpu.dma_semaphore, #tpu.memory_space<semaphore_mem>>)
      } else {
      }
      %eq3A_226 = arith.constant 5 : i32
      %eq3A_227 = arith.cmpi eq, %rem3A_200, %eq3A_226 : i32
      %convert_element_type3A_228 = arith.extui %eq3A_227 : i1 to i32
      %cond3A_229 = arith.constant 0 : i32
      %cond3A_230 = arith.cmpi ne, %convert_element_type3A_228, %cond3A_229 : i32
      scf.if %cond3A_230 {
        %add3A_231 = arith.constant 9072 : i32
        %add3A_232 = arith.addi %mul3A_2, %add3A_231 : i32
        %dma_start3A_233 = arith.constant 0 : i32
        %dma_start3A_234 = tpu.memref_slice %arg6[%add3A_232, %dma_start3A_233] : memref<250000x128xf32, #tpu.memory_space<hbm>> -> memref<48x128xf32, #tpu.memory_space<hbm>>
        %dma_start3A_235 = arith.constant 0 : i32
        %dma_start3A_236 = tpu.memref_slice %arg6[%add3A_232, %dma_start3A_235] : memref<250000x128xf32, #tpu.memory_space<hbm>> -> memref<48x128xf32, #tpu.memory_space<hbm>>
        tpu.enqueue_dma source(%arg19 : memref<48x128xf32, #tpu.memory_space<vmem>>) target(%dma_start3A_236 : memref<48x128xf32, #tpu.memory_space<hbm>>) target_semaphore(%arg23 : memref<!tpu.dma_semaphore, #tpu.memory_space<semaphore_mem>>)
      } else {
      }
    } else {
    }
    %scan3A_92 = arith.constant 0 : i32
    %scan3A_93 = arith.constant 0 : i32
    %scan3A_94 = arith.constant 3 : i32
    %scan3A_95 = arith.addi %scan3A_93, %scan3A_94 : i32
    %scan3A_96 = arith.constant 1 : i32
    %scan3A_97 = scf.for %scan3A_128 = %scan3A_93 to %scan3A_95 step %scan3A_96 iter_args(%scan3A_129 = %scan3A_92) -> (i32)  : i32 {
      %sub3A_130 = arith.constant 3 : i32
      %sub3A_131 = arith.subi %select_n3A, %sub3A_130 : i32
      %add3A_132 = arith.addi %sub3A_131, %scan3A_128 : i32
      %ge3A = arith.constant 0 : i32
      %ge3A_133 = arith.cmpi sge, %add3A_132, %ge3A : i32
      %convert_element_type3A_134 = arith.extui %ge3A_133 : i1 to i32
      %cond3A_135 = arith.constant 0 : i32
      %cond3A_136 = arith.cmpi ne, %convert_element_type3A_134, %cond3A_135 : i32
      scf.if %cond3A_136 {
        %rem3A = arith.constant 6 : i32
        %rem3A_138 = arith.remsi %add3A_132, %rem3A : i32
        %eq3A_139 = arith.constant 0 : i32
        %eq3A_140 = arith.cmpi eq, %rem3A_138, %eq3A_139 : i32
        %convert_element_type3A_141 = arith.extui %eq3A_140 : i1 to i32
        %cond3A_142 = arith.constant 0 : i32
        %cond3A_143 = arith.cmpi ne, %convert_element_type3A_141, %cond3A_142 : i32
        scf.if %cond3A_143 {
          %mul3A_169 = arith.constant 48 : i32
          %mul3A_170 = arith.muli %add3A_132, %mul3A_169 : i32
          %add3A_171 = arith.addi %mul3A_2, %mul3A_170 : i32
          %dma_wait3A = arith.constant 0 : i32
          %dma_wait3A_172 = tpu.memref_slice %arg6[%add3A_171, %dma_wait3A] : memref<250000x128xf32, #tpu.memory_space<hbm>> -> memref<48x128xf32, #tpu.memory_space<hbm>>
          %dma_wait3A_173 = arith.constant 0 : i32
          %dma_wait3A_174 = tpu.memref_slice %arg6[%add3A_171, %dma_wait3A_173] : memref<250000x128xf32, #tpu.memory_space<hbm>> -> memref<48x128xf32, #tpu.memory_space<hbm>>
          tpu.wait_dma2 semaphore(%arg23 : memref<!tpu.dma_semaphore, #tpu.memory_space<semaphore_mem>>) src(%arg14 : memref<48x128xf32, #tpu.memory_space<vmem>>) dst(%dma_wait3A_174 : memref<48x128xf32, #tpu.memory_space<hbm>>)
        } else {
        }
        %eq3A_144 = arith.constant 1 : i32
        %eq3A_145 = arith.cmpi eq, %rem3A_138, %eq3A_144 : i32
        %convert_element_type3A_146 = arith.extui %eq3A_145 : i1 to i32
        %cond3A_147 = arith.constant 0 : i32
        %cond3A_148 = arith.cmpi ne, %convert_element_type3A_146, %cond3A_147 : i32
        scf.if %cond3A_148 {
          %mul3A_169 = arith.constant 48 : i32
          %mul3A_170 = arith.muli %add3A_132, %mul3A_169 : i32
          %add3A_171 = arith.addi %mul3A_2, %mul3A_170 : i32
          %dma_wait3A = arith.constant 0 : i32
          %dma_wait3A_172 = tpu.memref_slice %arg6[%add3A_171, %dma_wait3A] : memref<250000x128xf32, #tpu.memory_space<hbm>> -> memref<48x128xf32, #tpu.memory_space<hbm>>
          %dma_wait3A_173 = arith.constant 0 : i32
          %dma_wait3A_174 = tpu.memref_slice %arg6[%add3A_171, %dma_wait3A_173] : memref<250000x128xf32, #tpu.memory_space<hbm>> -> memref<48x128xf32, #tpu.memory_space<hbm>>
          tpu.wait_dma2 semaphore(%arg23 : memref<!tpu.dma_semaphore, #tpu.memory_space<semaphore_mem>>) src(%arg15 : memref<48x128xf32, #tpu.memory_space<vmem>>) dst(%dma_wait3A_174 : memref<48x128xf32, #tpu.memory_space<hbm>>)
        } else {
        }
        %eq3A_149 = arith.constant 2 : i32
        %eq3A_150 = arith.cmpi eq, %rem3A_138, %eq3A_149 : i32
        %convert_element_type3A_151 = arith.extui %eq3A_150 : i1 to i32
        %cond3A_152 = arith.constant 0 : i32
        %cond3A_153 = arith.cmpi ne, %convert_element_type3A_151, %cond3A_152 : i32
        scf.if %cond3A_153 {
          %mul3A_169 = arith.constant 48 : i32
          %mul3A_170 = arith.muli %add3A_132, %mul3A_169 : i32
          %add3A_171 = arith.addi %mul3A_2, %mul3A_170 : i32
          %dma_wait3A = arith.constant 0 : i32
          %dma_wait3A_172 = tpu.memref_slice %arg6[%add3A_171, %dma_wait3A] : memref<250000x128xf32, #tpu.memory_space<hbm>> -> memref<48x128xf32, #tpu.memory_space<hbm>>
          %dma_wait3A_173 = arith.constant 0 : i32
          %dma_wait3A_174 = tpu.memref_slice %arg6[%add3A_171, %dma_wait3A_173] : memref<250000x128xf32, #tpu.memory_space<hbm>> -> memref<48x128xf32, #tpu.memory_space<hbm>>
          tpu.wait_dma2 semaphore(%arg23 : memref<!tpu.dma_semaphore, #tpu.memory_space<semaphore_mem>>) src(%arg16 : memref<48x128xf32, #tpu.memory_space<vmem>>) dst(%dma_wait3A_174 : memref<48x128xf32, #tpu.memory_space<hbm>>)
        } else {
        }
        %eq3A_154 = arith.constant 3 : i32
        %eq3A_155 = arith.cmpi eq, %rem3A_138, %eq3A_154 : i32
        %convert_element_type3A_156 = arith.extui %eq3A_155 : i1 to i32
        %cond3A_157 = arith.constant 0 : i32
        %cond3A_158 = arith.cmpi ne, %convert_element_type3A_156, %cond3A_157 : i32
        scf.if %cond3A_158 {
          %mul3A_169 = arith.constant 48 : i32
          %mul3A_170 = arith.muli %add3A_132, %mul3A_169 : i32
          %add3A_171 = arith.addi %mul3A_2, %mul3A_170 : i32
          %dma_wait3A = arith.constant 0 : i32
          %dma_wait3A_172 = tpu.memref_slice %arg6[%add3A_171, %dma_wait3A] : memref<250000x128xf32, #tpu.memory_space<hbm>> -> memref<48x128xf32, #tpu.memory_space<hbm>>
          %dma_wait3A_173 = arith.constant 0 : i32
          %dma_wait3A_174 = tpu.memref_slice %arg6[%add3A_171, %dma_wait3A_173] : memref<250000x128xf32, #tpu.memory_space<hbm>> -> memref<48x128xf32, #tpu.memory_space<hbm>>
          tpu.wait_dma2 semaphore(%arg23 : memref<!tpu.dma_semaphore, #tpu.memory_space<semaphore_mem>>) src(%arg17 : memref<48x128xf32, #tpu.memory_space<vmem>>) dst(%dma_wait3A_174 : memref<48x128xf32, #tpu.memory_space<hbm>>)
        } else {
        }
        %eq3A_159 = arith.constant 4 : i32
        %eq3A_160 = arith.cmpi eq, %rem3A_138, %eq3A_159 : i32
        %convert_element_type3A_161 = arith.extui %eq3A_160 : i1 to i32
        %cond3A_162 = arith.constant 0 : i32
        %cond3A_163 = arith.cmpi ne, %convert_element_type3A_161, %cond3A_162 : i32
        scf.if %cond3A_163 {
          %mul3A_169 = arith.constant 48 : i32
          %mul3A_170 = arith.muli %add3A_132, %mul3A_169 : i32
          %add3A_171 = arith.addi %mul3A_2, %mul3A_170 : i32
          %dma_wait3A = arith.constant 0 : i32
          %dma_wait3A_172 = tpu.memref_slice %arg6[%add3A_171, %dma_wait3A] : memref<250000x128xf32, #tpu.memory_space<hbm>> -> memref<48x128xf32, #tpu.memory_space<hbm>>
          %dma_wait3A_173 = arith.constant 0 : i32
          %dma_wait3A_174 = tpu.memref_slice %arg6[%add3A_171, %dma_wait3A_173] : memref<250000x128xf32, #tpu.memory_space<hbm>> -> memref<48x128xf32, #tpu.memory_space<hbm>>
          tpu.wait_dma2 semaphore(%arg23 : memref<!tpu.dma_semaphore, #tpu.memory_space<semaphore_mem>>) src(%arg18 : memref<48x128xf32, #tpu.memory_space<vmem>>) dst(%dma_wait3A_174 : memref<48x128xf32, #tpu.memory_space<hbm>>)
        } else {
        }
        %eq3A_164 = arith.constant 5 : i32
        %eq3A_165 = arith.cmpi eq, %rem3A_138, %eq3A_164 : i32
        %convert_element_type3A_166 = arith.extui %eq3A_165 : i1 to i32
        %cond3A_167 = arith.constant 0 : i32
        %cond3A_168 = arith.cmpi ne, %convert_element_type3A_166, %cond3A_167 : i32
        scf.if %cond3A_168 {
          %mul3A_169 = arith.constant 48 : i32
          %mul3A_170 = arith.muli %add3A_132, %mul3A_169 : i32
          %add3A_171 = arith.addi %mul3A_2, %mul3A_170 : i32
          %dma_wait3A = arith.constant 0 : i32
          %dma_wait3A_172 = tpu.memref_slice %arg6[%add3A_171, %dma_wait3A] : memref<250000x128xf32, #tpu.memory_space<hbm>> -> memref<48x128xf32, #tpu.memory_space<hbm>>
          %dma_wait3A_173 = arith.constant 0 : i32
          %dma_wait3A_174 = tpu.memref_slice %arg6[%add3A_171, %dma_wait3A_173] : memref<250000x128xf32, #tpu.memory_space<hbm>> -> memref<48x128xf32, #tpu.memory_space<hbm>>
          tpu.wait_dma2 semaphore(%arg23 : memref<!tpu.dma_semaphore, #tpu.memory_space<semaphore_mem>>) src(%arg19 : memref<48x128xf32, #tpu.memory_space<vmem>>) dst(%dma_wait3A_174 : memref<48x128xf32, #tpu.memory_space<hbm>>)
        } else {
        }
      } else {
      }
      %scan3A_137 = arith.constant 0 : i32
      scf.yield %scan3A_137 : i32
    }
    %scan3A_98 = arith.constant 3 : i32
    %convert_element_type3A_99 = arith.extui %eq3A_6 : i1 to i32
    %cond3A_100 = arith.constant 0 : i32
    %cond3A_101 = arith.cmpi ne, %convert_element_type3A_99, %cond3A_100 : i32
    scf.if %cond3A_101 {
      %add3A_128 = arith.constant 7440 : i32
      %add3A_129 = arith.addi %mul3A_2, %add3A_128 : i32
      "tpu.region"() ({
        %run_scoped3A = tpu.sem_alloc : memref<!tpu.dma_semaphore, #tpu.memory_space<semaphore_mem>>
        %dma_start3A_132 = arith.constant 0 : i32
        %dma_start3A_133 = arith.constant 0 : i32
        %dma_start3A_134 = tpu.memref_slice %arg14[%dma_start3A_132, %dma_start3A_133] : memref<48x128xf32, #tpu.memory_space<vmem>> -> memref<16x128xf32, #tpu.memory_space<vmem>>
        %dma_start3A_135 = arith.constant 0 : i32
        %dma_start3A_136 = tpu.memref_slice %arg2[%add3A_129, %dma_start3A_135] : memref<250000x128xf32, #tpu.memory_space<hbm>> -> memref<16x128xf32, #tpu.memory_space<hbm>>
        %dma_start3A_137 = arith.constant 0 : i32
        %dma_start3A_138 = arith.constant 0 : i32
        %dma_start3A_139 = tpu.memref_slice %arg14[%dma_start3A_137, %dma_start3A_138] : memref<48x128xf32, #tpu.memory_space<vmem>> -> memref<16x128xf32, #tpu.memory_space<vmem>>
        %dma_start3A_140 = arith.constant 0 : i32
        %dma_start3A_141 = tpu.memref_slice %arg2[%add3A_129, %dma_start3A_140] : memref<250000x128xf32, #tpu.memory_space<hbm>> -> memref<16x128xf32, #tpu.memory_space<hbm>>
        tpu.enqueue_dma source(%dma_start3A_141 : memref<16x128xf32, #tpu.memory_space<hbm>>) target(%dma_start3A_139 : memref<16x128xf32, #tpu.memory_space<vmem>>) target_semaphore(%run_scoped3A : memref<!tpu.dma_semaphore, #tpu.memory_space<semaphore_mem>>)
        %dma_wait3A = arith.constant 0 : i32
        %dma_wait3A_142 = arith.constant 0 : i32
        %dma_wait3A_143 = tpu.memref_slice %arg14[%dma_wait3A, %dma_wait3A_142] : memref<48x128xf32, #tpu.memory_space<vmem>> -> memref<16x128xf32, #tpu.memory_space<vmem>>
        %dma_wait3A_144 = arith.constant 0 : i32
        %dma_wait3A_145 = tpu.memref_slice %arg2[%add3A_129, %dma_wait3A_144] : memref<250000x128xf32, #tpu.memory_space<hbm>> -> memref<16x128xf32, #tpu.memory_space<hbm>>
        %dma_wait3A_146 = arith.constant 0 : i32
        %dma_wait3A_147 = arith.constant 0 : i32
        %dma_wait3A_148 = tpu.memref_slice %arg14[%dma_wait3A_146, %dma_wait3A_147] : memref<48x128xf32, #tpu.memory_space<vmem>> -> memref<16x128xf32, #tpu.memory_space<vmem>>
        %dma_wait3A_149 = arith.constant 0 : i32
        %dma_wait3A_150 = tpu.memref_slice %arg2[%add3A_129, %dma_wait3A_149] : memref<250000x128xf32, #tpu.memory_space<hbm>> -> memref<16x128xf32, #tpu.memory_space<hbm>>
        tpu.wait_dma2 semaphore(%run_scoped3A : memref<!tpu.dma_semaphore, #tpu.memory_space<semaphore_mem>>) src(%dma_wait3A_150 : memref<16x128xf32, #tpu.memory_space<hbm>>) dst(%dma_wait3A_148 : memref<16x128xf32, #tpu.memory_space<vmem>>)
        tpu.yield
      }) : () -> ()
      %add3A_130 = arith.constant 7440 : i32
      %add3A_131 = arith.addi %mul3A_2, %add3A_130 : i32
      "tpu.region"() ({
        %run_scoped3A = tpu.sem_alloc : memref<!tpu.dma_semaphore, #tpu.memory_space<semaphore_mem>>
        %dma_start3A_132 = arith.constant 0 : i32
        %dma_start3A_133 = arith.constant 0 : i32
        %dma_start3A_134 = tpu.memref_slice %arg14[%dma_start3A_132, %dma_start3A_133] : memref<48x128xf32, #tpu.memory_space<vmem>> -> memref<16x128xf32, #tpu.memory_space<vmem>>
        %dma_start3A_135 = arith.constant 0 : i32
        %dma_start3A_136 = tpu.memref_slice %arg6[%add3A_131, %dma_start3A_135] : memref<250000x128xf32, #tpu.memory_space<hbm>> -> memref<16x128xf32, #tpu.memory_space<hbm>>
        %dma_start3A_137 = arith.constant 0 : i32
        %dma_start3A_138 = tpu.memref_slice %arg6[%add3A_131, %dma_start3A_137] : memref<250000x128xf32, #tpu.memory_space<hbm>> -> memref<16x128xf32, #tpu.memory_space<hbm>>
        %dma_start3A_139 = arith.constant 0 : i32
        %dma_start3A_140 = arith.constant 0 : i32
        %dma_start3A_141 = tpu.memref_slice %arg14[%dma_start3A_139, %dma_start3A_140] : memref<48x128xf32, #tpu.memory_space<vmem>> -> memref<16x128xf32, #tpu.memory_space<vmem>>
        tpu.enqueue_dma source(%dma_start3A_141 : memref<16x128xf32, #tpu.memory_space<vmem>>) target(%dma_start3A_138 : memref<16x128xf32, #tpu.memory_space<hbm>>) target_semaphore(%run_scoped3A : memref<!tpu.dma_semaphore, #tpu.memory_space<semaphore_mem>>)
        %dma_wait3A = arith.constant 0 : i32
        %dma_wait3A_142 = arith.constant 0 : i32
        %dma_wait3A_143 = tpu.memref_slice %arg14[%dma_wait3A, %dma_wait3A_142] : memref<48x128xf32, #tpu.memory_space<vmem>> -> memref<16x128xf32, #tpu.memory_space<vmem>>
        %dma_wait3A_144 = arith.constant 0 : i32
        %dma_wait3A_145 = tpu.memref_slice %arg6[%add3A_131, %dma_wait3A_144] : memref<250000x128xf32, #tpu.memory_space<hbm>> -> memref<16x128xf32, #tpu.memory_space<hbm>>
        %dma_wait3A_146 = arith.constant 0 : i32
        %dma_wait3A_147 = tpu.memref_slice %arg6[%add3A_131, %dma_wait3A_146] : memref<250000x128xf32, #tpu.memory_space<hbm>> -> memref<16x128xf32, #tpu.memory_space<hbm>>
        %dma_wait3A_148 = arith.constant 0 : i32
        %dma_wait3A_149 = arith.constant 0 : i32
        %dma_wait3A_150 = tpu.memref_slice %arg14[%dma_wait3A_148, %dma_wait3A_149] : memref<48x128xf32, #tpu.memory_space<vmem>> -> memref<16x128xf32, #tpu.memory_space<vmem>>
        tpu.wait_dma2 semaphore(%run_scoped3A : memref<!tpu.dma_semaphore, #tpu.memory_space<semaphore_mem>>) src(%dma_wait3A_150 : memref<16x128xf32, #tpu.memory_space<vmem>>) dst(%dma_wait3A_147 : memref<16x128xf32, #tpu.memory_space<hbm>>)
        tpu.yield
      }) : () -> ()
    } else {
    }
    %not3A_102 = arith.constant true
    %not3A_103 = arith.xori %eq3A_6, %not3A_102 : i1
    %convert_element_type3A_104 = arith.extui %not3A_103 : i1 to i32
    %cond3A_105 = arith.constant 0 : i32
    %cond3A_106 = arith.cmpi ne, %convert_element_type3A_104, %cond3A_105 : i32
    scf.if %cond3A_106 {
      %dma_wait3A = tpu.memref_slice %arg3[%mul3A_2] : memref<250000xi32, #tpu.memory_space<hbm>> -> memref<7824xi32, #tpu.memory_space<hbm>>
      %dma_wait3A_128 = tpu.memref_slice %arg3[%mul3A_2] : memref<250000xi32, #tpu.memory_space<hbm>> -> memref<7824xi32, #tpu.memory_space<hbm>>
      tpu.wait_dma2 semaphore(%arg21 : memref<!tpu.dma_semaphore, #tpu.memory_space<semaphore_mem>>) src(%dma_wait3A_128 : memref<7824xi32, #tpu.memory_space<hbm>>) dst(%arg20 : memref<7824xi32, #tpu.memory_space<vmem>>)
    } else {
    }
    %convert_element_type3A_107 = arith.extui %eq3A_6 : i1 to i32
    %cond3A_108 = arith.constant 0 : i32
    %cond3A_109 = arith.cmpi ne, %convert_element_type3A_107, %cond3A_108 : i32
    scf.if %cond3A_109 {
      %dma_wait3A = arith.constant 0 : i32
      %dma_wait3A_128 = tpu.memref_slice %arg20[%dma_wait3A] : memref<7824xi32, #tpu.memory_space<vmem>> -> memref<7456xi32, #tpu.memory_space<vmem>>
      %dma_wait3A_129 = tpu.memref_slice %arg3[%mul3A_2] : memref<250000xi32, #tpu.memory_space<hbm>> -> memref<7456xi32, #tpu.memory_space<hbm>>
      %dma_wait3A_130 = arith.constant 0 : i32
      %dma_wait3A_131 = tpu.memref_slice %arg20[%dma_wait3A_130] : memref<7824xi32, #tpu.memory_space<vmem>> -> memref<7456xi32, #tpu.memory_space<vmem>>
      %dma_wait3A_132 = tpu.memref_slice %arg3[%mul3A_2] : memref<250000xi32, #tpu.memory_space<hbm>> -> memref<7456xi32, #tpu.memory_space<hbm>>
      tpu.wait_dma2 semaphore(%arg21 : memref<!tpu.dma_semaphore, #tpu.memory_space<semaphore_mem>>) src(%dma_wait3A_132 : memref<7456xi32, #tpu.memory_space<hbm>>) dst(%dma_wait3A_131 : memref<7456xi32, #tpu.memory_space<vmem>>)
    } else {
    }
    %gt3A_110 = arith.constant 0 : i32
    %gt3A_111 = arith.cmpi sgt, %scan3A_66#0, %gt3A_110 : i32
    %convert_element_type3A_112 = arith.extui %gt3A_111 : i1 to i32
    %cond3A_113 = arith.constant 0 : i32
    %cond3A_114 = arith.cmpi ne, %convert_element_type3A_112, %cond3A_113 : i32
    scf.if %cond3A_114 {
      %and3A = arith.constant 16383 : i32
      %and3A_128 = arith.andi %reduce_max3A_74, %and3A : i32
      %broadcast_in_dim3A_129 = vector.broadcast %and3A_128 : i32 to vector<16xi32>
      %shift_right_logical3A = arith.constant 14 : i32
      %shift_right_logical3A_130 = arith.shrui %reduce_max3A_74, %shift_right_logical3A : i32
      %add3A_131 = arith.addi %mul3A_2, %shift_right_logical3A_130 : i32
      %broadcast_in_dim3A_132 = vector.broadcast %add3A_131 : i32 to vector<16xi32>
      %scan3A_133 = arith.constant 0 : i32
      %scan3A_134 = arith.constant 0 : i32
      %scan3A_135 = arith.constant 4 : i32
      %scan3A_136 = arith.addi %scan3A_134, %scan3A_135 : i32
      %scan3A_137 = arith.constant 4 : i32
      %scan3A_138 = scf.for %scan3A_268 = %scan3A_134 to %scan3A_136 step %scan3A_137 iter_args(%scan3A_269 = %scan3A_133) -> (i32)  : i32 {
        %mul3A_270 = arith.constant 16 : i32
        %mul3A_271 = arith.muli %scan3A_268, %mul3A_270 : i32
        %add3A_272 = arith.addi %scan3A_66#0, %mul3A_271 : i32
        %swap3A_273 = arith.index_cast %add3A_272 : i32 to index
        %swap3A_274 = tpu.vector_load %arg10[%swap3A_273] {strides = array<i32>} : memref<7920xi32, #tpu.memory_space<vmem>>, vector<16xi32>,
        tpu.vector_store %arg10[%swap3A_273], %broadcast_in_dim3A_129 {strides = array<i32>} : memref<7920xi32, #tpu.memory_space<vmem>>, vector<16xi32>,
        %mul3A_275 = arith.constant 16 : i32
        %mul3A_276 = arith.muli %scan3A_268, %mul3A_275 : i32
        %add3A_277 = arith.addi %scan3A_66#0, %mul3A_276 : i32
        %swap3A_278 = arith.index_cast %add3A_277 : i32 to index
        %swap3A_279 = tpu.vector_load %arg11[%swap3A_278] {strides = array<i32>} : memref<7920xi32, #tpu.memory_space<vmem>>, vector<16xi32>,
        tpu.vector_store %arg11[%swap3A_278], %broadcast_in_dim3A_132 {strides = array<i32>} : memref<7920xi32, #tpu.memory_space<vmem>>, vector<16xi32>,
        %scan3A_280 = arith.constant 0 : i32
        %scan3A_281 = arith.constant 1 : i32
        %scan3A_282 = arith.addi %scan3A_268, %scan3A_281 : i32
        %mul3A_283 = arith.constant 16 : i32
        %mul3A_284 = arith.muli %scan3A_282, %mul3A_283 : i32
        %add3A_285 = arith.addi %scan3A_66#0, %mul3A_284 : i32
        %swap3A_286 = arith.index_cast %add3A_285 : i32 to index
        %swap3A_287 = tpu.vector_load %arg10[%swap3A_286] {strides = array<i32>} : memref<7920xi32, #tpu.memory_space<vmem>>, vector<16xi32>,
        tpu.vector_store %arg10[%swap3A_286], %broadcast_in_dim3A_129 {strides = array<i32>} : memref<7920xi32, #tpu.memory_space<vmem>>, vector<16xi32>,
        %mul3A_288 = arith.constant 16 : i32
        %mul3A_289 = arith.muli %scan3A_282, %mul3A_288 : i32
        %add3A_290 = arith.addi %scan3A_66#0, %mul3A_289 : i32
        %swap3A_291 = arith.index_cast %add3A_290 : i32 to index
        %swap3A_292 = tpu.vector_load %arg11[%swap3A_291] {strides = array<i32>} : memref<7920xi32, #tpu.memory_space<vmem>>, vector<16xi32>,
        tpu.vector_store %arg11[%swap3A_291], %broadcast_in_dim3A_132 {strides = array<i32>} : memref<7920xi32, #tpu.memory_space<vmem>>, vector<16xi32>,
        %scan3A_293 = arith.constant 0 : i32
        %scan3A_294 = arith.constant 2 : i32
        %scan3A_295 = arith.addi %scan3A_268, %scan3A_294 : i32
        %mul3A_296 = arith.constant 16 : i32
        %mul3A_297 = arith.muli %scan3A_295, %mul3A_296 : i32
        %add3A_298 = arith.addi %scan3A_66#0, %mul3A_297 : i32
        %swap3A_299 = arith.index_cast %add3A_298 : i32 to index
        %swap3A_300 = tpu.vector_load %arg10[%swap3A_299] {strides = array<i32>} : memref<7920xi32, #tpu.memory_space<vmem>>, vector<16xi32>,
        tpu.vector_store %arg10[%swap3A_299], %broadcast_in_dim3A_129 {strides = array<i32>} : memref<7920xi32, #tpu.memory_space<vmem>>, vector<16xi32>,
        %mul3A_301 = arith.constant 16 : i32
        %mul3A_302 = arith.muli %scan3A_295, %mul3A_301 : i32
        %add3A_303 = arith.addi %scan3A_66#0, %mul3A_302 : i32
        %swap3A_304 = arith.index_cast %add3A_303 : i32 to index
        %swap3A_305 = tpu.vector_load %arg11[%swap3A_304] {strides = array<i32>} : memref<7920xi32, #tpu.memory_space<vmem>>, vector<16xi32>,
        tpu.vector_store %arg11[%swap3A_304], %broadcast_in_dim3A_132 {strides = array<i32>} : memref<7920xi32, #tpu.memory_space<vmem>>, vector<16xi32>,
        %scan3A_306 = arith.constant 0 : i32
        %scan3A_307 = arith.constant 3 : i32
        %scan3A_308 = arith.addi %scan3A_268, %scan3A_307 : i32
        %mul3A_309 = arith.constant 16 : i32
        %mul3A_310 = arith.muli %scan3A_308, %mul3A_309 : i32
        %add3A_311 = arith.addi %scan3A_66#0, %mul3A_310 : i32
        %swap3A_312 = arith.index_cast %add3A_311 : i32 to index
        %swap3A_313 = tpu.vector_load %arg10[%swap3A_312] {strides = array<i32>} : memref<7920xi32, #tpu.memory_space<vmem>>, vector<16xi32>,
        tpu.vector_store %arg10[%swap3A_312], %broadcast_in_dim3A_129 {strides = array<i32>} : memref<7920xi32, #tpu.memory_space<vmem>>, vector<16xi32>,
        %mul3A_314 = arith.constant 16 : i32
        %mul3A_315 = arith.muli %scan3A_308, %mul3A_314 : i32
        %add3A_316 = arith.addi %scan3A_66#0, %mul3A_315 : i32
        %swap3A_317 = arith.index_cast %add3A_316 : i32 to index
        %swap3A_318 = tpu.vector_load %arg11[%swap3A_317] {strides = array<i32>} : memref<7920xi32, #tpu.memory_space<vmem>>, vector<16xi32>,
        tpu.vector_store %arg11[%swap3A_317], %broadcast_in_dim3A_132 {strides = array<i32>} : memref<7920xi32, #tpu.memory_space<vmem>>, vector<16xi32>,
        %scan3A_319 = arith.constant 0 : i32
        scf.yield %scan3A_319 : i32
      }
      %scan3A_139 = arith.constant 4 : i32
      %scan3A_140 = arith.addi %scan3A_134, %scan3A_139 : i32
      %mul3A_141 = arith.constant 16 : i32
      %mul3A_142 = arith.muli %scan3A_140, %mul3A_141 : i32
      %add3A_143 = arith.addi %scan3A_66#0, %mul3A_142 : i32
      %swap3A_144 = arith.index_cast %add3A_143 : i32 to index
      %swap3A_145 = tpu.vector_load %arg10[%swap3A_144] {strides = array<i32>} : memref<7920xi32, #tpu.memory_space<vmem>>, vector<16xi32>,
      tpu.vector_store %arg10[%swap3A_144], %broadcast_in_dim3A_129 {strides = array<i32>} : memref<7920xi32, #tpu.memory_space<vmem>>, vector<16xi32>,
      %mul3A_146 = arith.constant 16 : i32
      %mul3A_147 = arith.muli %scan3A_140, %mul3A_146 : i32
      %add3A_148 = arith.addi %scan3A_66#0, %mul3A_147 : i32
      %swap3A_149 = arith.index_cast %add3A_148 : i32 to index
      %swap3A_150 = tpu.vector_load %arg11[%swap3A_149] {strides = array<i32>} : memref<7920xi32, #tpu.memory_space<vmem>>, vector<16xi32>,
      tpu.vector_store %arg11[%swap3A_149], %broadcast_in_dim3A_132 {strides = array<i32>} : memref<7920xi32, #tpu.memory_space<vmem>>, vector<16xi32>,
      %scan3A_151 = arith.constant 0 : i32
      %scan3A_152 = arith.constant 5 : i32
      %scan3A_153 = arith.addi %scan3A_134, %scan3A_152 : i32
      %mul3A_154 = arith.constant 16 : i32
      %mul3A_155 = arith.muli %scan3A_153, %mul3A_154 : i32
      %add3A_156 = arith.addi %scan3A_66#0, %mul3A_155 : i32
      %swap3A_157 = arith.index_cast %add3A_156 : i32 to index
      %swap3A_158 = tpu.vector_load %arg10[%swap3A_157] {strides = array<i32>} : memref<7920xi32, #tpu.memory_space<vmem>>, vector<16xi32>,
      tpu.vector_store %arg10[%swap3A_157], %broadcast_in_dim3A_129 {strides = array<i32>} : memref<7920xi32, #tpu.memory_space<vmem>>, vector<16xi32>,
      %mul3A_159 = arith.constant 16 : i32
      %mul3A_160 = arith.muli %scan3A_153, %mul3A_159 : i32
      %add3A_161 = arith.addi %scan3A_66#0, %mul3A_160 : i32
      %swap3A_162 = arith.index_cast %add3A_161 : i32 to index
      %swap3A_163 = tpu.vector_load %arg11[%swap3A_162] {strides = array<i32>} : memref<7920xi32, #tpu.memory_space<vmem>>, vector<16xi32>,
      tpu.vector_store %arg11[%swap3A_162], %broadcast_in_dim3A_132 {strides = array<i32>} : memref<7920xi32, #tpu.memory_space<vmem>>, vector<16xi32>,
      %scan3A_164 = arith.constant 0 : i32
      %scan3A_165 = arith.constant 6 : i32
      %add3A_166 = arith.constant 16 : i32
      %add3A_167 = arith.addi %scan3A_66#0, %add3A_166 : i32
      %sub3A_168 = arith.constant 1 : i32
      %sub3A_169 = arith.subi %add3A_167, %sub3A_168 : i32
      %jit3A_170 = arith.constant 16 : i32
      %div3A = arith.divsi %sub3A_169, %jit3A_170 : i32
      %sign3A = arith.constant 0 : i32
      %sign3A_171 = arith.cmpi sgt, %sub3A_169, %sign3A : i32
      %sign3A_172 = arith.extui %sign3A_171 : i1 to i32
      %sign3A_173 = arith.constant 0 : i32
      %sign3A_174 = arith.cmpi slt, %sub3A_169, %sign3A_173 : i32
      %sign3A_175 = arith.extui %sign3A_174 : i1 to i32
      %sign3A_176 = arith.subi %sign3A_172, %sign3A_175 : i32
      %sign3A_177 = arith.constant 0 : i32
      %sign3A_178 = arith.cmpi sgt, %jit3A_170, %sign3A_177 : i32
      %sign3A_179 = arith.extui %sign3A_178 : i1 to i32
      %sign3A_180 = arith.constant 0 : i32
      %sign3A_181 = arith.cmpi slt, %jit3A_170, %sign3A_180 : i32
      %sign3A_182 = arith.extui %sign3A_181 : i1 to i32
      %sign3A_183 = arith.subi %sign3A_179, %sign3A_182 : i32
      %ne3A = arith.cmpi ne, %sign3A_176, %sign3A_183 : i32
      %rem3A = arith.remsi %sub3A_169, %jit3A_170 : i32
      %ne3A_184 = arith.constant 0 : i32
      %ne3A_185 = arith.cmpi ne, %rem3A, %ne3A_184 : i32
      %and3A_186 = arith.andi %ne3A, %ne3A_185 : i1
      %sub3A_187 = arith.constant 1 : i32
      %sub3A_188 = arith.subi %div3A, %sub3A_187 : i32
      %select_n3A_189 = arith.select %and3A_186, %sub3A_188, %div3A : i32
      %while3A_190 = arith.constant 0 : i32
      %while3A_191 = arith.constant 0 : i32
      %while3A_192 = arith.subi %select_n3A_189, %while3A_190 : i32
      %while3A_193 = arith.addi %while3A_190, %while3A_192 : i32
      %while3A_194 = arith.constant 1 : i32
      %while3A_195 = arith.divsi %while3A_192, %while3A_194 : i32
      %while3A_196 = arith.muli %while3A_195, %while3A_194 : i32
      %while3A_197 = arith.addi %while3A_190, %while3A_196 : i32
      %while3A_198 = arith.constant 1 : i32
      %while3A_199 = scf.for %while3A_268 = %while3A_190 to %while3A_197 step %while3A_198 iter_args(%while3A_269 = %while3A_191) -> (i32)  : i32 {
        %mul3A_270 = arith.constant 16 : i32
        %mul3A_271 = arith.muli %while3A_268, %mul3A_270 : i32
        %get3A = arith.index_cast %mul3A_271 : i32 to index
        %get3A_272 = tpu.vector_load %arg11[%get3A] {strides = array<i32>} : memref<7920xi32, #tpu.memory_space<vmem>>, vector<16xi32>,
        %sub3A_273 = vector.broadcast %mul3A_2 : i32 to vector<16xi32>
        %sub3A_274 = arith.subi %get3A_272, %sub3A_273 : vector<16xi32>
        tpu.vector_store_idx %arg20[%sub3A_274], %get3A_272 : memref<7824xi32, #tpu.memory_space<vmem>>[vector<16xi32>], vector<16xi32>,
        %while3A_275 = arith.constant 0 : i32
        scf.yield %while3A_275 : i32
      }
      %while3A_200 = arith.constant 1 : i32
      %while3A_201 = scf.for %while3A_268 = %while3A_197 to %while3A_193 step %while3A_200 iter_args(%while3A_269 = %while3A_199) -> (i32)  : i32 {
        %mul3A_270 = arith.constant 16 : i32
        %mul3A_271 = arith.muli %while3A_268, %mul3A_270 : i32
        %get3A = arith.index_cast %mul3A_271 : i32 to index
        %get3A_272 = tpu.vector_load %arg11[%get3A] {strides = array<i32>} : memref<7920xi32, #tpu.memory_space<vmem>>, vector<16xi32>,
        %sub3A_273 = vector.broadcast %mul3A_2 : i32 to vector<16xi32>
        %sub3A_274 = arith.subi %get3A_272, %sub3A_273 : vector<16xi32>
        tpu.vector_store_idx %arg20[%sub3A_274], %get3A_272 : memref<7824xi32, #tpu.memory_space<vmem>>[vector<16xi32>], vector<16xi32>,
        %while3A_275 = arith.constant 0 : i32
        scf.yield %while3A_275 : i32
      }
      %not3A_202 = arith.constant true
      %not3A_203 = arith.xori %eq3A_6, %not3A_202 : i1
      %convert_element_type3A_204 = arith.extui %not3A_203 : i1 to i32
      %cond3A_205 = arith.constant 0 : i32
      %cond3A_206 = arith.cmpi ne, %convert_element_type3A_204, %cond3A_205 : i32
      scf.if %cond3A_206 {
        %dma_start3A_268 = tpu.memref_slice %arg7[%mul3A_2] : memref<250000xi32, #tpu.memory_space<hbm>> -> memref<7824xi32, #tpu.memory_space<hbm>>
        %dma_start3A_269 = tpu.memref_slice %arg7[%mul3A_2] : memref<250000xi32, #tpu.memory_space<hbm>> -> memref<7824xi32, #tpu.memory_space<hbm>>
        tpu.enqueue_dma source(%arg20 : memref<7824xi32, #tpu.memory_space<vmem>>) target(%dma_start3A_269 : memref<7824xi32, #tpu.memory_space<hbm>>) target_semaphore(%arg21 : memref<!tpu.dma_semaphore, #tpu.memory_space<semaphore_mem>>)
      } else {
      }
      %convert_element_type3A_207 = arith.extui %eq3A_6 : i1 to i32
      %cond3A_208 = arith.constant 0 : i32
      %cond3A_209 = arith.cmpi ne, %convert_element_type3A_207, %cond3A_208 : i32
      scf.if %cond3A_209 {
        %dma_start3A_268 = arith.constant 0 : i32
        %dma_start3A_269 = tpu.memref_slice %arg20[%dma_start3A_268] : memref<7824xi32, #tpu.memory_space<vmem>> -> memref<7456xi32, #tpu.memory_space<vmem>>
        %dma_start3A_270 = tpu.memref_slice %arg7[%mul3A_2] : memref<250000xi32, #tpu.memory_space<hbm>> -> memref<7456xi32, #tpu.memory_space<hbm>>
        %dma_start3A_271 = tpu.memref_slice %arg7[%mul3A_2] : memref<250000xi32, #tpu.memory_space<hbm>> -> memref<7456xi32, #tpu.memory_space<hbm>>
        %dma_start3A_272 = arith.constant 0 : i32
        %dma_start3A_273 = tpu.memref_slice %arg20[%dma_start3A_272] : memref<7824xi32, #tpu.memory_space<vmem>> -> memref<7456xi32, #tpu.memory_space<vmem>>
        tpu.enqueue_dma source(%dma_start3A_273 : memref<7456xi32, #tpu.memory_space<vmem>>) target(%dma_start3A_271 : memref<7456xi32, #tpu.memory_space<hbm>>) target_semaphore(%arg21 : memref<!tpu.dma_semaphore, #tpu.memory_space<semaphore_mem>>)
      } else {
      }
      %add3A_210 = arith.constant 96 : i32
      %add3A_211 = arith.addi %scan3A_66#0, %add3A_210 : i32
      %sub3A_212 = arith.constant 1 : i32
      %sub3A_213 = arith.subi %add3A_211, %sub3A_212 : i32
      %jit3A_214 = arith.constant 96 : i32
      %div3A_215 = arith.divsi %sub3A_213, %jit3A_214 : i32
      %sign3A_216 = arith.constant 0 : i32
      %sign3A_217 = arith.cmpi sgt, %sub3A_213, %sign3A_216 : i32
      %sign3A_218 = arith.extui %sign3A_217 : i1 to i32
      %sign3A_219 = arith.constant 0 : i32
      %sign3A_220 = arith.cmpi slt, %sub3A_213, %sign3A_219 : i32
      %sign3A_221 = arith.extui %sign3A_220 : i1 to i32
      %sign3A_222 = arith.subi %sign3A_218, %sign3A_221 : i32
      %sign3A_223 = arith.constant 0 : i32
      %sign3A_224 = arith.cmpi sgt, %jit3A_214, %sign3A_223 : i32
      %sign3A_225 = arith.extui %sign3A_224 : i1 to i32
      %sign3A_226 = arith.constant 0 : i32
      %sign3A_227 = arith.cmpi slt, %jit3A_214, %sign3A_226 : i32
      %sign3A_228 = arith.extui %sign3A_227 : i1 to i32
      %sign3A_229 = arith.subi %sign3A_225, %sign3A_228 : i32
      %ne3A_230 = arith.cmpi ne, %sign3A_222, %sign3A_229 : i32
      %rem3A_231 = arith.remsi %sub3A_213, %jit3A_214 : i32
      %ne3A_232 = arith.constant 0 : i32
      %ne3A_233 = arith.cmpi ne, %rem3A_231, %ne3A_232 : i32
      %and3A_234 = arith.andi %ne3A_230, %ne3A_233 : i1
      %sub3A_235 = arith.constant 1 : i32
      %sub3A_236 = arith.subi %div3A_215, %sub3A_235 : i32
      %select_n3A_237 = arith.select %and3A_234, %sub3A_236, %div3A_215 : i32
      %eq3A_238 = arith.constant 0 : i32
      %eq3A_239 = arith.cmpi eq, %scan3A_66#2, %eq3A_238 : i32
      %convert_element_type3A_240 = arith.extui %eq3A_239 : i1 to i32
      %cond3A_241 = arith.constant 0 : i32
      %cond3A_242 = arith.cmpi ne, %convert_element_type3A_240, %cond3A_241 : i32
      scf.if %cond3A_242 {
        %dma_start3A_268 = arith.constant 0 : i32
        %dma_start3A_269 = tpu.memref_slice %arg10[%dma_start3A_268] : memref<7920xi32, #tpu.memory_space<vmem>> -> memref<96xi32, #tpu.memory_space<vmem>>
        %dma_start3A_270 = arith.constant 0 : i32
        %dma_start3A_271 = arith.constant 0 : i32
        %dma_start3A_272 = tpu.memref_slice %arg4[%dma_start3A_270, %dma_start3A_271] : memref<16384x128xf32, #tpu.memory_space<hbm>> -> memref<16384x128xf32, #tpu.memory_space<hbm>>
        tpu.enqueue_indirect_dma source(%dma_start3A_272 : memref<16384x128xf32, #tpu.memory_space<hbm>>) target(%arg12 : memref<96x128xf32, #tpu.memory_space<vmem>>) offsets(%dma_start3A_269 : memref<96xi32, #tpu.memory_space<vmem>>) semaphore(%arg24 : memref<!tpu.dma_semaphore, #tpu.memory_space<semaphore_mem>>)
      } else {
      }
      %while3A_243 = arith.constant 0 : i32
      %while3A_244 = arith.subi %select_n3A_237, %scan3A_66#3 : i32
      %while3A_245 = arith.addi %scan3A_66#3, %while3A_244 : i32
      %while3A_246 = arith.constant 1 : i32
      %while3A_247 = arith.divsi %while3A_244, %while3A_246 : i32
      %while3A_248 = arith.muli %while3A_247, %while3A_246 : i32
      %while3A_249 = arith.addi %scan3A_66#3, %while3A_248 : i32
      %while3A_250 = arith.constant 1 : i32
      %while3A_251 = scf.for %while3A_268 = %scan3A_66#3 to %while3A_249 step %while3A_250 iter_args(%while3A_269 = %while3A_243) -> (i32)  : i32 {
        %rem3A_270 = arith.constant 2 : i32
        %rem3A_271 = arith.remsi %while3A_268, %rem3A_270 : i32
        %eq3A_272 = arith.constant 0 : i32
        %eq3A_273 = arith.cmpi eq, %rem3A_271, %eq3A_272 : i32
        %convert_element_type3A_274 = arith.extui %eq3A_273 : i1 to i32
        %cond3A_275 = arith.constant 0 : i32
        %cond3A_276 = arith.cmpi ne, %convert_element_type3A_274, %cond3A_275 : i32
        scf.if %cond3A_276 {
          %mul3A_298 = arith.constant 96 : i32
          %mul3A_299 = arith.muli %while3A_268, %mul3A_298 : i32
          %dma_wait3A = tpu.memref_slice %arg10[%mul3A_299] : memref<7920xi32, #tpu.memory_space<vmem>> -> memref<96xi32, #tpu.memory_space<vmem>>
          %dma_wait3A_300 = arith.constant 0 : i32
          %dma_wait3A_301 = arith.constant 0 : i32
          %dma_wait3A_302 = tpu.memref_slice %arg4[%dma_wait3A_300, %dma_wait3A_301] : memref<16384x128xf32, #tpu.memory_space<hbm>> -> memref<16384x128xf32, #tpu.memory_space<hbm>>
          tpu.wait_indirect_dma semaphore(%arg24 : memref<!tpu.dma_semaphore, #tpu.memory_space<semaphore_mem>>) src(%dma_wait3A_302 : memref<16384x128xf32, #tpu.memory_space<hbm>>) dst(%arg12 : memref<96x128xf32, #tpu.memory_space<vmem>>)
        } else {
        }
        %ne3A_277 = arith.constant 0 : i32
        %ne3A_278 = arith.cmpi ne, %rem3A_271, %ne3A_277 : i32
        %convert_element_type3A_279 = arith.extui %ne3A_278 : i1 to i32
        %cond3A_280 = arith.constant 0 : i32
        %cond3A_281 = arith.cmpi ne, %convert_element_type3A_279, %cond3A_280 : i32
        scf.if %cond3A_281 {
          %mul3A_298 = arith.constant 96 : i32
          %mul3A_299 = arith.muli %while3A_268, %mul3A_298 : i32
          %dma_wait3A = tpu.memref_slice %arg10[%mul3A_299] : memref<7920xi32, #tpu.memory_space<vmem>> -> memref<96xi32, #tpu.memory_space<vmem>>
          %dma_wait3A_300 = arith.constant 0 : i32
          %dma_wait3A_301 = arith.constant 0 : i32
          %dma_wait3A_302 = tpu.memref_slice %arg4[%dma_wait3A_300, %dma_wait3A_301] : memref<16384x128xf32, #tpu.memory_space<hbm>> -> memref<16384x128xf32, #tpu.memory_space<hbm>>
          tpu.wait_indirect_dma semaphore(%arg24 : memref<!tpu.dma_semaphore, #tpu.memory_space<semaphore_mem>>) src(%dma_wait3A_302 : memref<16384x128xf32, #tpu.memory_space<hbm>>) dst(%arg13 : memref<96x128xf32, #tpu.memory_space<vmem>>)
        } else {
        }
        %add3A_282 = arith.constant 1 : i32
        %add3A_283 = arith.addi %while3A_268, %add3A_282 : i32
        %lt3A = arith.cmpi slt, %add3A_283, %select_n3A_237 : i32
        %convert_element_type3A_284 = arith.extui %lt3A : i1 to i32
        %cond3A_285 = arith.constant 0 : i32
        %cond3A_286 = arith.cmpi ne, %convert_element_type3A_284, %cond3A_285 : i32
        scf.if %cond3A_286 {
          %add3A_298 = arith.constant 1 : i32
          %add3A_299 = arith.addi %while3A_268, %add3A_298 : i32
          %rem3A_300 = arith.constant 2 : i32
          %rem3A_301 = arith.remsi %add3A_299, %rem3A_300 : i32
          %add3A_302 = arith.constant 1 : i32
          %add3A_303 = arith.addi %while3A_268, %add3A_302 : i32
          %max3A_304 = arith.constant 1 : i32
          %max3A_305 = arith.maxsi %scan3A_66#2, %max3A_304 : i32
          %ge3A = arith.cmpi sge, %add3A_303, %max3A_305 : i32
          %convert_element_type3A_306 = arith.extui %ge3A : i1 to i32
          %cond3A_307 = arith.constant 0 : i32
          %cond3A_308 = arith.cmpi ne, %convert_element_type3A_306, %cond3A_307 : i32
          scf.if %cond3A_308 {
            %add3A_309 = arith.constant 1 : i32
            %add3A_310 = arith.addi %while3A_268, %add3A_309 : i32
            %ge3A_311 = arith.constant 2 : i32
            %ge3A_312 = arith.cmpi sge, %add3A_310, %ge3A_311 : i32
            %convert_element_type3A_313 = arith.extui %ge3A_312 : i1 to i32
            %cond3A_314 = arith.constant 0 : i32
            %cond3A_315 = arith.cmpi ne, %convert_element_type3A_313, %cond3A_314 : i32
            scf.if %cond3A_315 {
              %eq3A_326 = arith.constant 0 : i32
              %eq3A_327 = arith.cmpi eq, %rem3A_301, %eq3A_326 : i32
              %convert_element_type3A_328 = arith.extui %eq3A_327 : i1 to i32
              %cond3A_329 = arith.constant 0 : i32
              %cond3A_330 = arith.cmpi ne, %convert_element_type3A_328, %cond3A_329 : i32
              scf.if %cond3A_330 {
                %add3A_336 = arith.constant 1 : i32
                %add3A_337 = arith.addi %while3A_268, %add3A_336 : i32
                %sub3A_338 = arith.constant 2 : i32
                %sub3A_339 = arith.subi %add3A_337, %sub3A_338 : i32
                %mul3A_340 = arith.constant 96 : i32
                %mul3A_341 = arith.muli %sub3A_339, %mul3A_340 : i32
                %dma_wait3A = tpu.memref_slice %arg11[%mul3A_341] : memref<7920xi32, #tpu.memory_space<vmem>> -> memref<96xi32, #tpu.memory_space<vmem>>
                %dma_wait3A_342 = arith.constant 0 : i32
                %dma_wait3A_343 = arith.constant 0 : i32
                %dma_wait3A_344 = tpu.memref_slice %arg6[%dma_wait3A_342, %dma_wait3A_343] : memref<250000x128xf32, #tpu.memory_space<hbm>> -> memref<250000x128xf32, #tpu.memory_space<hbm>>
                tpu.wait_indirect_dma semaphore(%arg25 : memref<!tpu.dma_semaphore, #tpu.memory_space<semaphore_mem>>) src(%arg12 : memref<96x128xf32, #tpu.memory_space<vmem>>) dst(%dma_wait3A_344 : memref<250000x128xf32, #tpu.memory_space<hbm>>)
              } else {
              }
              %ne3A_331 = arith.constant 0 : i32
              %ne3A_332 = arith.cmpi ne, %rem3A_301, %ne3A_331 : i32
              %convert_element_type3A_333 = arith.extui %ne3A_332 : i1 to i32
              %cond3A_334 = arith.constant 0 : i32
              %cond3A_335 = arith.cmpi ne, %convert_element_type3A_333, %cond3A_334 : i32
              scf.if %cond3A_335 {
                %add3A_336 = arith.constant 1 : i32
                %add3A_337 = arith.addi %while3A_268, %add3A_336 : i32
                %sub3A_338 = arith.constant 2 : i32
                %sub3A_339 = arith.subi %add3A_337, %sub3A_338 : i32
                %mul3A_340 = arith.constant 96 : i32
                %mul3A_341 = arith.muli %sub3A_339, %mul3A_340 : i32
                %dma_wait3A = tpu.memref_slice %arg11[%mul3A_341] : memref<7920xi32, #tpu.memory_space<vmem>> -> memref<96xi32, #tpu.memory_space<vmem>>
                %dma_wait3A_342 = arith.constant 0 : i32
                %dma_wait3A_343 = arith.constant 0 : i32
                %dma_wait3A_344 = tpu.memref_slice %arg6[%dma_wait3A_342, %dma_wait3A_343] : memref<250000x128xf32, #tpu.memory_space<hbm>> -> memref<250000x128xf32, #tpu.memory_space<hbm>>
                tpu.wait_indirect_dma semaphore(%arg25 : memref<!tpu.dma_semaphore, #tpu.memory_space<semaphore_mem>>) src(%arg13 : memref<96x128xf32, #tpu.memory_space<vmem>>) dst(%dma_wait3A_344 : memref<250000x128xf32, #tpu.memory_space<hbm>>)
              } else {
              }
            } else {
            }
            %eq3A_316 = arith.constant 0 : i32
            %eq3A_317 = arith.cmpi eq, %rem3A_301, %eq3A_316 : i32
            %convert_element_type3A_318 = arith.extui %eq3A_317 : i1 to i32
            %cond3A_319 = arith.constant 0 : i32
            %cond3A_320 = arith.cmpi ne, %convert_element_type3A_318, %cond3A_319 : i32
            scf.if %cond3A_320 {
              %add3A_326 = arith.constant 1 : i32
              %add3A_327 = arith.addi %while3A_268, %add3A_326 : i32
              %mul3A_328 = arith.constant 96 : i32
              %mul3A_329 = arith.muli %add3A_327, %mul3A_328 : i32
              %dma_start3A_330 = tpu.memref_slice %arg10[%mul3A_329] : memref<7920xi32, #tpu.memory_space<vmem>> -> memref<96xi32, #tpu.memory_space<vmem>>
              %dma_start3A_331 = arith.constant 0 : i32
              %dma_start3A_332 = arith.constant 0 : i32
              %dma_start3A_333 = tpu.memref_slice %arg4[%dma_start3A_331, %dma_start3A_332] : memref<16384x128xf32, #tpu.memory_space<hbm>> -> memref<16384x128xf32, #tpu.memory_space<hbm>>
              tpu.enqueue_indirect_dma source(%dma_start3A_333 : memref<16384x128xf32, #tpu.memory_space<hbm>>) target(%arg12 : memref<96x128xf32, #tpu.memory_space<vmem>>) offsets(%dma_start3A_330 : memref<96xi32, #tpu.memory_space<vmem>>) semaphore(%arg24 : memref<!tpu.dma_semaphore, #tpu.memory_space<semaphore_mem>>)
            } else {
            }
            %ne3A_321 = arith.constant 0 : i32
            %ne3A_322 = arith.cmpi ne, %rem3A_301, %ne3A_321 : i32
            %convert_element_type3A_323 = arith.extui %ne3A_322 : i1 to i32
            %cond3A_324 = arith.constant 0 : i32
            %cond3A_325 = arith.cmpi ne, %convert_element_type3A_323, %cond3A_324 : i32
            scf.if %cond3A_325 {
              %add3A_326 = arith.constant 1 : i32
              %add3A_327 = arith.addi %while3A_268, %add3A_326 : i32
              %mul3A_328 = arith.constant 96 : i32
              %mul3A_329 = arith.muli %add3A_327, %mul3A_328 : i32
              %dma_start3A_330 = tpu.memref_slice %arg10[%mul3A_329] : memref<7920xi32, #tpu.memory_space<vmem>> -> memref<96xi32, #tpu.memory_space<vmem>>
              %dma_start3A_331 = arith.constant 0 : i32
              %dma_start3A_332 = arith.constant 0 : i32
              %dma_start3A_333 = tpu.memref_slice %arg4[%dma_start3A_331, %dma_start3A_332] : memref<16384x128xf32, #tpu.memory_space<hbm>> -> memref<16384x128xf32, #tpu.memory_space<hbm>>
              tpu.enqueue_indirect_dma source(%dma_start3A_333 : memref<16384x128xf32, #tpu.memory_space<hbm>>) target(%arg13 : memref<96x128xf32, #tpu.memory_space<vmem>>) offsets(%dma_start3A_330 : memref<96xi32, #tpu.memory_space<vmem>>) semaphore(%arg24 : memref<!tpu.dma_semaphore, #tpu.memory_space<semaphore_mem>>)
            } else {
            }
          } else {
          }
        } else {
        }
        %eq3A_287 = arith.constant 0 : i32
        %eq3A_288 = arith.cmpi eq, %rem3A_271, %eq3A_287 : i32
        %convert_element_type3A_289 = arith.extui %eq3A_288 : i1 to i32
        %cond3A_290 = arith.constant 0 : i32
        %cond3A_291 = arith.cmpi ne, %convert_element_type3A_289, %cond3A_290 : i32
        scf.if %cond3A_291 {
          %mul3A_298 = arith.constant 96 : i32
          %mul3A_299 = arith.muli %while3A_268, %mul3A_298 : i32
          %dma_start3A_300 = tpu.memref_slice %arg11[%mul3A_299] : memref<7920xi32, #tpu.memory_space<vmem>> -> memref<96xi32, #tpu.memory_space<vmem>>
          %dma_start3A_301 = arith.constant 0 : i32
          %dma_start3A_302 = arith.constant 0 : i32
          %dma_start3A_303 = tpu.memref_slice %arg6[%dma_start3A_301, %dma_start3A_302] : memref<250000x128xf32, #tpu.memory_space<hbm>> -> memref<250000x128xf32, #tpu.memory_space<hbm>>
          tpu.enqueue_indirect_dma source(%arg12 : memref<96x128xf32, #tpu.memory_space<vmem>>) target(%dma_start3A_303 : memref<250000x128xf32, #tpu.memory_space<hbm>>) offsets(%dma_start3A_300 : memref<96xi32, #tpu.memory_space<vmem>>) semaphore(%arg25 : memref<!tpu.dma_semaphore, #tpu.memory_space<semaphore_mem>>)
        } else {
        }
        %ne3A_292 = arith.constant 0 : i32
        %ne3A_293 = arith.cmpi ne, %rem3A_271, %ne3A_292 : i32
        %convert_element_type3A_294 = arith.extui %ne3A_293 : i1 to i32
        %cond3A_295 = arith.constant 0 : i32
        %cond3A_296 = arith.cmpi ne, %convert_element_type3A_294, %cond3A_295 : i32
        scf.if %cond3A_296 {
          %mul3A_298 = arith.constant 96 : i32
          %mul3A_299 = arith.muli %while3A_268, %mul3A_298 : i32
          %dma_start3A_300 = tpu.memref_slice %arg11[%mul3A_299] : memref<7920xi32, #tpu.memory_space<vmem>> -> memref<96xi32, #tpu.memory_space<vmem>>
          %dma_start3A_301 = arith.constant 0 : i32
          %dma_start3A_302 = arith.constant 0 : i32
          %dma_start3A_303 = tpu.memref_slice %arg6[%dma_start3A_301, %dma_start3A_302] : memref<250000x128xf32, #tpu.memory_space<hbm>> -> memref<250000x128xf32, #tpu.memory_space<hbm>>
          tpu.enqueue_indirect_dma source(%arg13 : memref<96x128xf32, #tpu.memory_space<vmem>>) target(%dma_start3A_303 : memref<250000x128xf32, #tpu.memory_space<hbm>>) offsets(%dma_start3A_300 : memref<96xi32, #tpu.memory_space<vmem>>) semaphore(%arg25 : memref<!tpu.dma_semaphore, #tpu.memory_space<semaphore_mem>>)
        } else {
        }
        %while3A_297 = arith.constant 0 : i32
        scf.yield %while3A_297 : i32
      }
      %while3A_252 = arith.constant 1 : i32
      %while3A_253 = scf.for %while3A_268 = %while3A_249 to %while3A_245 step %while3A_252 iter_args(%while3A_269 = %while3A_251) -> (i32)  : i32 {
        %rem3A_270 = arith.constant 2 : i32
        %rem3A_271 = arith.remsi %while3A_268, %rem3A_270 : i32
        %eq3A_272 = arith.constant 0 : i32
        %eq3A_273 = arith.cmpi eq, %rem3A_271, %eq3A_272 : i32
        %convert_element_type3A_274 = arith.extui %eq3A_273 : i1 to i32
        %cond3A_275 = arith.constant 0 : i32
        %cond3A_276 = arith.cmpi ne, %convert_element_type3A_274, %cond3A_275 : i32
        scf.if %cond3A_276 {
          %mul3A_298 = arith.constant 96 : i32
          %mul3A_299 = arith.muli %while3A_268, %mul3A_298 : i32
          %dma_wait3A = tpu.memref_slice %arg10[%mul3A_299] : memref<7920xi32, #tpu.memory_space<vmem>> -> memref<96xi32, #tpu.memory_space<vmem>>
          %dma_wait3A_300 = arith.constant 0 : i32
          %dma_wait3A_301 = arith.constant 0 : i32
          %dma_wait3A_302 = tpu.memref_slice %arg4[%dma_wait3A_300, %dma_wait3A_301] : memref<16384x128xf32, #tpu.memory_space<hbm>> -> memref<16384x128xf32, #tpu.memory_space<hbm>>
          tpu.wait_indirect_dma semaphore(%arg24 : memref<!tpu.dma_semaphore, #tpu.memory_space<semaphore_mem>>) src(%dma_wait3A_302 : memref<16384x128xf32, #tpu.memory_space<hbm>>) dst(%arg12 : memref<96x128xf32, #tpu.memory_space<vmem>>)
        } else {
        }
        %ne3A_277 = arith.constant 0 : i32
        %ne3A_278 = arith.cmpi ne, %rem3A_271, %ne3A_277 : i32
        %convert_element_type3A_279 = arith.extui %ne3A_278 : i1 to i32
        %cond3A_280 = arith.constant 0 : i32
        %cond3A_281 = arith.cmpi ne, %convert_element_type3A_279, %cond3A_280 : i32
        scf.if %cond3A_281 {
          %mul3A_298 = arith.constant 96 : i32
          %mul3A_299 = arith.muli %while3A_268, %mul3A_298 : i32
          %dma_wait3A = tpu.memref_slice %arg10[%mul3A_299] : memref<7920xi32, #tpu.memory_space<vmem>> -> memref<96xi32, #tpu.memory_space<vmem>>
          %dma_wait3A_300 = arith.constant 0 : i32
          %dma_wait3A_301 = arith.constant 0 : i32
          %dma_wait3A_302 = tpu.memref_slice %arg4[%dma_wait3A_300, %dma_wait3A_301] : memref<16384x128xf32, #tpu.memory_space<hbm>> -> memref<16384x128xf32, #tpu.memory_space<hbm>>
          tpu.wait_indirect_dma semaphore(%arg24 : memref<!tpu.dma_semaphore, #tpu.memory_space<semaphore_mem>>) src(%dma_wait3A_302 : memref<16384x128xf32, #tpu.memory_space<hbm>>) dst(%arg13 : memref<96x128xf32, #tpu.memory_space<vmem>>)
        } else {
        }
        %add3A_282 = arith.constant 1 : i32
        %add3A_283 = arith.addi %while3A_268, %add3A_282 : i32
        %lt3A = arith.cmpi slt, %add3A_283, %select_n3A_237 : i32
        %convert_element_type3A_284 = arith.extui %lt3A : i1 to i32
        %cond3A_285 = arith.constant 0 : i32
        %cond3A_286 = arith.cmpi ne, %convert_element_type3A_284, %cond3A_285 : i32
        scf.if %cond3A_286 {
          %add3A_298 = arith.constant 1 : i32
          %add3A_299 = arith.addi %while3A_268, %add3A_298 : i32
          %rem3A_300 = arith.constant 2 : i32
          %rem3A_301 = arith.remsi %add3A_299, %rem3A_300 : i32
          %add3A_302 = arith.constant 1 : i32
          %add3A_303 = arith.addi %while3A_268, %add3A_302 : i32
          %max3A_304 = arith.constant 1 : i32
          %max3A_305 = arith.maxsi %scan3A_66#2, %max3A_304 : i32
          %ge3A = arith.cmpi sge, %add3A_303, %max3A_305 : i32
          %convert_element_type3A_306 = arith.extui %ge3A : i1 to i32
          %cond3A_307 = arith.constant 0 : i32
          %cond3A_308 = arith.cmpi ne, %convert_element_type3A_306, %cond3A_307 : i32
          scf.if %cond3A_308 {
            %add3A_309 = arith.constant 1 : i32
            %add3A_310 = arith.addi %while3A_268, %add3A_309 : i32
            %ge3A_311 = arith.constant 2 : i32
            %ge3A_312 = arith.cmpi sge, %add3A_310, %ge3A_311 : i32
            %convert_element_type3A_313 = arith.extui %ge3A_312 : i1 to i32
            %cond3A_314 = arith.constant 0 : i32
            %cond3A_315 = arith.cmpi ne, %convert_element_type3A_313, %cond3A_314 : i32
            scf.if %cond3A_315 {
              %eq3A_326 = arith.constant 0 : i32
              %eq3A_327 = arith.cmpi eq, %rem3A_301, %eq3A_326 : i32
              %convert_element_type3A_328 = arith.extui %eq3A_327 : i1 to i32
              %cond3A_329 = arith.constant 0 : i32
              %cond3A_330 = arith.cmpi ne, %convert_element_type3A_328, %cond3A_329 : i32
              scf.if %cond3A_330 {
                %add3A_336 = arith.constant 1 : i32
                %add3A_337 = arith.addi %while3A_268, %add3A_336 : i32
                %sub3A_338 = arith.constant 2 : i32
                %sub3A_339 = arith.subi %add3A_337, %sub3A_338 : i32
                %mul3A_340 = arith.constant 96 : i32
                %mul3A_341 = arith.muli %sub3A_339, %mul3A_340 : i32
                %dma_wait3A = tpu.memref_slice %arg11[%mul3A_341] : memref<7920xi32, #tpu.memory_space<vmem>> -> memref<96xi32, #tpu.memory_space<vmem>>
                %dma_wait3A_342 = arith.constant 0 : i32
                %dma_wait3A_343 = arith.constant 0 : i32
                %dma_wait3A_344 = tpu.memref_slice %arg6[%dma_wait3A_342, %dma_wait3A_343] : memref<250000x128xf32, #tpu.memory_space<hbm>> -> memref<250000x128xf32, #tpu.memory_space<hbm>>
                tpu.wait_indirect_dma semaphore(%arg25 : memref<!tpu.dma_semaphore, #tpu.memory_space<semaphore_mem>>) src(%arg12 : memref<96x128xf32, #tpu.memory_space<vmem>>) dst(%dma_wait3A_344 : memref<250000x128xf32, #tpu.memory_space<hbm>>)
              } else {
              }
              %ne3A_331 = arith.constant 0 : i32
              %ne3A_332 = arith.cmpi ne, %rem3A_301, %ne3A_331 : i32
              %convert_element_type3A_333 = arith.extui %ne3A_332 : i1 to i32
              %cond3A_334 = arith.constant 0 : i32
              %cond3A_335 = arith.cmpi ne, %convert_element_type3A_333, %cond3A_334 : i32
              scf.if %cond3A_335 {
                %add3A_336 = arith.constant 1 : i32
                %add3A_337 = arith.addi %while3A_268, %add3A_336 : i32
                %sub3A_338 = arith.constant 2 : i32
                %sub3A_339 = arith.subi %add3A_337, %sub3A_338 : i32
                %mul3A_340 = arith.constant 96 : i32
                %mul3A_341 = arith.muli %sub3A_339, %mul3A_340 : i32
                %dma_wait3A = tpu.memref_slice %arg11[%mul3A_341] : memref<7920xi32, #tpu.memory_space<vmem>> -> memref<96xi32, #tpu.memory_space<vmem>>
                %dma_wait3A_342 = arith.constant 0 : i32
                %dma_wait3A_343 = arith.constant 0 : i32
                %dma_wait3A_344 = tpu.memref_slice %arg6[%dma_wait3A_342, %dma_wait3A_343] : memref<250000x128xf32, #tpu.memory_space<hbm>> -> memref<250000x128xf32, #tpu.memory_space<hbm>>
                tpu.wait_indirect_dma semaphore(%arg25 : memref<!tpu.dma_semaphore, #tpu.memory_space<semaphore_mem>>) src(%arg13 : memref<96x128xf32, #tpu.memory_space<vmem>>) dst(%dma_wait3A_344 : memref<250000x128xf32, #tpu.memory_space<hbm>>)
              } else {
              }
            } else {
            }
            %eq3A_316 = arith.constant 0 : i32
            %eq3A_317 = arith.cmpi eq, %rem3A_301, %eq3A_316 : i32
            %convert_element_type3A_318 = arith.extui %eq3A_317 : i1 to i32
            %cond3A_319 = arith.constant 0 : i32
            %cond3A_320 = arith.cmpi ne, %convert_element_type3A_318, %cond3A_319 : i32
            scf.if %cond3A_320 {
              %add3A_326 = arith.constant 1 : i32
              %add3A_327 = arith.addi %while3A_268, %add3A_326 : i32
              %mul3A_328 = arith.constant 96 : i32
              %mul3A_329 = arith.muli %add3A_327, %mul3A_328 : i32
              %dma_start3A_330 = tpu.memref_slice %arg10[%mul3A_329] : memref<7920xi32, #tpu.memory_space<vmem>> -> memref<96xi32, #tpu.memory_space<vmem>>
              %dma_start3A_331 = arith.constant 0 : i32
              %dma_start3A_332 = arith.constant 0 : i32
              %dma_start3A_333 = tpu.memref_slice %arg4[%dma_start3A_331, %dma_start3A_332] : memref<16384x128xf32, #tpu.memory_space<hbm>> -> memref<16384x128xf32, #tpu.memory_space<hbm>>
              tpu.enqueue_indirect_dma source(%dma_start3A_333 : memref<16384x128xf32, #tpu.memory_space<hbm>>) target(%arg12 : memref<96x128xf32, #tpu.memory_space<vmem>>) offsets(%dma_start3A_330 : memref<96xi32, #tpu.memory_space<vmem>>) semaphore(%arg24 : memref<!tpu.dma_semaphore, #tpu.memory_space<semaphore_mem>>)
            } else {
            }
            %ne3A_321 = arith.constant 0 : i32
            %ne3A_322 = arith.cmpi ne, %rem3A_301, %ne3A_321 : i32
            %convert_element_type3A_323 = arith.extui %ne3A_322 : i1 to i32
            %cond3A_324 = arith.constant 0 : i32
            %cond3A_325 = arith.cmpi ne, %convert_element_type3A_323, %cond3A_324 : i32
            scf.if %cond3A_325 {
              %add3A_326 = arith.constant 1 : i32
              %add3A_327 = arith.addi %while3A_268, %add3A_326 : i32
              %mul3A_328 = arith.constant 96 : i32
              %mul3A_329 = arith.muli %add3A_327, %mul3A_328 : i32
              %dma_start3A_330 = tpu.memref_slice %arg10[%mul3A_329] : memref<7920xi32, #tpu.memory_space<vmem>> -> memref<96xi32, #tpu.memory_space<vmem>>
              %dma_start3A_331 = arith.constant 0 : i32
              %dma_start3A_332 = arith.constant 0 : i32
              %dma_start3A_333 = tpu.memref_slice %arg4[%dma_start3A_331, %dma_start3A_332] : memref<16384x128xf32, #tpu.memory_space<hbm>> -> memref<16384x128xf32, #tpu.memory_space<hbm>>
              tpu.enqueue_indirect_dma source(%dma_start3A_333 : memref<16384x128xf32, #tpu.memory_space<hbm>>) target(%arg13 : memref<96x128xf32, #tpu.memory_space<vmem>>) offsets(%dma_start3A_330 : memref<96xi32, #tpu.memory_space<vmem>>) semaphore(%arg24 : memref<!tpu.dma_semaphore, #tpu.memory_space<semaphore_mem>>)
            } else {
            }
          } else {
          }
        } else {
        }
        %eq3A_287 = arith.constant 0 : i32
        %eq3A_288 = arith.cmpi eq, %rem3A_271, %eq3A_287 : i32
        %convert_element_type3A_289 = arith.extui %eq3A_288 : i1 to i32
        %cond3A_290 = arith.constant 0 : i32
        %cond3A_291 = arith.cmpi ne, %convert_element_type3A_289, %cond3A_290 : i32
        scf.if %cond3A_291 {
          %mul3A_298 = arith.constant 96 : i32
          %mul3A_299 = arith.muli %while3A_268, %mul3A_298 : i32
          %dma_start3A_300 = tpu.memref_slice %arg11[%mul3A_299] : memref<7920xi32, #tpu.memory_space<vmem>> -> memref<96xi32, #tpu.memory_space<vmem>>
          %dma_start3A_301 = arith.constant 0 : i32
          %dma_start3A_302 = arith.constant 0 : i32
          %dma_start3A_303 = tpu.memref_slice %arg6[%dma_start3A_301, %dma_start3A_302] : memref<250000x128xf32, #tpu.memory_space<hbm>> -> memref<250000x128xf32, #tpu.memory_space<hbm>>
          tpu.enqueue_indirect_dma source(%arg12 : memref<96x128xf32, #tpu.memory_space<vmem>>) target(%dma_start3A_303 : memref<250000x128xf32, #tpu.memory_space<hbm>>) offsets(%dma_start3A_300 : memref<96xi32, #tpu.memory_space<vmem>>) semaphore(%arg25 : memref<!tpu.dma_semaphore, #tpu.memory_space<semaphore_mem>>)
        } else {
        }
        %ne3A_292 = arith.constant 0 : i32
        %ne3A_293 = arith.cmpi ne, %rem3A_271, %ne3A_292 : i32
        %convert_element_type3A_294 = arith.extui %ne3A_293 : i1 to i32
        %cond3A_295 = arith.constant 0 : i32
        %cond3A_296 = arith.cmpi ne, %convert_element_type3A_294, %cond3A_295 : i32
        scf.if %cond3A_296 {
          %mul3A_298 = arith.constant 96 : i32
          %mul3A_299 = arith.muli %while3A_268, %mul3A_298 : i32
          %dma_start3A_300 = tpu.memref_slice %arg11[%mul3A_299] : memref<7920xi32, #tpu.memory_space<vmem>> -> memref<96xi32, #tpu.memory_space<vmem>>
          %dma_start3A_301 = arith.constant 0 : i32
          %dma_start3A_302 = arith.constant 0 : i32
          %dma_start3A_303 = tpu.memref_slice %arg6[%dma_start3A_301, %dma_start3A_302] : memref<250000x128xf32, #tpu.memory_space<hbm>> -> memref<250000x128xf32, #tpu.memory_space<hbm>>
          tpu.enqueue_indirect_dma source(%arg13 : memref<96x128xf32, #tpu.memory_space<vmem>>) target(%dma_start3A_303 : memref<250000x128xf32, #tpu.memory_space<hbm>>) offsets(%dma_start3A_300 : memref<96xi32, #tpu.memory_space<vmem>>) semaphore(%arg25 : memref<!tpu.dma_semaphore, #tpu.memory_space<semaphore_mem>>)
        } else {
        }
        %while3A_297 = arith.constant 0 : i32
        scf.yield %while3A_297 : i32
      }
      %min3A_254 = arith.constant 2 : i32
      %min3A_255 = arith.minsi %select_n3A_237, %min3A_254 : i32
      %while3A_256 = arith.constant 0 : i32
      %while3A_257 = arith.constant 0 : i32
      %while3A_258 = arith.subi %min3A_255, %while3A_256 : i32
      %while3A_259 = arith.addi %while3A_256, %while3A_258 : i32
      %while3A_260 = arith.constant 1 : i32
      %while3A_261 = arith.divsi %while3A_258, %while3A_260 : i32
      %while3A_262 = arith.muli %while3A_261, %while3A_260 : i32
      %while3A_263 = arith.addi %while3A_256, %while3A_262 : i32
      %while3A_264 = arith.constant 1 : i32
      %while3A_265 = scf.for %while3A_268 = %while3A_256 to %while3A_263 step %while3A_264 iter_args(%while3A_269 = %while3A_257) -> (i32)  : i32 {
        %sub3A_270 = arith.constant 2 : i32
        %sub3A_271 = arith.subi %select_n3A_237, %sub3A_270 : i32
        %max3A_272 = arith.constant 0 : i32
        %max3A_273 = arith.maxsi %sub3A_271, %max3A_272 : i32
        %add3A_274 = arith.addi %max3A_273, %while3A_268 : i32
        %lt3A = arith.cmpi slt, %add3A_274, %select_n3A_237 : i32
        %convert_element_type3A_275 = arith.extui %lt3A : i1 to i32
        %cond3A_276 = arith.constant 0 : i32
        %cond3A_277 = arith.cmpi ne, %convert_element_type3A_275, %cond3A_276 : i32
        scf.if %cond3A_277 {
          %rem3A_279 = arith.constant 2 : i32
          %rem3A_280 = arith.remsi %add3A_274, %rem3A_279 : i32
          %eq3A_281 = arith.constant 0 : i32
          %eq3A_282 = arith.cmpi eq, %rem3A_280, %eq3A_281 : i32
          %convert_element_type3A_283 = arith.extui %eq3A_282 : i1 to i32
          %cond3A_284 = arith.constant 0 : i32
          %cond3A_285 = arith.cmpi ne, %convert_element_type3A_283, %cond3A_284 : i32
          scf.if %cond3A_285 {
            %mul3A_291 = arith.constant 96 : i32
            %mul3A_292 = arith.muli %add3A_274, %mul3A_291 : i32
            %dma_wait3A = tpu.memref_slice %arg11[%mul3A_292] : memref<7920xi32, #tpu.memory_space<vmem>> -> memref<96xi32, #tpu.memory_space<vmem>>
            %dma_wait3A_293 = arith.constant 0 : i32
            %dma_wait3A_294 = arith.constant 0 : i32
            %dma_wait3A_295 = tpu.memref_slice %arg6[%dma_wait3A_293, %dma_wait3A_294] : memref<250000x128xf32, #tpu.memory_space<hbm>> -> memref<250000x128xf32, #tpu.memory_space<hbm>>
            tpu.wait_indirect_dma semaphore(%arg25 : memref<!tpu.dma_semaphore, #tpu.memory_space<semaphore_mem>>) src(%arg12 : memref<96x128xf32, #tpu.memory_space<vmem>>) dst(%dma_wait3A_295 : memref<250000x128xf32, #tpu.memory_space<hbm>>)
          } else {
          }
          %ne3A_286 = arith.constant 0 : i32
          %ne3A_287 = arith.cmpi ne, %rem3A_280, %ne3A_286 : i32
          %convert_element_type3A_288 = arith.extui %ne3A_287 : i1 to i32
          %cond3A_289 = arith.constant 0 : i32
          %cond3A_290 = arith.cmpi ne, %convert_element_type3A_288, %cond3A_289 : i32
          scf.if %cond3A_290 {
            %mul3A_291 = arith.constant 96 : i32
            %mul3A_292 = arith.muli %add3A_274, %mul3A_291 : i32
            %dma_wait3A = tpu.memref_slice %arg11[%mul3A_292] : memref<7920xi32, #tpu.memory_space<vmem>> -> memref<96xi32, #tpu.memory_space<vmem>>
            %dma_wait3A_293 = arith.constant 0 : i32
            %dma_wait3A_294 = arith.constant 0 : i32
            %dma_wait3A_295 = tpu.memref_slice %arg6[%dma_wait3A_293, %dma_wait3A_294] : memref<250000x128xf32, #tpu.memory_space<hbm>> -> memref<250000x128xf32, #tpu.memory_space<hbm>>
            tpu.wait_indirect_dma semaphore(%arg25 : memref<!tpu.dma_semaphore, #tpu.memory_space<semaphore_mem>>) src(%arg13 : memref<96x128xf32, #tpu.memory_space<vmem>>) dst(%dma_wait3A_295 : memref<250000x128xf32, #tpu.memory_space<hbm>>)
          } else {
          }
        } else {
        }
        %while3A_278 = arith.constant 0 : i32
        scf.yield %while3A_278 : i32
      }
      %while3A_266 = arith.constant 1 : i32
      %while3A_267 = scf.for %while3A_268 = %while3A_263 to %while3A_259 step %while3A_266 iter_args(%while3A_269 = %while3A_265) -> (i32)  : i32 {
        %sub3A_270 = arith.constant 2 : i32
        %sub3A_271 = arith.subi %select_n3A_237, %sub3A_270 : i32
        %max3A_272 = arith.constant 0 : i32
        %max3A_273 = arith.maxsi %sub3A_271, %max3A_272 : i32
        %add3A_274 = arith.addi %max3A_273, %while3A_268 : i32
        %lt3A = arith.cmpi slt, %add3A_274, %select_n3A_237 : i32
        %convert_element_type3A_275 = arith.extui %lt3A : i1 to i32
        %cond3A_276 = arith.constant 0 : i32
        %cond3A_277 = arith.cmpi ne, %convert_element_type3A_275, %cond3A_276 : i32
        scf.if %cond3A_277 {
          %rem3A_279 = arith.constant 2 : i32
          %rem3A_280 = arith.remsi %add3A_274, %rem3A_279 : i32
          %eq3A_281 = arith.constant 0 : i32
          %eq3A_282 = arith.cmpi eq, %rem3A_280, %eq3A_281 : i32
          %convert_element_type3A_283 = arith.extui %eq3A_282 : i1 to i32
          %cond3A_284 = arith.constant 0 : i32
          %cond3A_285 = arith.cmpi ne, %convert_element_type3A_283, %cond3A_284 : i32
          scf.if %cond3A_285 {
            %mul3A_291 = arith.constant 96 : i32
            %mul3A_292 = arith.muli %add3A_274, %mul3A_291 : i32
            %dma_wait3A = tpu.memref_slice %arg11[%mul3A_292] : memref<7920xi32, #tpu.memory_space<vmem>> -> memref<96xi32, #tpu.memory_space<vmem>>
            %dma_wait3A_293 = arith.constant 0 : i32
            %dma_wait3A_294 = arith.constant 0 : i32
            %dma_wait3A_295 = tpu.memref_slice %arg6[%dma_wait3A_293, %dma_wait3A_294] : memref<250000x128xf32, #tpu.memory_space<hbm>> -> memref<250000x128xf32, #tpu.memory_space<hbm>>
            tpu.wait_indirect_dma semaphore(%arg25 : memref<!tpu.dma_semaphore, #tpu.memory_space<semaphore_mem>>) src(%arg12 : memref<96x128xf32, #tpu.memory_space<vmem>>) dst(%dma_wait3A_295 : memref<250000x128xf32, #tpu.memory_space<hbm>>)
          } else {
          }
          %ne3A_286 = arith.constant 0 : i32
          %ne3A_287 = arith.cmpi ne, %rem3A_280, %ne3A_286 : i32
          %convert_element_type3A_288 = arith.extui %ne3A_287 : i1 to i32
          %cond3A_289 = arith.constant 0 : i32
          %cond3A_290 = arith.cmpi ne, %convert_element_type3A_288, %cond3A_289 : i32
          scf.if %cond3A_290 {
            %mul3A_291 = arith.constant 96 : i32
            %mul3A_292 = arith.muli %add3A_274, %mul3A_291 : i32
            %dma_wait3A = tpu.memref_slice %arg11[%mul3A_292] : memref<7920xi32, #tpu.memory_space<vmem>> -> memref<96xi32, #tpu.memory_space<vmem>>
            %dma_wait3A_293 = arith.constant 0 : i32
            %dma_wait3A_294 = arith.constant 0 : i32
            %dma_wait3A_295 = tpu.memref_slice %arg6[%dma_wait3A_293, %dma_wait3A_294] : memref<250000x128xf32, #tpu.memory_space<hbm>> -> memref<250000x128xf32, #tpu.memory_space<hbm>>
            tpu.wait_indirect_dma semaphore(%arg25 : memref<!tpu.dma_semaphore, #tpu.memory_space<semaphore_mem>>) src(%arg13 : memref<96x128xf32, #tpu.memory_space<vmem>>) dst(%dma_wait3A_295 : memref<250000x128xf32, #tpu.memory_space<hbm>>)
          } else {
          }
        } else {
        }
        %while3A_278 = arith.constant 0 : i32
        scf.yield %while3A_278 : i32
      }
    } else {
    }
    %eq3A_115 = arith.constant 0 : i32
    %eq3A_116 = arith.cmpi eq, %scan3A_66#0, %eq3A_115 : i32
    %convert_element_type3A_117 = arith.extui %eq3A_116 : i1 to i32
    %cond3A_118 = arith.constant 0 : i32
    %cond3A_119 = arith.cmpi ne, %convert_element_type3A_117, %cond3A_118 : i32
    scf.if %cond3A_119 {
      %not3A_128 = arith.constant true
      %not3A_129 = arith.xori %eq3A_6, %not3A_128 : i1
      %convert_element_type3A_130 = arith.extui %not3A_129 : i1 to i32
      %cond3A_131 = arith.constant 0 : i32
      %cond3A_132 = arith.cmpi ne, %convert_element_type3A_130, %cond3A_131 : i32
      scf.if %cond3A_132 {
        %dma_start3A_136 = tpu.memref_slice %arg7[%mul3A_2] : memref<250000xi32, #tpu.memory_space<hbm>> -> memref<7824xi32, #tpu.memory_space<hbm>>
        %dma_start3A_137 = tpu.memref_slice %arg7[%mul3A_2] : memref<250000xi32, #tpu.memory_space<hbm>> -> memref<7824xi32, #tpu.memory_space<hbm>>
        tpu.enqueue_dma source(%arg20 : memref<7824xi32, #tpu.memory_space<vmem>>) target(%dma_start3A_137 : memref<7824xi32, #tpu.memory_space<hbm>>) target_semaphore(%arg21 : memref<!tpu.dma_semaphore, #tpu.memory_space<semaphore_mem>>)
      } else {
      }
      %convert_element_type3A_133 = arith.extui %eq3A_6 : i1 to i32
      %cond3A_134 = arith.constant 0 : i32
      %cond3A_135 = arith.cmpi ne, %convert_element_type3A_133, %cond3A_134 : i32
      scf.if %cond3A_135 {
        %dma_start3A_136 = arith.constant 0 : i32
        %dma_start3A_137 = tpu.memref_slice %arg20[%dma_start3A_136] : memref<7824xi32, #tpu.memory_space<vmem>> -> memref<7456xi32, #tpu.memory_space<vmem>>
        %dma_start3A_138 = tpu.memref_slice %arg7[%mul3A_2] : memref<250000xi32, #tpu.memory_space<hbm>> -> memref<7456xi32, #tpu.memory_space<hbm>>
        %dma_start3A_139 = tpu.memref_slice %arg7[%mul3A_2] : memref<250000xi32, #tpu.memory_space<hbm>> -> memref<7456xi32, #tpu.memory_space<hbm>>
        %dma_start3A_140 = arith.constant 0 : i32
        %dma_start3A_141 = tpu.memref_slice %arg20[%dma_start3A_140] : memref<7824xi32, #tpu.memory_space<vmem>> -> memref<7456xi32, #tpu.memory_space<vmem>>
        tpu.enqueue_dma source(%dma_start3A_141 : memref<7456xi32, #tpu.memory_space<vmem>>) target(%dma_start3A_139 : memref<7456xi32, #tpu.memory_space<hbm>>) target_semaphore(%arg21 : memref<!tpu.dma_semaphore, #tpu.memory_space<semaphore_mem>>)
      } else {
      }
    } else {
    }
    %not3A_120 = arith.constant true
    %not3A_121 = arith.xori %eq3A_6, %not3A_120 : i1
    %convert_element_type3A_122 = arith.extui %not3A_121 : i1 to i32
    %cond3A_123 = arith.constant 0 : i32
    %cond3A_124 = arith.cmpi ne, %convert_element_type3A_122, %cond3A_123 : i32
    scf.if %cond3A_124 {
      %dma_wait3A = tpu.memref_slice %arg7[%mul3A_2] : memref<250000xi32, #tpu.memory_space<hbm>> -> memref<7824xi32, #tpu.memory_space<hbm>>
      %dma_wait3A_128 = tpu.memref_slice %arg7[%mul3A_2] : memref<250000xi32, #tpu.memory_space<hbm>> -> memref<7824xi32, #tpu.memory_space<hbm>>
      tpu.wait_dma2 semaphore(%arg21 : memref<!tpu.dma_semaphore, #tpu.memory_space<semaphore_mem>>) src(%arg20 : memref<7824xi32, #tpu.memory_space<vmem>>) dst(%dma_wait3A_128 : memref<7824xi32, #tpu.memory_space<hbm>>)
    } else {
    }
    %convert_element_type3A_125 = arith.extui %eq3A_6 : i1 to i32
    %cond3A_126 = arith.constant 0 : i32
    %cond3A_127 = arith.cmpi ne, %convert_element_type3A_125, %cond3A_126 : i32
    scf.if %cond3A_127 {
      %dma_wait3A = arith.constant 0 : i32
      %dma_wait3A_128 = tpu.memref_slice %arg20[%dma_wait3A] : memref<7824xi32, #tpu.memory_space<vmem>> -> memref<7456xi32, #tpu.memory_space<vmem>>
      %dma_wait3A_129 = tpu.memref_slice %arg7[%mul3A_2] : memref<250000xi32, #tpu.memory_space<hbm>> -> memref<7456xi32, #tpu.memory_space<hbm>>
      %dma_wait3A_130 = tpu.memref_slice %arg7[%mul3A_2] : memref<250000xi32, #tpu.memory_space<hbm>> -> memref<7456xi32, #tpu.memory_space<hbm>>
      %dma_wait3A_131 = arith.constant 0 : i32
      %dma_wait3A_132 = tpu.memref_slice %arg20[%dma_wait3A_131] : memref<7824xi32, #tpu.memory_space<vmem>> -> memref<7456xi32, #tpu.memory_space<vmem>>
      tpu.wait_dma2 semaphore(%arg21 : memref<!tpu.dma_semaphore, #tpu.memory_space<semaphore_mem>>) src(%dma_wait3A_132 : memref<7456xi32, #tpu.memory_space<vmem>>) dst(%dma_wait3A_130 : memref<7456xi32, #tpu.memory_space<hbm>>)
    } else {
    }
    return
  }
}

</mosaic_0001>

<sc_bundles>
// kernel: kernel.3.cloned.1.call-start
scs
__scs_entry_jumppad:
0x0: {  	(pc) =	sbr.rel $0x88, $3  }
0x1: {  	(tag) =	ssettag $0x0;
	lr =	simm.s32 $0x1  }
0x2: {  	[smem:$0x3F9D] =	sst lr;
	_ =	strace $0xD0000000  }
0x3: {  	_ = 	snop  }
0x4: {  	_ = 	snop  }
0x5: {  	_ = 	snop  }
0x6: {  	_ = 	snop  }
0x7: {  	_ = 	snop  }
__scs_overlays_trampoline_lowered:
0x8: {  	[smem:$0x3FAC] =	sst s0  }
0x9: {  	[smem:$0x3FAD] =	sst s1  }
0xa: {  	[smem:$0x3FAE] =	sst s2  }
0xb: {  	[smem:$0x3FAF] =	sst s3  }
0xc: {  	[smem:$0x3FB0] =	sst s4  }
0xd: {  	[smem:$0x3FB1] =	sst s5  }
0xe: {  	[smem:$0x3FB2] =	sst s6  }
0xf: {  	[smem:$0x3FB3] =	sst s7  }
0x10: {  	[smem:$0x3FB4] =	sst s8  }
0x11: {  	[smem:$0x3FB5] =	sst s9;
	s0 =	simm.s32 @!p0 $0x0  }
0x12: {  	s1 =	sld [smem:$0x3F9B];
	s0 =	simm.s32 @p0 $0x1  }
0x13: {  	[smem:$0x3FB6] =	sst s0;
	s0 =	simm.s32 @!p1 $0x0  }
0x14: {  	s2 =	sld [smem:$0x3F9A];
	s0 =	simm.s32 @p1 $0x1  }
0x15: {  	[smem:$0x3FB7] =	sst s0;
	s0 =	simm.s32 @!p2 $0x0  }
0x16: {  	s3 =	sld [smem:$0x3FDB];
	s0 =	simm.s32 @p2 $0x1  }
0x17: {  	s4 =	simm.s32 $0x1BF5;
	[smem:$0x3FB9] =	sst s0  }
0x18: {  	s0 =	sld [smem:$0x3F9C];
	_ =	swait.ge [sflag:s4], $0x0  }
0x19: {  	s7 =	sld [smem:$0x3F9D]  }
0x1a: {  	s8 =	sadd.s32 $0xFFFFE003, lr  }
0x1b: {  	s9 =	sadd.s32 $0xFFFFFEF7, lr;
	s5 =	simm.s32 $0xFFFFFFFF;
	p2 =	slt.u32 s8, $0xFFFFF086  }
0x1c: {  	p1 =	slt.u32 s9, $0xF7A;
	s5 =	simm.s32 @!p2 $0x0  }
0x1d: {  	s5 =	simm.s32 @p1 $0x1;
	p0 =	seq.s32 s7, s2  }
0x1e: {  	s7 =	smul.u32 @!p0 $0xF7A, s2;
	p2 =	seq.s32 @!p0 s5, $0x0  }
0x1f: {  	s9 =	smul.u32 $0xF7A, s1;
	s8 =	simm.s32 @!p0 $0x1BF5;
	p2 =	por !p2, p0  }
0x20: {  	[sflag:s8] =	ssyncset.s32 @!p0 $0xFFFFF086;
	s6 =	sadd.s32 @!p0 s3, s7;
	s7 =	simm.s32 @!p0 $0x108  }
0x21: {  	s3 =	sadd.s32 s3, s9;
	s6 =	sadd.s32 @!p0 $0x88, s6;
	s7 =	simm.s32 @p2 $0x1082  }
0x22: {  	[simem:s7], [sflag:s8] =	dma.local @!p0 [hbm:s6], $0xF7A  }
0x23: {  	s9 =	sor.u32 $0xD0000000, s2;
	s6 =	simm.s32 $0x108;
	_ =	swait.ge @!p0 [sflag:s8], $0x0  }
0x24: {  	s3 =	sadd.s32 $0x88, s3;
	s6 =	simm.s32 @!p1 $0x1082;
	[sflag:s4] =	ssyncset.s32 $0xFFFFF086  }
0x25: {  	[simem:s6], [sflag:s4] =	dma.local [hbm:s3], $0xF7A  }
0x26: {  	[smem:$0x3F9D] =	sst s1;
	(tag) =	ssettag s2;
	_ =	strace s9  }
0x27: {  	s1 =	sld [smem:$0x3FAD]  }
0x28: {  	s2 =	sld [smem:$0x3FAE]  }
0x29: {  	s4 =	sld [smem:$0x3FB0]  }
0x2a: {  	p0 =	seq.s32 s5, $0x0;
	s5 =	sld [smem:$0x3FB1]  }
0x2b: {  	s6 =	sld [smem:$0x3FB2]  }
0x2c: {  	s7 =	sld [smem:$0x3FB3]  }
0x2d: {  	s3 =	simm.s32 $0x108;
	s8 =	sld [smem:$0x3FB4]  }
0x2e: {  	s3 =	simm.s32 @!p0 $0x1082;
	s9 =	sld [smem:$0x3FB5]  }
0x2f: {  	lr =	sadd.s32 s0, s3;
	s0 =	sld [smem:$0x3FAC]  }
0x30: {  	s3 =	sld [smem:$0x3FAF]  }
0x31: {  	[smem:$0x3FB8] =	sst s10  }
0x32: {  	s10 =	sld [smem:$0x3FB6];
	_ =	sdelay $0x3  }
0x33: {  	p0 =	seq.s32 s10, $0x1;
	s10 =	sld [smem:$0x3FB8];
	_ =	sdelay $0x3  }
0x34: {  	[smem:$0x3FB8] =	sst s10  }
0x35: {  	s10 =	sld [smem:$0x3FB7];
	_ =	sdelay $0x3  }
0x36: {  	p1 =	seq.s32 s10, $0x1;
	s10 =	sld [smem:$0x3FB8];
	_ =	sdelay $0x3  }
0x37: {  	[smem:$0x3FB8] =	sst s10  }
0x38: {  	s10 =	sld [smem:$0x3FB9]  }
0x39: {  	_ = 	snop;
	(pc) =	sbr.ind lr, $3  }
0x3a: {  	_ = 	snop  }
0x3b: {  	_ = 	snop  }
0x3c: {  	p2 =	seq.s32 s10, $0x1;
	s10 =	sld [smem:$0x3FB8]  }
0x3d: {  	_ =	shalt  }
0x3e: {  	_ =	shalt  }
0x3f: {  	_ =	shalt  }
0x40: {  	_ =	shalt  }
0x41: {  	_ =	shalt  }
0x42: {  	_ =	shalt  }
0x43: {  	_ =	shalt  }
0x44: {  	_ =	shalt  }
0x45: {  	_ =	shalt  }
0x46: {  	_ =	shalt  }
0x47: {  	_ =	shalt  }
0x48: {  	_ =	shalt  }
0x49: {  	_ =	shalt  }
0x4a: {  	_ =	shalt  }
0x4b: {  	_ =	shalt  }
0x4c: {  	_ =	shalt  }
0x4d: {  	_ =	shalt  }
0x4e: {  	_ =	shalt  }
0x4f: {  	_ =	shalt  }
0x50: {  	_ =	shalt  }
0x51: {  	_ =	shalt  }
0x52: {  	_ =	shalt  }
0x53: {  	_ =	shalt  }
0x54: {  	_ =	shalt  }
0x55: {  	_ =	shalt  }
0x56: {  	_ =	shalt  }
0x57: {  	_ =	shalt  }
0x58: {  	_ =	shalt  }
0x59: {  	_ =	shalt  }
0x5a: {  	_ =	shalt  }
0x5b: {  	_ =	shalt  }
0x5c: {  	_ =	shalt  }
0x5d: {  	_ =	shalt  }
0x5e: {  	_ =	shalt  }
0x5f: {  	_ =	shalt  }
0x60: {  	_ =	shalt  }
0x61: {  	_ =	shalt  }
0x62: {  	_ =	shalt  }
0x63: {  	_ =	shalt  }
0x64: {  	_ =	shalt  }
0x65: {  	_ =	shalt  }
0x66: {  	_ =	shalt  }
0x67: {  	_ =	shalt  }
0x68: {  	_ =	shalt  }
0x69: {  	_ =	shalt  }
0x6a: {  	_ =	shalt  }
0x6b: {  	_ =	shalt  }
0x6c: {  	_ =	shalt  }
0x6d: {  	_ =	shalt  }
0x6e: {  	_ =	shalt  }
0x6f: {  	_ =	shalt  }
0x70: {  	_ =	shalt  }
0x71: {  	_ =	shalt  }
0x72: {  	_ =	shalt  }
0x73: {  	_ =	shalt  }
0x74: {  	_ =	shalt  }
0x75: {  	_ =	shalt  }
0x76: {  	_ =	shalt  }
0x77: {  	_ =	shalt  }
0x78: {  	_ =	shalt  }
0x79: {  	_ =	shalt  }
0x7a: {  	_ =	shalt  }
0x7b: {  	_ =	shalt  }
0x7c: {  	_ =	shalt  }
0x7d: {  	_ =	shalt  }
0x7e: {  	_ =	shalt  }
0x7f: {  	_ =	shalt  }
0x80: {  	_ =	shalt  }
0x81: {  	_ =	shalt  }
0x82: {  	_ =	shalt  }
0x83: {  	_ =	shalt  }
0x84: {  	_ =	shalt  }
0x85: {  	_ =	shalt  }
0x86: {  	_ =	shalt  }
0x87: {  	_ =	shalt  }
.Lfunc_end0:
.L_simem_size_0:
called_computation_lowered:
.L_overlay_start_0:
0x88: {  	s2 =	sld [smem:$0x3FD9]  }
0x89: {  	s3 =	sld [smem:$0x3FFE];
	_ =	sdelay $0x1  }
0x8a: {  	s1 =	srdreg.scid  }
0x8b: {  	s0 =	sand.u32 $0x1, s1  }
0x8c: {  	s15 =	sshll.u32 s0, $0xA;
	s2 =	sadd.s32 s3, s2  }
0x8d: {  	s2 =	sadd.s32 s2, s15  }
0x8e: {  	[smem:$0x3FC4] =	sst s2  }
0x8f: {  	_ = 	snop  }
0x90: {  	s2 =	sld [smem:$0x3FC9]  }
0x91: {  	s16 =	sld [smem:$0x3FD0]  }
0x92: {  	s4 =	sld [smem:$0x3FC8]  }
0x93: {  	s5 =	sld [smem:$0x3FC7]  }
0x94: {  	s7 =	simm.s32 $0xA;
	s8 =	simm.s32 $0x10;
	s6 =	sld [smem:$0x3FC6]  }
0x95: {  	[smem:s8], [sflag:s7] =	dma.local [hbm:s16], $0x1  }
0x96: {  	_ =	swait.eq [sflag:s7], $0x1  }
0x97: {  	[sflag:s7] =	ssyncset.done $0x0  }
0x98: {  	s17 =	sld [smem:$0x10];
	[sflag:s7] =	ssyncadd.s32 $0xFFFFFFFF  }
0x99: {  	s18 =	sld [smem:$0x11];
	(tm) =	ssettm $0x1  }
0x9a: {  	s19 =	sld [smem:$0x3FFB];
	_ =	sdelay $0x3  }
0x9b: {  	_ =	strace s19  }
0x9c: {  	s8 =	sld [smem:$0x3FFC];
	_ =	sdelay $0x3  }
0x9d: {  	_ =	strace s8  }
0x9e: {  	s8 =	sld [smem:$0x3FFD];
	_ =	sdelay $0x3  }
0x9f: {  	_ =	strace s8  }
0xa0: {  	_ =	strace $0x8FFFFFFF  }
0xa1: {  	s20 =	sld [smem:$0x3FDB];
	_ =	sdelay $0x1  }
0xa2: {  	s9 =	simm.s32 $_scs_section_size  }
0xa3: {  	s10 =	simm.s32 $_size__tile_overlayer_lowered;
	s11 =	simm.s32 $_tile_overlayer_lowered  }
0xa4: {  	s23 =	simm.s32 $0x1BFF;
	s22 =	sshll.u32 s11, $0x1;
	s8 =	sadd.s32 s9, s20  }
0xa5: {  	s12 =	simm.s32 $0x0;
	s21 =	sshll.u32 s10, $0x1;
	s10 =	sadd.s32 s22, s8  }
0xa6: {  	[timem:s12], [sflag:s23] =	dma.local [hbm:s10], s21  }
0xa7: {  	_ =	swait.ge [sflag:s23], s21  }
0xa8: {  	s9 =	ssub.s32 $0x0, s21;
	[sflag:s23] =	ssyncset.done $0x0  }
0xa9: {  	[sflag:s23] =	ssyncadd.s32 s9;
	_ =	sdelay $0x1  }
0xaa: {  	s24 =	simm.s32 $0x1B8B  }
0xab: {  	_ =	swait.ge [sflag:s24], $0x1  }
0xac: {  	[sflag:s24] =	ssyncset.done $0x0  }
0xad: {  	s25 =	simm.s32 $0x1B8E;
	[sflag:s24] =	ssyncadd.s32 $0xFFFFFFFF  }
0xae: {  	s26 =	simm.s32 $execute0_lowered;
	[smem:$0x3FD2] =	sst s25  }
0xaf: {  	s9 =	sshll.u32 s26, $0x1;
	_ =	strace $0x80000046;
	[dreg:$0x1] =	wrdreg $0xFFFFFFFF  }
0xb0: {  	s28 =	simm.s32 $_size_execute0_lowered;
	s8 =	sadd.s32 s8, s9;
	[dreg:$0x0] =	wrdreg $0x0  }
0xb1: {  	s9 =	sshll.u32 s28, $0x1;
	[dreg:$0x2] =	wrdreg s8  }
0xb2: {  	[dreg:$0x3] =	wrdreg s9  }
0xb3: {  	[dreg:$0x4] =	wrdreg $0xC0  }
0xb4: {  	_ =	task [dreg:s12], $0x5FFFF  }
0xb5: {  	[dreg:$0x1] =	wrdreg $0xFFFFFFFF  }
0xb6: {  	[dreg:$0x0] =	wrdreg $0x60  }
0xb7: {  	[dreg:$0x2] =	wrdreg s2  }
0xb8: {  	[dreg:$0x3] =	wrdreg s4  }
0xb9: {  	[dreg:$0x4] =	wrdreg s5  }
0xba: {  	[dreg:$0x5] =	wrdreg s6  }
0xbb: {  	[dreg:$0x6] =	wrdreg s17  }
0xbc: {  	[dreg:$0x7] =	wrdreg s18  }
0xbd: {  	[dreg:$0x8] =	wrdreg $0x9  }
0xbe: {  	_ =	task.clear_ibuf [dreg:s12], $0x9FFFF;
	_ =	strace $0x90000046  }
0xbf: {  	s29 =	simm.s32 $0x9;
	_ =	strace $0x80000048  }
0xc0: {  	_ =	swait.ge [sflag:s29], $0x1  }
0xc1: {  	[sflag:s29] =	ssyncadd.s32 $0xFFFFFFFF  }
0xc2: {  	_ =	strace $0x90000048  }
0xc3: {  	_ =	sfence  }
0xc4: {  	s30 =	sld [smem:$0x0];
	_ =	sdelay $0x2  }
0xc5: {  	s31 =	sshll.u32 s1, $0xD;
	s1 =	sshrl.u32 s1, $0x2  }
0xc6: {  	s3 =	sand.u32 $0x4000, s31;
	s1 =	sadd.s32 s1, s30  }
0xc7: {  	s0 =	sor.u32 s3, s0;
	s1 =	sshll.u32 s1, $0x11  }
0xc8: {  	s0 =	sor.u32 s1, s0  }
0xc9: {  	s0 =	sadd.s32 $0x8F2B, s0  }
0xca: {  	[sflag:s0] =	ssyncadd.remote.s32 $0x1  }
0xcb: {  	_ =	sfence.sel $0xFFFF  }
0xcc: {  	[dreg:$0x0] =	wrdreg $0xFFFFFFFF;
	(pc) =	sbr.abs _section_cstart, $3  }
0xcd: {  	[dreg:$0x1] =	wrdreg $0xFFFFFFFF  }
0xce: {  	_ =	task.clear_ibuf [dreg:s12], $0x2FFFF;
	_ =	strace $0x9FFFFFFF  }
0xcf: {  	(tm) =	ssettm $0x7FFFFFFF  }
tec
execute0_lowered:
.L_overlay_start_1:
0x0: {  	(tag) =	ssettag $0x1  }
0x1: {  	s0 =	rddreg [dreg:$0x0]  }
0x2: {  	s1 =	rddreg [dreg:$0x1]  }
0x3: {  	s2 =	rddreg [dreg:$0x2]  }
0x4: {  	s5 =	rddreg [dreg:$0x4];
	s3 =	srdreg.scid  }
0x5: {  	s12 =	stileid.u32;
	s4 =	rddreg [dreg:$0x5];
	s28 =	simm.s32 $0x3  }
0x6: {  	s29 =	simm.s32 $0x18D00;
	s30 =	simm.s32 $0x4;
	s31 =	simm.s32 $0x60  }
0x7: {  	s3 =	sand.u32 $0x1, s3;
	s6 =	sshll.u32 s12, $0x1;
	s13 =	sadd.s32 $0x766E, s1  }
0x8: {  	s14 =	sadd.s32 $0x3D0800, s0;
	s8 =	sor.u32 s3, s6;
	s24 =	smul.u32 $0x1E90, s3  }
0x9: {  	s15 =	sadd.s32 $0x3D0800, s5;
	s26 =	sadd.s32 $0x766E, s4;
	s7 =	smul.u32 $0x1E90, s8  }
0xa: {  	s6 =	simm.s32 $0x0;
	s9 =	ssub.s32 $0x2, s3;
	s11 =	smul.u32 $0xF4800, s8  }
0xb: {  	[smem:$0x7FF] =	sst s6;
	s10 =	sshrl.u32 s9, $0x1;
	s20 =	smul.u32 $0x1E900, s8  }
0xc: {  	p2 =	seq.s32 s8, $0x1F;
	s8 =	simm.s32 $0x9B;
	_ =	strace $0x80000047  }
0xd: {  	s9 =	ssub.s32 s9, s10;
	s8 =	simm.s32 @!p2 $0xA3;
	[dreg:$0xc] =	wrdreg s26  }
0xe: {  	s26 =	simm.s32 $0x1;
	s19 =	smin.u32 s7, $0x3B200;
	s11 =	sshrl.u32 s11, $0x3  }
0xf: {  	s10 =	sadd.s32 s0, s20;
	s17 =	sshrl.u32 s7, $0x3;
	s18 =	smax.u32 s9, $0x1  }
0x10: {  	s16 =	sadd.s32 $0x1E90, s19;
	s11 =	sadd.s32 s0, s11;
	[dreg:$0x7] =	wrdreg s10  }
0x11: {  	s19 =	smul.u32 $0x3D20, s12;
	s23 =	sadd.s32 s1, s17;
	s25 =	sadd.s32 s4, s17  }
.Ltmp0:
0x12: {  	s4 =	simm.s32 $0x0;
	[dreg:$0xa] =	wrdreg s23;
	(pc) =	sbr.rel .LBB2_1-.Ltmp0, $4  }
0x13: {  	s1 =	simm.s32 @!p2 $0x0;
	s21 =	sadd.s32 $0x300, s11;
	[dreg:$0xb] =	wrdreg s25  }
0x14: {  	s22 =	sadd.s32 $0x600, s11;
	s23 =	simm.s32 $0x6;
	[dreg:$0x8] =	wrdreg s21  }
0x15: {  	v1 =	vlaneseq.u32;
	v3 =	vimm.s32 $0xFFFFFFFF;
	s25 =	simm.s32 $0x2;
	s1 =	simm.s32 @p2 $0x1;
	[dreg:$0x9] =	wrdreg s22  }
0x16: {  	v4 =	vmul.u32 $0x4000, v1;
	v2 =	vmov s7;
	v0 =	vmov s16;
	s19 =	sadd.s32 s24, s19;
	s24 =	simm.s32 $0x4000;
	[smem:$0x7FD] =	sst s1  }
.LBB2_56:
0x17: {  	s1 =	rddreg [dreg:$0xc]  }
0x18: {  	[hbm4b:s1+s6] =	stream.linear.scatter [tilespmem:s29], [sflag:$0x1], $0x1D20, $0x38;
	[tilespmem:$0x1AC00] =	vst v63  }
.LBB2_57:
0x19: {  	_ =	swait.ge [sflag:s26], $0x1D20  }
0x1a: {  	[sflag:s26] =	ssyncset.done $0x0  }
0x1b: {  	[sflag:s26] =	ssyncadd.s32 $0xFFFFE2E0  }
.LBB2_58:
0x1c: {  	s4 =	sadd.s32 $0x1, s4  }
0x1d: {  	p0 =	sne.s32 s4, s18  }
.Ltmp1:
0x1e: {  	_ = 	snop;
	(pc) =	sbr.rel @!p0 .LBB2_59-.Ltmp1, $1  }
0x1f: {  	_ =	sdelay $0x3  }
.LBB2_1:
0x20: {  	s1 =	rddreg [dreg:$0x7];
	s3 =	simm.s32 $0xFD00  }
0x21: {  	[tilespmem:s3], [sflag:$0x2] =	stream.linear.gather [hbm4b:s1+s6], $0x1800, $0x38;
	[tilespmem:$0x1AC00] =	vst v63  }
0x22: {  	s16 =	rddreg [dreg:$0x8];
	s17 =	simm.s32 $0x11500  }
0x23: {  	[tilespmem:s17], [sflag:$0x2] =	stream.linear.gather [hbm4b:s16+s6], $0x1800, $0x38;
	[tilespmem:$0x1AC00] =	vst v63  }
0x24: {  	s20 =	rddreg [dreg:$0x9];
	s21 =	simm.s32 $0x12D00  }
0x25: {  	[tilespmem:s21], [sflag:$0x2] =	stream.linear.gather [hbm4b:s20+s6], $0x1800, $0x38;
	[tilespmem:$0x1AC00] =	vst v63  }
0x26: {  	s1 =	simm.s32 @p2 $0x0;
	s3 =	simm.s32 @p2 $0x18D00  }
0x27: {  	[tilespmem:s3], [sflag:$0x1] =	stream.linear.gather @p2 [hbm4b:s13+s1], $0x1D20, $0x38;
	[tilespmem:$0x1AC00] =	vst v63  }
0x28: {  	s9 =	rddreg [dreg:$0xa];
	s1 =	simm.s32 @!p2 $0x0;
	s3 =	simm.s32 @!p2 $0x18D00  }
0x29: {  	[tilespmem:s3], [sflag:$0x1] =	stream.linear.gather @!p2 [hbm4b:s9+s1], $0x1E90, $0x38;
	[tilespmem:$0x1AC00] =	vst v63  }
0x2a: {  	s22 =	rddreg [dreg:$0x3]  }
0x2b: {  	[tilespmem:s6], [sflag:$0x6] =	stream.linear.gather [hbm4b:s22+s6], $0x4000, $0x38;
	[tilespmem:$0x1AC00] =	vst v63  }
0x2c: {  	_ =	swait.ge [sflag:s23], $0x4000  }
0x2d: {  	[sflag:s23] =	ssyncset.done $0x0  }
0x2e: {  	s1 =	simm.s32 $0x4040;
	[sflag:s23] =	ssyncadd.s32 $0xFFFFC000  }
0x2f: {  	[tilespmem:s1+$0xFFFFFFC0] =	vst v3  }
0x30: {  	[tilespmem:s1+$0x30] =	vst v3  }
0x31: {  	[tilespmem:s1+$0x20] =	vst v3  }
0x32: {  	[tilespmem:s1+$0x10] =	vst v3  }
0x33: {  	[tilespmem:s1+$0x0] =	vst v3  }
0x34: {  	[tilespmem:s1+$0xFFFFFFF0] =	vst v3  }
0x35: {  	s3 =	simm.s32 $0x0;
	[tilespmem:s1+$0xFFFFFFE0] =	vst v3  }
.LBB2_2:
0x36: {  	s3 =	sadd.s32 $0x8, s3;
	[tilespmem:s1+$0xFFFFFFD0] =	vst v3;
	s1 =	sadd.s32 $0x80, s1  }
0x37: {  	[tilespmem:s1+$0xFFFFFFC0] =	vst v3;
	p0 =	slt.u32 s3, $0x1E0  }
0x38: {  	[tilespmem:s1+$0x30] =	vst v3  }
.Ltmp2:
0x39: {  	[tilespmem:s1+$0x20] =	vst v3;
	(pc) =	sbr.rel @p0 .LBB2_2-.Ltmp2, $4  }
0x3a: {  	[tilespmem:s1+$0x10] =	vst v3  }
0x3b: {  	[tilespmem:s1+$0x0] =	vst v3  }
0x3c: {  	[tilespmem:s1+$0xFFFFFFF0] =	vst v3  }
0x3d: {  	[tilespmem:s1+$0xFFFFFFE0] =	vst v3  }
.Ltmp3:
0x3e: {  	(pc) =	sbr.rel .LBB2_4-.Ltmp3, $4  }
0x3f: {  	_ = 	snop  }
0x40: {  	[tilespmem:s1+$0xFFFFFFD0] =	vst v3  }
0x41: {  	[tilespmem:$0x5E80] =	vst v3  }
0x42: {  	s1 =	simm.s32 $0x0;
	s3 =	simm.s32 $0x0;
	s16 =	simm.s32 $0x0;
	[tilespmem:$0x5E90] =	vst v3  }
.LBB2_16:
0x43: {  	s20 =	simm.s32 $0x15D00  }
.LBB2_18:
0x44: {  	s9 =	smul.u32 $0x30, s17;
	_ =	sdelay $0x1  }
0x45: {  	_ =	swait.ge [sflag:s25], $0x1800;
	s9 =	sadd.s32 s7, s9  }
0x46: {  	[sflag:s25] =	ssyncset.done $0x0;
	s9 =	sshll.u32 s9, $0x4  }
0x47: {  	[sflag:s25] =	ssyncadd.s32 $0xFFFFE800;
	s9 =	sadd.s32 s5, s9  }
0x48: {  	[hbm4b:s9+s6] =	stream.linear.scatter [tilespmem:s20], [sflag:$0x3], $0x1800, $0x38;
	[tilespmem:$0x1AC00] =	vst v63  }
.LBB2_19:
0x49: {  	s16 =	sadd.s32 $0x1, s16  }
0x4a: {  	p0 =	sne.s32 s16, $0x400  }
.Ltmp4:
0x4b: {  	_ = 	snop;
	(pc) =	sbr.rel @!p0 .LBB2_20-.Ltmp4, $2  }
0x4c: {  	_ =	sdelay $0x2  }
0x4d: {  	s3 =	sadd.s32 $0x10, s3;
	s1 =	sadd.s32 $0x10, s1  }
.LBB2_4:
0x4e: {  	v5 =	vld [tilespmem:s3+$0x0];
	_ =	sdelay $0x4  }
0x4f: {  	vm0 =	vge.s32 v5, v2;
	vm1 =	vlt.s32 v5, v0  }
0x50: {  	vm0 =	vmand vm0, vm1  }
0x51: {  	(xrf1) =	vunique.msk.u32 vm0, v5;
	_ =	sdelay $0xa  }
0x52: {  	s9 =	sand.u32 $0x7, s16  }
0x53: {  	p0 =	sne.s32 s9, $0x0  }
0x54: {  	s17 =	sshrl.u32 @!p0 s16, $0x3  }
0x55: {  	p1 =	sge.u32 @!p0 s17, s8;
	v5 =	vsub.s32 v5, v2;
	_, v6, vm15 =	vpop (xrf1)  }
0x56: {  	p0 =	por p0, p1;
	v5 =	vnsel vm0, $0x1E90, v5  }
.Ltmp5:
0x57: {  	_ = 	snop;
	(pc) =	sbr.rel @p0 .LBB2_19-.Ltmp5, $3  }
0x58: {  	_ =	sdelay $0x1  }
0x59: {  	v6 =	vor.u32 s1, v1  }
0x5a: {  	[tilespmem:v5+s24+$0x0] =	vst.idx.msk vm15, v6  }
0x5b: {  	p0 =	slt.u32 s16, $0x11  }
0x5c: {  	s9 =	sadd.s32 @!p0 $0xFFFFFFFD, s17  }
0x5d: {  	s20 =	smulhi.u32 @!p0 $0x2AAAAAAB, s9;
	s21 =	sshra.s32 @!p0 s9, $0x1F  }
0x5e: {  	s21 =	smul.u32 @!p0 $0x2AAAAAAB, s21;
	_ =	sdelay $0x1  }
0x5f: {  	s20 =	sadd.s32 @!p0 s21, s20  }
0x60: {  	s21 =	sshrl.u32 @!p0 s20, $0x1F  }
0x61: {  	s20 =	sadd.s32 @!p0 s21, s20  }
0x62: {  	s20 =	smul.u32 @!p0 $0x6, s20;
	_ =	sdelay $0x1  }
0x63: {  	s9 =	ssub.s32 @!p0 s9, s20  }
0x64: {  	s20 =	sadd.s32 $0x3, s17;
	p1 =	slt.s32 @!p0 s9, $0x0  }
0x65: {  	p0 =	por p1, p0;
	p1 =	sge.u32 s20, s8  }
.Ltmp6:
0x66: {  	_ = 	snop;
	(pc) =	sbr.rel @p1 .LBB2_7-.Ltmp6, $4  }
0x67: {  	s9 =	simm.s32 @!p0 $0x3  }
0x68: {  	_ =	swait.ge @!p0 [sflag:s9], $0x1800  }
0x69: {  	[sflag:s9] =	ssyncset.done @!p0 $0x0  }
0x6a: {  	[sflag:s9] =	ssyncadd.s32 @!p0 $0xFFFFE800  }
0x6b: {  	s9 =	smulhi.u32 $0x2AAAAAAB, s20;
	_ =	sdelay $0x1  }
0x6c: {  	s9 =	smul.u32 $0x6, s9;
	_ =	sdelay $0x1  }
0x6d: {  	s9 =	ssub.s32 s20, s9  }
0x6e: {  	p0 =	sgt.s32 s9, $0x2  }
0x6f: {  	p2 =	seq.s32 @p0 s9, $0x3;
	p1 =	seq.s32 @!p0 s9, $0x0  }
0x70: {  	s22 =	smul.u32 $0x30, s20;
	p3 =	por p2, !p0;
	p4 =	por p1, p0  }
0x71: {  	p3 =	seq.s32 @!p3 s9, $0x4;
	p4 =	seq.s32 @!p4 s9, $0x1  }
0x72: {  	s20 =	sadd.s32 s7, s22;
	p5 =	por @p0 p3, p2;
	p6 =	por @!p0 p4, p1  }
0x73: {  	p3 =	por @p0 !p3, p2;
	p4 =	por @!p0 !p4, p1;
	p5 =	por p5, !p0  }
0x74: {  	p2 =	por !p2, !p0;
	s21 =	simm.s32 @!p5 $0x17500;
	p5 =	por p6, p0  }
0x75: {  	p3 =	por !p3, !p0;
	p4 =	por !p4, p0;
	s9 =	simm.s32 @!p5 $0x12D00  }
0x76: {  	p1 =	por !p1, p0;
	s21 =	simm.s32 @p3 $0x15D00;
	s9 =	simm.s32 @p4 $0x11500  }
0x77: {  	s20 =	sshll.u32 s20, $0x4;
	s21 =	simm.s32 @!p2 $0x14500;
	s9 =	simm.s32 @!p1 $0xFD00  }
0x78: {  	s20 =	sadd.s32 s0, s20;
	s9 =	smov.u32 @p0 s21  }
0x79: {  	[tilespmem:s9], [sflag:$0x2] =	stream.linear.gather [hbm4b:s20+s6], $0x1800, $0x38;
	[tilespmem:$0x1AC00] =	vst v63  }
.LBB2_7:
0x7a: {  	s9 =	smulhi.u32 $0x2AAAAAAB, s17;
	_ =	sdelay $0x1  }
0x7b: {  	s9 =	smul.u32 $0x6, s9;
	_ =	sdelay $0x1  }
0x7c: {  	s9 =	ssub.s32 s17, s9  }
0x7d: {  	p0 =	sgt.s32 s9, $0x1  }
.Ltmp7:
0x7e: {  	_ = 	snop;
	(pc) =	sbr.rel @!p0 .LBB2_8-.Ltmp7, $1  }
0x7f: {  	_ =	sdelay $0x3  }
0x80: {  	p0 =	seq.s32 s9, $0x4  }
.Ltmp8:
0x81: {  	_ = 	snop;
	(pc) =	sbr.rel @p0 .LBB2_16-.Ltmp8, $1  }
0x82: {  	_ =	sdelay $0x3  }
0x83: {  	p0 =	seq.s32 s9, $0x3  }
.Ltmp9:
0x84: {  	_ = 	snop;
	(pc) =	sbr.rel @p0 .LBB2_15-.Ltmp9, $1  }
0x85: {  	_ =	sdelay $0x3  }
0x86: {  	p0 =	sne.s32 s9, $0x2  }
.Ltmp10:
0x87: {  	_ = 	snop;
	(pc) =	sbr.rel @p0 .LBB2_10-.Ltmp10, $1  }
0x88: {  	_ =	sdelay $0x3  }
.Ltmp11:
0x89: {  	(pc) =	sbr.rel .LBB2_18-.Ltmp11, $2  }
0x8a: {  	_ =	sdelay $0x2  }
0x8b: {  	s20 =	simm.s32 $0x12D00  }
.LBB2_8:
0x8c: {  	p0 =	seq.s32 s9, $0x0  }
.Ltmp12:
0x8d: {  	_ = 	snop;
	(pc) =	sbr.rel @p0 .LBB2_17-.Ltmp12, $1  }
0x8e: {  	_ =	sdelay $0x3  }
0x8f: {  	p0 =	seq.s32 s9, $0x1  }
.Ltmp13:
0x90: {  	_ = 	snop;
	(pc) =	sbr.rel @p0 .LBB2_18-.Ltmp13, $2  }
0x91: {  	_ =	sdelay $0x2  }
0x92: {  	s20 =	simm.s32 $0x11500  }
.LBB2_10:
.Ltmp14:
0x93: {  	(pc) =	sbr.rel .LBB2_18-.Ltmp14, $2  }
0x94: {  	_ =	sdelay $0x2  }
0x95: {  	s20 =	simm.s32 $0x17500  }
.LBB2_15:
.Ltmp15:
0x96: {  	(pc) =	sbr.rel .LBB2_18-.Ltmp15, $2  }
0x97: {  	_ =	sdelay $0x2  }
0x98: {  	s20 =	simm.s32 $0x14500  }
.LBB2_17:
.Ltmp16:
0x99: {  	(pc) =	sbr.rel .LBB2_18-.Ltmp16, $2  }
0x9a: {  	_ =	sdelay $0x2  }
0x9b: {  	s20 =	simm.s32 $0xFD00  }
.LBB2_20:
.Ltmp17:
0x9c: {  	(pc) =	sbr.rel .LBB2_21-.Ltmp17, $3  }
0x9d: {  	_ =	sdelay $0x1  }
0x9e: {  	s22 =	simm.s32 $0x4000;
	s20 =	simm.s32 $0x0;
	s16 =	simm.s32 $0x0  }
0x9f: {  	v5 =	vimm.s32 $0xFFFFFFFF;
	s3 =	simm.s32 $0x0;
	s1 =	simm.s32 $0x0;
	s17 =	simm.s32 $0x0  }
.LBB2_31:
0xa0: {  	s10 =	sld [smem:$0x7F5]  }
0xa1: {  	s12 =	sld [smem:$0x7F4];
	_ =	sdelay $0x2  }
0xa2: {  	s9 =	simm.s32 $0x15D00;
	p4 =	seq.s32 s10, $0x1;
	p5 =	seq.s32 s12, $0x1  }
.LBB2_33:
0xa3: {  	s10 =	smul.u32 $0x30, s20;
	_ =	sdelay $0x1  }
0xa4: {  	_ =	swait.ge [sflag:s25], $0x1800;
	s10 =	sadd.s32 s7, s10  }
0xa5: {  	[sflag:s25] =	ssyncset.done $0x0;
	s10 =	sshll.u32 s10, $0x4  }
0xa6: {  	[sflag:s25] =	ssyncadd.s32 $0xFFFFE800;
	s10 =	sadd.s32 s5, s10  }
0xa7: {  	[hbm4b:s10+s6] =	stream.linear.scatter [tilespmem:s9], [sflag:$0x3], $0x1800, $0x38;
	[tilespmem:$0x1AC00] =	vst v63  }
.LBB2_34:
0xa8: {  	v7 =	vmov s16;
	s17 =	sadd.s32 $0x1, s17  }
0xa9: {  	v7 =	vshll.u32 v7, $0xE;
	p0 =	sne.s32 s17, $0x1E9  }
.Ltmp18:
0xaa: {  	v7 =	vor.u32 v4, v7;
	(pc) =	sbr.rel @!p0 .LBB2_35-.Ltmp18, $4  }
0xab: {  	v7 =	vadd.s32 v7, v6;
	v6 =	vshra.s32 v6, $0x1F  }
0xac: {  	s9 =	simm.s32 $0x1;
	v6 =	vor.u32 v7, v6  }
0xad: {  	s9 =	simm.s32 @!p3 $0x0;
	vm0 =	vgt.s32 v5, v6  }
0xae: {  	s22 =	sadd.s32 $0x10, s22;
	s16 =	sadd.s32 $0x10, s16;
	s20 =	sadd.s32 s9, s21;
	v5 =	vsel vm0, v5, v6  }
.LBB2_21:
0xaf: {  	v6 =	vld [tilespmem:s22+$0x0];
	_ =	sdelay $0x4  }
0xb0: {  	vm0 =	vgt.s32 v6, $0xFFFFFFFF  }
0xb1: {  	v7 =	vmpcnt.ones.xlane vm0;
	_ =	sdelay $0x1  }
0xb2: {  	(v2sf) =	vpush v7, $0x0;
	_ =	sdelay $0xd  }
0xb3: {  	s9 =	sadd.s32 s16, s19;
	s10 =	smul.u32 $0x60, s3  }
0xb4: {  	s21 =	smov.u32 s20;
	[tilespmem:s1+$0x5F00] =	vst.msk vm0, v6;
	v7 =	vor.u32 s9, v1;
	s11 =	spop (v2sf)  }
0xb5: {  	s12 =	sadd.s32 $0x2, s21;
	s9 =	sadd.s32 $0x60, s10;
	[tilespmem:s1+$0x7E00] =	vst.msk vm0, v7;
	s1 =	sadd.s32 s1, s11  }
0xb6: {  	p1 =	slt.s32 s3, s12;
	p0 =	sle.s32 s9, s1  }
0xb7: {  	p0 =	por !p1, !p0  }
0xb8: {  	p0 =	por !p0, !p0  }
0xb9: {  	p1 =	slt.s32 @p0 s3, $0x2  }
0xba: {  	p1 =	por p1, !p0  }
0xbb: {  	s9 =	simm.s32 @!p1 $0x5  }
0xbc: {  	_ =	swait.ge @!p1 [sflag:s9], $0x3000  }
0xbd: {  	s10 =	sand.u32 @p0 $0x1, s3;
	s11 =	smul.u32 @p0 $0x180, s3;
	[sflag:s9] =	ssyncset.done @!p1 $0x0  }
0xbe: {  	[sflag:s9] =	ssyncadd.s32 @!p1 $0xFFFFD000;
	p1 =	seq.s32 @p0 s10, $0x1  }
0xbf: {  	s9 =	sshra.s32 @p0 s11, $0x2;
	s10 =	simm.s32 @p0 $0xCD00;
	p1 =	por !p1, !p0  }
0xc0: {  	s11 =	simm.s32 @p0 $0x60;
	s9 =	sadd.s32 @p0 $0x5F00, s9;
	s10 =	simm.s32 @p1 $0x9D00  }
0xc1: {  	[tilespmem:s10], [sflag:$0x4] =	stream.indirect.gather @p0 [hbm4b:s2+s11], $0x80, s9, s11, $0xb8;
	[tilespmem:$0x1AC00] =	vst v63  }
0xc2: {  	s9 =	simm.s32 $0x1  }
0xc3: {  	s9 =	simm.s32 @!p0 $0x0  }
0xc4: {  	s3 =	sadd.s32 s9, s3  }
0xc5: {  	p5 =	slt.u32 s17, $0x1C7;
	p4 =	sle.s32 s12, s3  }
0xc6: {  	p6 =	por !p5, !p4  }
0xc7: {  	p3 =	por !p6, !p6  }
0xc8: {  	s20 =	sand.u32 $0x7, s17;
	s9 =	simm.s32 @p3 $0x4;
	s10 =	sand.u32 @p3 $0x1, s21  }
0xc9: {  	s11 =	smul.u32 @p3 $0x180, s21;
	_ =	swait.ge @p3 [sflag:s9], $0x3000;
	p0 =	seq.s32 @p3 s10, $0x1  }
0xca: {  	s10 =	simm.s32 @p3 $0xCD00;
	[sflag:s9] =	ssyncset.done @p3 $0x0;
	p0 =	por !p0, !p3  }
0xcb: {  	[sflag:s9] =	ssyncadd.s32 @p3 $0xFFFFD000;
	s9 =	sshra.s32 @p3 s11, $0x2;
	s10 =	simm.s32 @p0 $0x9D00  }
0xcc: {  	s11 =	simm.s32 @p3 $0x60;
	p0 =	sne.s32 s20, $0x0;
	s9 =	sadd.s32 @p3 $0x7E00, s9  }
0xcd: {  	[hbm4b:s5+s11] =	stream.indirect.scatter @p3 [tilespmem:s10], [sflag:$0x5], $0x80, s9, s11, $0xb8;
	[tilespmem:$0x1AC00] =	vst v63  }
0xce: {  	s9 =	sshrl.u32 @!p0 s17, $0x3  }
0xcf: {  	s20 =	sor.u32 @!p0 $0x80, s9  }
0xd0: {  	p1 =	sge.u32 @!p0 s20, s8  }
0xd1: {  	p0 =	por p0, p1  }
.Ltmp19:
0xd2: {  	_ = 	snop;
	(pc) =	sbr.rel @p0 .LBB2_34-.Ltmp19, $1  }
0xd3: {  	_ =	sdelay $0x3  }
0xd4: {  	s10 =	simm.s32 @!p5 $0x0  }
0xd5: {  	s10 =	simm.s32 @p5 $0x1  }
0xd6: {  	s9 =	sadd.s32 $0x83, s9;
	[smem:$0x7F4] =	sst s10;
	s10 =	simm.s32 @!p4 $0x0  }
0xd7: {  	s10 =	simm.s32 @p4 $0x1;
	p4 =	sge.u32 s9, s8  }
0xd8: {  	[smem:$0x7F5] =	sst s10;
	s10 =	smul.u32 @!p4 $0xAB, s9  }
0xd9: {  	_ = 	snop  }
0xda: {  	s10 =	sshrl.u32 @!p4 s10, $0xA  }
0xdb: {  	s10 =	sand.u32 @!p4 $0x3F, s10  }
0xdc: {  	s10 =	smul.u32 @!p4 $0x6, s10;
	_ =	sdelay $0x1  }
0xdd: {  	s10 =	ssub.s32 @!p4 s9, s10  }
0xde: {  	s10 =	sand.u32 @!p4 $0xFF, s10  }
0xdf: {  	p6 =	sgt.s32 @!p4 s10, $0x2  }
0xe0: {  	p0 =	por !p6, p4  }
0xe1: {  	p2 =	seq.s32 @!p0 s10, $0x3  }
0xe2: {  	s11 =	simm.s32 @!p0 $0x0;
	p1 =	por @!p4 p2, !p6  }
0xe3: {  	s11 =	simm.s32 @p0 $0x1;
	p1 =	por p1, p4  }
0xe4: {  	[smem:$0x7FC] =	sst s11;
	s11 =	simm.s32 @!p2 $0x0;
	p1 =	seq.s32 @!p1 s10, $0x4  }
0xe5: {  	s11 =	simm.s32 @p2 $0x1;
	p2 =	por @!p0 !p1, p2  }
0xe6: {  	p5 =	por @!p4 p2, !p6  }
0xe7: {  	p5 =	por p5, p4  }
0xe8: {  	[smem:$0x7FA] =	sst s11;
	p0 =	por p6, p4;
	s11 =	simm.s32 @!p5 $0x0  }
0xe9: {  	p1 =	seq.s32 @!p0 s10, $0x0;
	s11 =	simm.s32 @p5 $0x1  }
0xea: {  	p5 =	por @!p4 p1, p6;
	[smem:$0x7F6] =	sst s11  }
0xeb: {  	s11 =	simm.s32 @!p5 $0x0;
	s12 =	sld [smem:$0x7F6]  }
0xec: {  	s11 =	simm.s32 @p5 $0x1  }
0xed: {  	[smem:$0x7F7] =	sst s11  }
0xee: {  	p5 =	seq.s32 s12, $0x1;
	s12 =	sld [smem:$0x7F7];
	_ =	sdelay $0x2  }
0xef: {  	s11 =	simm.s32 @!p5 $0x15D00;
	p5 =	seq.s32 s12, $0x1  }
0xf0: {  	p5 =	por p5, p4  }
0xf1: {  	s12 =	simm.s32 @!p5 $0x0  }
0xf2: {  	p2 =	por @!p4 !p2, !p6;
	s12 =	simm.s32 @p5 $0x1  }
0xf3: {  	[smem:$0x7F8] =	sst s12;
	s12 =	simm.s32 @!p2 $0x0  }
0xf4: {  	s12 =	simm.s32 @p2 $0x1  }
0xf5: {  	[smem:$0x7F9] =	sst s12  }
0xf6: {  	s12 =	sld [smem:$0x7F8]  }
0xf7: {  	s9 =	smul.u32 @!p4 $0x30, s9  }
0xf8: {  	_ =	swait.ge [sflag:s28], $0x1800  }
0xf9: {  	s9 =	sadd.s32 @!p4 s7, s9;
	p2 =	seq.s32 s12, $0x1;
	s12 =	sld [smem:$0x7F9]  }
0xfa: {  	s9 =	sshll.u32 @!p4 s9, $0x4  }
0xfb: {  	s9 =	sadd.s32 @!p4 s0, s9;
	[sflag:s28] =	ssyncset.done $0x0  }
0xfc: {  	[sflag:s28] =	ssyncadd.s32 $0xFFFFE800;
	p2 =	seq.s32 @!p2 s10, $0x1;
	p5 =	seq.s32 s12, $0x1  }
0xfd: {  	p0 =	por @!p0 !p2, p1;
	s12 =	sld [smem:$0x7FA];
	p2 =	por !p5, p4  }
0xfe: {  	[smem:$0x7FB] =	sst s1;
	s11 =	simm.s32 @p2 $0x17500;
	p2 =	por @!p4 p0, p6  }
0xff: {  	p1 =	por @!p4 !p1, p6;
	s1 =	sld [smem:$0x7FC];
	p2 =	por p2, p4  }
0x100: {  	p0 =	por @!p4 !p0, p6;
	s10 =	simm.s32 @!p2 $0x11500;
	p2 =	seq.s32 s12, $0x1  }
0x101: {  	p0 =	por !p0, p4;
	s12 =	smul.u32 $0xAB, s20;
	p2 =	por @!p4 !p2, !p6  }
0x102: {  	s10 =	simm.s32 @p0 $0x12D00;
	p0 =	por !p1, p4;
	p2 =	por !p2, p4  }
0x103: {  	s12 =	sshrl.u32 s12, $0xA;
	s10 =	simm.s32 @p0 $0xFD00;
	p0 =	seq.s32 s1, $0x1  }
0x104: {  	s1 =	sld [smem:$0x7FB];
	s11 =	simm.s32 @p2 $0x14500;
	s12 =	sand.u32 $0x3F, s12  }
0x105: {  	s11 =	smov.u32 @p0 s10;
	s10 =	simm.s32 @!p4 $0x0;
	s12 =	smul.u32 $0x6, s12  }
0x106: {  	[tilespmem:s11], [sflag:$0x2] =	stream.linear.gather @!p4 [hbm4b:s9+s10], $0x1800, $0x38;
	[tilespmem:$0x1AC00] =	vst v63  }
0x107: {  	s12 =	ssub.s32 s20, s12  }
0x108: {  	s9 =	sand.u32 $0xFF, s12  }
0x109: {  	p0 =	sgt.s32 s9, $0x1  }
.Ltmp20:
0x10a: {  	_ = 	snop;
	(pc) =	sbr.rel @!p0 .LBB2_23-.Ltmp20, $1  }
0x10b: {  	_ =	sdelay $0x3  }
0x10c: {  	p0 =	seq.s32 s9, $0x4  }
.Ltmp21:
0x10d: {  	_ = 	snop;
	(pc) =	sbr.rel @p0 .LBB2_31-.Ltmp21, $1  }
0x10e: {  	_ =	sdelay $0x3  }
0x10f: {  	p0 =	seq.s32 s9, $0x3  }
.Ltmp22:
0x110: {  	s10 =	sld [smem:$0x7F5];
	(pc) =	sbr.rel @p0 .LBB2_30-.Ltmp22, $2  }
0x111: {  	s12 =	sld [smem:$0x7F4];
	_ =	sdelay $0x2  }
0x112: {  	p4 =	seq.s32 s10, $0x1;
	p5 =	seq.s32 s12, $0x1  }
0x113: {  	p0 =	sne.s32 s9, $0x2  }
.Ltmp23:
0x114: {  	_ = 	snop;
	(pc) =	sbr.rel @p0 .LBB2_25-.Ltmp23, $1  }
0x115: {  	_ =	sdelay $0x3  }
.Ltmp24:
0x116: {  	(pc) =	sbr.rel .LBB2_33-.Ltmp24, $2  }
0x117: {  	_ =	sdelay $0x2  }
0x118: {  	s9 =	simm.s32 $0x12D00  }
.LBB2_23:
0x119: {  	p0 =	seq.s32 s9, $0x0  }
.Ltmp25:
0x11a: {  	_ = 	snop;
	(pc) =	sbr.rel @p0 .LBB2_32-.Ltmp25, $1  }
0x11b: {  	_ =	sdelay $0x3  }
0x11c: {  	p0 =	seq.s32 s9, $0x1  }
.Ltmp26:
0x11d: {  	s10 =	sld [smem:$0x7F5];
	(pc) =	sbr.rel @p0 .LBB2_33-.Ltmp26, $2  }
0x11e: {  	s12 =	sld [smem:$0x7F4];
	_ =	sdelay $0x2  }
0x11f: {  	s9 =	simm.s32 $0x11500;
	p4 =	seq.s32 s10, $0x1;
	p5 =	seq.s32 s12, $0x1  }
.LBB2_25:
.Ltmp27:
0x120: {  	(pc) =	sbr.rel .LBB2_33-.Ltmp27, $2  }
0x121: {  	_ =	sdelay $0x2  }
0x122: {  	s9 =	simm.s32 $0x17500  }
.LBB2_30:
.Ltmp28:
0x123: {  	(pc) =	sbr.rel .LBB2_33-.Ltmp28, $2  }
0x124: {  	_ =	sdelay $0x2  }
0x125: {  	s9 =	simm.s32 $0x14500  }
.LBB2_32:
.Ltmp29:
0x126: {  	s10 =	sld [smem:$0x7F5];
	(pc) =	sbr.rel .LBB2_33-.Ltmp29, $2  }
0x127: {  	s12 =	sld [smem:$0x7F4];
	_ =	sdelay $0x2  }
0x128: {  	s9 =	simm.s32 $0xFD00;
	p4 =	seq.s32 s10, $0x1;
	p5 =	seq.s32 s12, $0x1  }
.LBB2_35:
0x129: {  	v5 =	vxor.u32 $0x80000000, v5  }
0x12a: {  	(xrf0) =	vmax.scan.msk.u32 $0xffff, v5;
	_ =	sdelay $0x5  }
0x12b: {  	v5, _, _ =	vpop (xrf0)  }
0x12c: {  	(v2sf) =	vpush v5, $0xF;
	_ =	sdelay $0xe  }
0x12d: {  	s16 =	spop (v2sf)  }
0x12e: {  	_ =	swait.ge [sflag:s28], $0x1800  }
0x12f: {  	[sflag:s28] =	ssyncset.done $0x0  }
0x130: {  	[sflag:s28] =	ssyncadd.s32 $0xFFFFE800  }
0x131: {  	_ =	swait.ge [sflag:s28], $0x1800  }
0x132: {  	[sflag:s28] =	ssyncset.done $0x0  }
0x133: {  	[sflag:s28] =	ssyncadd.s32 $0xFFFFE800  }
0x134: {  	_ =	swait.ge [sflag:s28], $0x1800  }
0x135: {  	s9 =	sld [smem:$0x7FD];
	_ =	sdelay $0x1  }
0x136: {  	[sflag:s28] =	ssyncset.done $0x0  }
0x137: {  	[sflag:s28] =	ssyncadd.s32 $0xFFFFE800;
	p2 =	seq.s32 s9, $0x1  }
0x138: {  	s9 =	simm.s32 @p2 $0x0;
	s10 =	simm.s32 @p2 $0xFD00;
	s11 =	simm.s32 @p2 $0x6  }
0x139: {  	[tilespmem:s10], [sflag:$0x6] =	stream.linear.gather @p2 [hbm4b:s14+s9], $0x800, $0x38;
	[tilespmem:$0x1AC00] =	vst v63  }
0x13a: {  	_ =	swait.ge @p2 [sflag:s11], $0x800  }
0x13b: {  	[sflag:s11] =	ssyncset.done @p2 $0x0  }
0x13c: {  	[sflag:s11] =	ssyncadd.s32 @p2 $0xFFFFF800  }
0x13d: {  	[hbm4b:s15+s9] =	stream.linear.scatter @p2 [tilespmem:s10], [sflag:$0x6], $0x800, $0x38;
	[tilespmem:$0x1AC00] =	vst v63  }
0x13e: {  	_ =	swait.ge @p2 [sflag:s11], $0x800  }
0x13f: {  	[sflag:s11] =	ssyncset.done @p2 $0x0  }
0x140: {  	s9 =	simm.s32 @p2 $0x1;
	[sflag:s11] =	ssyncadd.s32 @p2 $0xFFFFF800  }
0x141: {  	p0 =	slt.s32 s1, $0x1;
	_ =	swait.ge @p2 [sflag:s9], $0x1D20  }
.Ltmp30:
0x142: {  	[sflag:s9] =	ssyncset.done @p2 $0x0;
	(pc) =	sbr.rel @p0 .LBB2_51-.Ltmp30, $4  }
0x143: {  	[sflag:s9] =	ssyncadd.s32 @p2 $0xFFFFE2E0;
	s9 =	simm.s32 @!p2 $0x1  }
0x144: {  	_ =	swait.ge @!p2 [sflag:s9], $0x1E90  }
0x145: {  	[sflag:s9] =	ssyncset.done @!p2 $0x0  }
0x146: {  	[sflag:s9] =	ssyncadd.s32 @!p2 $0xFFFFE170  }
0x147: {  	s10 =	sand.u32 $0x3FFF, s16  }
0x148: {  	s9 =	sshrl.u32 s16, $0xE;
	s16 =	sadd.s32 $0xF, s1;
	v5 =	vmov s10  }
0x149: {  	s9 =	sxor.u32 $0x20000, s9;
	s17 =	sand.u32 $0xF, s16;
	[tilespmem:s1+$0x5F00] =	vst v5  }
0x14a: {  	s22 =	sshra.s32 s16, $0x1F;
	p1 =	slt.s32 s16, $0x0;
	[tilespmem:s1+$0x5F10] =	vst v5;
	p0 =	sne.s32 s17, $0x0  }
0x14b: {  	s9 =	sadd.s32 s7, s9;
	[tilespmem:s1+$0x5F20] =	vst v5;
	s10 =	sshrl.u32 s22, $0x1C;
	p0 =	por !p1, !p0  }
0x14c: {  	[tilespmem:s1+$0x5F30] =	vst v5;
	v6 =	vmov s9;
	s9 =	sadd.s32 s10, s16;
	s10 =	simm.s32 $0x1;
	p0 =	por !p0, !p0  }
0x14d: {  	[tilespmem:s1+$0x5F40] =	vst v5;
	s9 =	sshra.s32 s9, $0x4;
	s10 =	simm.s32 @!p0 $0x0  }
0x14e: {  	[tilespmem:s1+$0x5F50] =	vst v5;
	s9 =	ssub.s32 s9, s10  }
0x14f: {  	[tilespmem:s1+$0x7E00] =	vst v6;
	p0 =	slt.s32 s9, $0x1  }
.Ltmp31:
0x150: {  	[tilespmem:s1+$0x7E10] =	vst v6;
	(pc) =	sbr.rel @p0 .LBB2_40-.Ltmp31, $4  }
0x151: {  	[tilespmem:s1+$0x7E20] =	vst v6  }
0x152: {  	[tilespmem:s1+$0x7E30] =	vst v6  }
0x153: {  	[tilespmem:s1+$0x7E40] =	vst v6  }
0x154: {  	s16 =	simm.s32 $0x7E00;
	[tilespmem:s1+$0x7E50] =	vst v6  }
0x155: {  	p0 =	sne.s32 s9, $0x1  }
.Ltmp32:
0x156: {  	_ = 	snop;
	(pc) =	sbr.rel @!p0 .LBB2_39-.Ltmp32, $2  }
0x157: {  	_ =	sdelay $0x2  }
0x158: {  	v5 =	vld [tilespmem:s16+$0x0];
	s17 =	sadd.s32 $0xFFFFFFFF, s9  }
.LBB2_38:
0x159: {  	p0 =	sne.s32 s17, $0x1;
	_ =	sdelay $0x3  }
0x15a: {  	v6 =	vsub.s32 v5, v2;
	_ =	sdelay $0x1  }
.Ltmp33:
0x15b: {  	(pc) =	sbr.rel @p0 .LBB2_38-.Ltmp33, $3  }
0x15c: {  	_ =	sdelay $0x1  }
0x15d: {  	s16 =	sadd.s32 $0x10, s16;
	[tilespmem:v6+s29+$0x0] =	vst.idx.msk $0xffff, v5  }
0x15e: {  	s17 =	sadd.s32 $0xFFFFFFFF, s17;
	v5 =	vld [tilespmem:s16+$0x0]  }
.LBB2_39:
0x15f: {  	_ =	sdelay $0x3  }
0x160: {  	v6 =	vsub.s32 v5, v2;
	_ =	sdelay $0x4  }
0x161: {  	[tilespmem:v6+s29+$0x0] =	vst.idx.msk $0xffff, v5  }
.LBB2_40:
0x162: {  	s9 =	simm.s32 @p2 $0x0;
	s10 =	simm.s32 @p2 $0x18D00;
	s11 =	rddreg [dreg:$0xc]  }
0x163: {  	[hbm4b:s11+s9] =	stream.linear.scatter @p2 [tilespmem:s10], [sflag:$0x1], $0x1D20, $0x38;
	[tilespmem:$0x1AC00] =	vst v63  }
0x164: {  	s9 =	sadd.s32 $0x5F, s1  }
0x165: {  	s12 =	simm.s32 @!p2 $0x0;
	s22 =	smulhi.u32 $0x2AAAAAAB, s9;
	s17 =	sshra.s32 s9, $0x1F  }
0x166: {  	s16 =	simm.s32 @!p2 $0x18D00;
	s11 =	smul.u32 $0x2AAAAAAB, s17;
	s17 =	rddreg [dreg:$0xb]  }
0x167: {  	[hbm4b:s17+s12] =	stream.linear.scatter @!p2 [tilespmem:s16], [sflag:$0x1], $0x1E90, $0x38;
	[tilespmem:$0x1AC00] =	vst v63  }
0x168: {  	s10 =	sadd.s32 s11, s22  }
0x169: {  	s11 =	sshrl.u32 s10, $0x1F;
	s10 =	sshra.s32 s10, $0x4  }
0x16a: {  	s10 =	sadd.s32 s11, s10  }
0x16b: {  	s11 =	smul.u32 $0xFFFFFFA0, s10  }
0x16c: {  	s22 =	ssub.s32 $0xFFFFFFA1, s1  }
0x16d: {  	p0 =	slt.s32 s9, $0x0;
	p1 =	sne.s32 s11, s22  }
0x16e: {  	p0 =	por !p0, !p1  }
0x16f: {  	s9 =	simm.s32 $0x1;
	p0 =	por !p0, !p0  }
0x170: {  	s9 =	simm.s32 @!p0 $0x0  }
0x171: {  	p0 =	sne.s32 s3, $0x0;
	s16 =	ssub.s32 s10, s9  }
0x172: {  	s9 =	simm.s32 @!p0 $0x60;
	s10 =	simm.s32 @!p0 $0x5F00;
	s11 =	simm.s32 @!p0 $0x9D00  }
0x173: {  	[tilespmem:s11], [sflag:$0x4] =	stream.indirect.gather @!p0 [hbm4b:s2+s9], $0x80, s10, s9, $0xb8;
	[tilespmem:$0x1AC00] =	vst v63  }
0x174: {  	p0 =	sge.s32 s20, s16  }
.Ltmp34:
0x175: {  	_ = 	snop;
	(pc) =	sbr.rel @p0 .LBB2_47-.Ltmp34, $1  }
0x176: {  	_ =	sdelay $0x3  }
0x177: {  	s10 =	sadd.s32 $0x1, s20  }
0x178: {  	p1 =	sge.s32 s10, s16  }
.Ltmp35:
0x179: {  	_ = 	snop;
	(pc) =	sbr.rel @p1 .LBB2_46-.Ltmp35, $4  }
0x17a: {  	_ = 	snop  }
0x17b: {  	s9 =	sand.u32 $0x1, s20;
	_ =	swait.ge [sflag:s30], $0x3000  }
0x17c: {  	p0 =	seq.s32 s9, $0x1;
	[sflag:s30] =	ssyncset.done $0x0  }
0x17d: {  	p3 =	por !p0, !p0;
	[sflag:s30] =	ssyncadd.s32 $0xFFFFD000  }
0x17e: {  	s9 =	simm.s32 $0x1;
	s10 =	simm.s32 $0x1  }
0x17f: {  	s9 =	simm.s32 @!p5 $0x0;
	s10 =	simm.s32 @!p4 $0x0  }
0x180: {  	s9 =	smin.u32 s9, s10  }
.Ltmp36:
0x181: {  	s22 =	sadd.s32 s9, s21;
	(pc) =	sbr.rel .LBB2_43-.Ltmp36, $3  }
0x182: {  	s9 =	smul.u32 $0x180, s22;
	_ =	sdelay $0x1  }
0x183: {  	p0 =	sgt.s32 s3, $0x1;
	s9 =	sshra.s32 s9, $0x2  }
0x184: {  	s3 =	simm.s32 @!p0 $0x1;
	s17 =	sadd.s32 $0x7E00, s9;
	s21 =	sadd.s32 $0x5F60, s9  }
.LBB2_45:
0x185: {  	s12 =	sand.u32 $0x1, s20  }
0x186: {  	s9 =	simm.s32 $0x9D00;
	s22 =	sadd.s32 $0x2, s22;
	p0 =	seq.s32 s12, $0x1  }
0x187: {  	s9 =	simm.s32 @!p3 $0xCD00;
	p3 =	por !p0, !p0;
	p0 =	slt.s32 s22, s16  }
.Ltmp37:
0x188: {  	_ = 	snop;
	(pc) =	sbr.rel @!p0 .LBB2_46-.Ltmp37, $4  }
0x189: {  	[hbm4b:s5+s31] =	stream.indirect.scatter [tilespmem:s9], [sflag:$0x5], $0x80, s17, s31, $0xb8;
	[tilespmem:$0x1AC00] =	vst v63  }
0x18a: {  	_ =	swait.ge [sflag:s30], $0x3000  }
0x18b: {  	s21 =	sadd.s32 $0x60, s21;
	[sflag:s30] =	ssyncset.done $0x0  }
0x18c: {  	s17 =	sadd.s32 $0x60, s17;
	s22 =	smov.u32 s20;
	[sflag:s30] =	ssyncadd.s32 $0xFFFFD000  }
.LBB2_43:
0x18d: {  	s20 =	sadd.s32 $0x1, s22  }
0x18e: {  	p0 =	slt.s32 s20, s3  }
.Ltmp38:
0x18f: {  	_ = 	snop;
	(pc) =	sbr.rel @p0 .LBB2_45-.Ltmp38, $1  }
0x190: {  	_ =	sdelay $0x3  }
0x191: {  	p0 =	seq.s32 s22, $0x0  }
.Ltmp39:
0x192: {  	s9 =	sand.u32 @!p0 $0x1, s22;
	s10 =	simm.s32 @!p0 $0x5;
	(pc) =	sbr.rel .LBB2_45-.Ltmp39, $4  }
0x193: {  	p1 =	seq.s32 @!p0 s9, $0x1;
	_ =	swait.ge @!p0 [sflag:s10], $0x3000  }
0x194: {  	s9 =	simm.s32 @!p0 $0x9D00;
	[sflag:s10] =	ssyncset.done @!p0 $0x0;
	p1 =	por p0, !p1  }
0x195: {  	[sflag:s10] =	ssyncadd.s32 @!p0 $0xFFFFD000;
	s9 =	simm.s32 @p1 $0xCD00  }
0x196: {  	[tilespmem:s9], [sflag:$0x4] =	stream.indirect.gather [hbm4b:s2+s31], $0x80, s21, s31, $0xb8;
	[tilespmem:$0x1AC00] =	vst v63  }
.LBB2_46:
0x197: {  	s3 =	smul.u32 $0x180, s20;
	s22 =	sld [smem:$0x7FD]  }
0x198: {  	_ = 	snop  }
0x199: {  	s9 =	simm.s32 $0x9D00;
	s3 =	sshra.s32 s3, $0x2  }
0x19a: {  	s9 =	simm.s32 @!p3 $0xCD00;
	s3 =	sadd.s32 $0x7E00, s3;
	p2 =	seq.s32 s22, $0x1  }
0x19b: {  	[hbm4b:s5+s31] =	stream.indirect.scatter [tilespmem:s9], [sflag:$0x5], $0x80, s3, s31, $0xb8;
	[tilespmem:$0x1AC00] =	vst v63  }
.LBB2_47:
0x19c: {  	p0 =	slt.s32 s16, $0x1  }
.Ltmp40:
0x19d: {  	_ = 	snop;
	(pc) =	sbr.rel @p0 .LBB2_51-.Ltmp40, $1  }
0x19e: {  	_ =	sdelay $0x3  }
0x19f: {  	s3 =	smin.u32 s16, $0x2  }
0x1a0: {  	s3 =	ssub.s32 $0x0, s3  }
0x1a1: {  	s9 =	sadd.s32 s3, s16;
	s3 =	sadd.s32 $0x1, s3  }
0x1a2: {  	p1 =	seq.s32 s3, $0x0  }
.Ltmp41:
0x1a3: {  	_ = 	snop;
	(pc) =	sbr.rel @p1 .LBB2_50-.Ltmp41, $4  }
0x1a4: {  	p0 =	sge.s32 s9, s16  }
0x1a5: {  	s9 =	simm.s32 @!p0 $0x5  }
0x1a6: {  	_ =	swait.ge @!p0 [sflag:s9], $0x3000  }
0x1a7: {  	[sflag:s9] =	ssyncset.done @!p0 $0x0  }
.LBB2_49:
0x1a8: {  	[sflag:s9] =	ssyncadd.s32 @!p0 $0xFFFFD000;
	s9 =	smov.u32 s3;
	s3 =	sadd.s32 $0x1, s3  }
0x1a9: {  	p1 =	seq.s32 s3, $0x0  }
.Ltmp42:
0x1aa: {  	s9 =	sadd.s32 s9, s16;
	(pc) =	sbr.rel @!p1 .LBB2_49-.Ltmp42, $4  }
0x1ab: {  	p0 =	sge.s32 s9, s16  }
0x1ac: {  	s9 =	simm.s32 @!p0 $0x5  }
0x1ad: {  	_ =	swait.ge @!p0 [sflag:s9], $0x3000  }
0x1ae: {  	[sflag:s9] =	ssyncset.done @!p0 $0x0  }
.LBB2_50:
0x1af: {  	[sflag:s9] =	ssyncadd.s32 @!p0 $0xFFFFD000  }
.LBB2_51:
0x1b0: {  	p0 =	sne.s32 s1, $0x0  }
.Ltmp43:
0x1b1: {  	_ = 	snop;
	(pc) =	sbr.rel @!p0 .LBB2_52-.Ltmp43, $1  }
0x1b2: {  	_ =	sdelay $0x3  }
.Ltmp44:
0x1b3: {  	(pc) =	sbr.rel @p2 .LBB2_57-.Ltmp44, $4  }
.Ltmp45:
0x1b4: {  	(pc) =	sbr.rel @!p2 .LBB2_55-.Ltmp45, $4  }
0x1b5: {  	_ = 	snop  }
0x1b6: {  	_ = 	snop  }
0x1b7: {  	_ = 	snop  }
0x1b8: {  	_ = 	snop  }
.LBB2_52:
.Ltmp46:
0x1b9: {  	(pc) =	sbr.rel @p2 .LBB2_56-.Ltmp46, $1  }
0x1ba: {  	_ =	sdelay $0x3  }
0x1bb: {  	s1 =	rddreg [dreg:$0xb]  }
0x1bc: {  	[hbm4b:s1+s6] =	stream.linear.scatter [tilespmem:s29], [sflag:$0x1], $0x1E90, $0x38;
	[tilespmem:$0x1AC00] =	vst v63  }
.LBB2_55:
.Ltmp47:
0x1bd: {  	(pc) =	sbr.rel .LBB2_58-.Ltmp47, $4  }
0x1be: {  	_ = 	snop  }
0x1bf: {  	_ =	swait.ge [sflag:s26], $0x1E90  }
0x1c0: {  	[sflag:s26] =	ssyncset.done $0x0  }
0x1c1: {  	[sflag:s26] =	ssyncadd.s32 $0xFFFFE170  }
.LBB2_59:
0x1c2: {  	_ =	sfence.sel $0x180000  }
0x1c3: {  	[bflag:$0x0] =	sbarrier.arrive $0xFFFF  }
0x1c4: {  	_ =	strace $0x90000047  }
0x1c5: {  	s0 =	stileid.u32;
	[bflag:$0x2] =	sbarrier.arrive $0xFFFF  }
0x1c6: {  	p0 =	sne.s32 s0, $0x0;
	s0 =	rddreg [dreg:$0x6]  }
0x1c7: {  	s0 =	sadd.s32 @!p0 $0x100000, s0  }
0x1c8: {  	[sflag:s0] =	ssyncadd.tile.s32 @!p0 $0x1;
	_ =	shalt  }
.Lfunc_end2:
_tile_overlayer_lowered:
.L_overlay_start_2:
0x1c9: {  	(tag) =	ssettag $0x2  }
0x1ca: {  	s0 =	rddreg [dreg:$0x0];
	s2 =	stileid.u32  }
0x1cb: {  	s1 =	rddreg [dreg:$0x1];
	p0 =	sne.s32 s2, $0x0  }
0x1cc: {  	s3 =	rddreg [dreg:$0x2];
	[bflag:$0x3] =	sbarrier.arrive $0xFFFF;
	s2 =	simm.s32 @!p0 $0x1C06  }
0x1cd: {  	[timem:s3], [sflag:s2] =	dma.local @!p0 [hbm:s0], s1  }
0x1ce: {  	s0 =	simm.s32 @!p0 $0x6  }
0x1cf: {  	_ =	swait.ge @!p0 [sflag:s0], s1  }
0x1d0: {  	s1 =	ssub.s32 @!p0 $0x0, s1;
	[sflag:s0] =	ssyncset.done @!p0 $0x0  }
0x1d1: {  	[sflag:s0] =	ssyncadd.s32 @!p0 s1  }
0x1d2: {  	[bflag:$0x3] =	sbarrier.arrive $0xFFFF  }
0x1d3: {  	_ =	shalt  }

</sc_bundles>
